<compile_context>
chip_gen: v7x
topology: tpu7x:2x2x1
jax: 0.10.2.dev20260603
libtpu: 0.0.44.dev20260713+nightly
codegen_flags: <defaults>
</compile_context>

<pallas_src>
import functools

import jax
import jax.numpy as jnp
from jax import lax
from jax.experimental import pallas as pl
from jax.experimental.pallas import tpu as pltpu
from jax.experimental.pallas import tpu_sc as plsc

_DIM = 128
_NC = 2
_NS = 16
_CHUNK = 64
_NBUF = 4
_HBATCH = 8


def _segsum_body(q_hbm, k_hbm, seg_hbm, z_hbm, qs_hbm, ks_hbm,
                 idx_v, b0, b1, b2, b3, accq_sh, acck_sh, s0, s1, s2, s3):
    c = lax.axis_index("c")
    s = lax.axis_index("s")
    wid = s * _NC + c
    bufs = (b0, b1, b2, b3)
    sems = (s0, s1, s2, s3)

    pltpu.sync_copy(seg_hbm.at[s], idx_v)
    pltpu.sync_copy(z_hbm, accq_sh.at[pl.ds(s * 128, 128)])
    pltpu.sync_copy(z_hbm, acck_sh.at[pl.ds(s * 128, 128)])

    n_chunks = q_hbm.shape[1] // _CHUNK
    full_groups = n_chunks // _NBUF
    tail = n_chunks % _NBUF

    def stream_tensor(x_hbm, acc_sh):
        for b in range(_NBUF):
            pltpu.async_copy(x_hbm.at[wid, pl.ds(b * _CHUNK, _CHUNK)],
                             bufs[b], sems[b])

        def outer(g, carry):
            for b in range(_NBUF):
                cc = g * _NBUF + b
                pltpu.make_async_copy(
                    x_hbm.at[wid, pl.ds(cc * _CHUNK, _CHUNK)],
                    bufs[b], sems[b]).wait()
                pltpu.sync_copy(bufs[b], acc_sh.at[idx_v.at[cc]], add=True)
                nxt = cc + _NBUF

                @pl.when(nxt < n_chunks)
                def _():
                    pltpu.async_copy(x_hbm.at[wid, pl.ds(nxt * _CHUNK, _CHUNK)],
                                     bufs[b], sems[b])
            return carry

        lax.fori_loop(0, full_groups, outer, 0)
        for b in range(tail):
            cc = full_groups * _NBUF + b
            pltpu.make_async_copy(
                x_hbm.at[wid, pl.ds(cc * _CHUNK, _CHUNK)],
                bufs[b], sems[b]).wait()
            pltpu.sync_copy(bufs[b], acc_sh.at[idx_v.at[cc]], add=True)

    stream_tensor(q_hbm, accq_sh)
    stream_tensor(k_hbm, acck_sh)

    pltpu.sync_copy(accq_sh.at[pl.ds(s * 128, 128)], qs_hbm.at[wid])
    pltpu.sync_copy(acck_sh.at[pl.ds(s * 128, 128)], ks_hbm.at[wid])


def _segsum_sc(q, k, seg_off, zeros):
    b_h, t, d = q.shape
    L = 128
    mesh = plsc.VectorSubcoreMesh(core_axis_name="c", subcore_axis_name="s")
    f = pl.kernel(
        _segsum_body,
        out_type=[jax.ShapeDtypeStruct((b_h, L, d), jnp.float32),
                  jax.ShapeDtypeStruct((b_h, L, d), jnp.float32)],
        mesh=mesh,
        scratch_types=[
            pltpu.VMEM((t // _CHUNK, _CHUNK), jnp.int32),
            pltpu.VMEM((_CHUNK, d), jnp.float32),
            pltpu.VMEM((_CHUNK, d), jnp.float32),
            pltpu.VMEM((_CHUNK, d), jnp.float32),
            pltpu.VMEM((_CHUNK, d), jnp.float32),
            pltpu.VMEM_SHARED((_NS * L, d), jnp.float32),
            pltpu.VMEM_SHARED((_NS * L, d), jnp.float32),
            pltpu.SemaphoreType.DMA,
            pltpu.SemaphoreType.DMA,
            pltpu.SemaphoreType.DMA,
            pltpu.SemaphoreType.DMA,
        ],
    )
    return f(q, k, seg_off, zeros)


def _meta_kernel(sizes_ref, segoff_ref, *, L, n_chunks):
    pos = (jax.lax.broadcasted_iota(jnp.int32, (n_chunks, _CHUNK), 0) * _CHUNK
           + jax.lax.broadcasted_iota(jnp.int32, (n_chunks, _CHUNK), 1))
    seg = jnp.zeros((n_chunks, _CHUNK), jnp.int32)
    tot = sizes_ref[0, 0] * 0
    for l in range(L):
        tot = tot + sizes_ref[0, l]
        seg = seg + (pos >= tot).astype(jnp.int32)
    for s in range(_NS):
        segoff_ref[s] = seg + s * L


def _meta_tc(sizes, t):
    num_samples, L = sizes.shape
    n_chunks = t // _CHUNK
    return pl.pallas_call(
        functools.partial(_meta_kernel, L=L, n_chunks=n_chunks),
        in_specs=[pl.BlockSpec((1, L), lambda: (0, 0))],
        out_specs=pl.BlockSpec((_NS, n_chunks, _CHUNK), lambda: (0, 0, 0)),
        out_shape=jax.ShapeDtypeStruct((_NS, n_chunks, _CHUNK), jnp.int32),
    )(sizes)


def _finish_kernel(topk_ref, qs_ref, ks_ref, out_ref, *, L):
    for h in range(_HBATCH):
        qs = qs_ref[h].astype(jnp.bfloat16)
        ks = ks_ref[h].astype(jnp.bfloat16)
        R = jax.lax.dot_general(qs, ks, (((1,), (1,)), ((), ())),
                                preferred_element_type=jnp.float32)
        R = R * jnp.float32(_DIM ** -0.5)
        R = R * topk_ref[...]
        m = jnp.max(R, axis=-1, keepdims=True)
        e = jnp.exp(R - m)
        ssum = jnp.sum(e, axis=-1, keepdims=True)
        sm = e / ssum
        msm = jnp.max(sm, axis=-1, keepdims=True)
        lidx = jax.lax.broadcasted_iota(jnp.int32, (L, L), 1)
        jstar = jnp.min(jnp.where(sm >= msm, lidx, L), axis=-1, keepdims=True)
        out_ref[h] = jnp.where(lidx == jstar, msm, 0.0)


def _finish_tc(qs, ks, topk_row):
    b_h, L, d = qs.shape
    return pl.pallas_call(
        functools.partial(_finish_kernel, L=L),
        grid=(b_h // _HBATCH,),
        in_specs=[
            pl.BlockSpec((1, L), lambda g: (0, 0)),
            pl.BlockSpec((_HBATCH, L, d), lambda g: (g, 0, 0)),
            pl.BlockSpec((_HBATCH, L, d), lambda g: (g, 0, 0)),
        ],
        out_specs=pl.BlockSpec((_HBATCH, L, L), lambda g: (g, 0, 0)),
        out_shape=jax.ShapeDtypeStruct((b_h, L, L), jnp.float32),
    )(topk_row, qs, ks)


def kernel(q, k, bucket_size, topk):
    b_h, t, d = q.shape
    num_samples, L = bucket_size.shape

    seg_off = _meta_tc(bucket_size.astype(jnp.int32), t)
    zeros = jnp.zeros((L, d), jnp.float32)

    qs, ks = _segsum_sc(q, k, seg_off, zeros)
    topk_row = jnp.full((1, L), topk, dtype=jnp.float32)
    return _finish_tc(qs, ks, topk_row)

# --- scband reference (transcript-rebuilt; emitter-appended) ---
"""Pipeline reference for scband-attention-sort-net-22265110463114 (READ-ONLY COPY).

The authoritative reference and input builder live on the scoring server;
editing this copy changes nothing except your own understanding.
"""

import jax, jax.numpy as jnp
import numpy as np

DIM = 128


def differentiable_topk(x, k, temperature=1.0):
    b = x.shape[:-2]
    n, dim = x.shape[-2], x.shape[-1]
    topk_tensors = []
    for i in range(k):
        sm = jax.nn.softmax(x / temperature, axis=-1)
        values, indices = jax.lax.top_k(sm, 1)
        oh = jax.nn.one_hot(indices[..., 0], dim, dtype=x.dtype)
        topks = oh * values
        topk_tensors.append(topks)
        if i != k - 1:
            x = jnp.where(oh > 0, -jnp.inf, x)
    out = jnp.concatenate(topk_tensors, axis=-1)
    return out.reshape(*b, k * n, dim)


def attention_sort_net_forward(q, k, bucket_size, topk):
    b_h, t, d_h = q.shape
    num_samples = bucket_size.shape[0]
    num_heads = b_h // num_samples
    L = bucket_size.shape[1]
    Rs = []
    for i in range(num_samples):
        sizes = bucket_size[i].astype(jnp.int32)
        bounds = jnp.cumsum(sizes)
        seg = jnp.searchsorted(bounds, jnp.arange(t, dtype=jnp.int32), side='right').astype(jnp.int32)
        q_h = q[i * num_heads:(i + 1) * num_heads, :t, :]
        k_h = k[i * num_heads:(i + 1) * num_heads, :t, :]
        seg_sum = lambda x: jax.ops.segment_sum(x, seg, num_segments=L)
        q_sums = jax.vmap(seg_sum)(q_h)
        k_sums = jax.vmap(seg_sum)(k_h)
        R = jnp.einsum('hie,hje->hij', q_sums, k_sums) * (DIM ** -0.5)
        Rs.append(R)
    all_R = jnp.concatenate(Rs, axis=0)
    all_R = all_R * jnp.asarray(topk, all_R.dtype)
    # non_permutative=True, n_sortcut=0 -> k = topk
    return differentiable_topk(all_R, k=1)


def setup_inputs(seed: int = 0):
    key = jax.random.key(seed)
    k1, k2 = jax.random.split(key)
    q = jax.random.normal(k1, (32, 8128, 128), dtype=jnp.float32)
    kk = jax.random.normal(k2, (32, 8128, 128), dtype=jnp.float32)
    bucket_size = jnp.arange(128, dtype=jnp.int32).reshape(1, 128)
    return {"q": q, "k": kk, "bucket_size": bucket_size, "topk": 1}


def reference(q, k, bucket_size, topk=1):
    return attention_sort_net_forward(q, k, bucket_size, topk)

if __name__ == "__main__":
    import jax
    _d = setup_inputs()
    print(jax.jit(kernel)(*tuple(_d.values())))

</pallas_src>

<mosaic_0001>
#map = affine_map<(d0, d1) -> (0, 0, 0)>
#map1 = affine_map<(d0, d1) -> (0, 0)>
module attributes {stable_mosaic.version = 14 : i64} {
  func.func @_segsum_body(%arg0: i32, %arg1: i32, %arg2: memref<32x8128x128xf32, #tpu.memory_space<hbm>>, %arg3: memref<32x8128x128xf32, #tpu.memory_space<hbm>>, %arg4: memref<16x127x64xi32, #tpu.memory_space<hbm>>, %arg5: memref<128x128xf32, #tpu.memory_space<hbm>>, %arg6: memref<32x128x128xf32, #tpu.memory_space<hbm>>, %arg7: memref<32x128x128xf32, #tpu.memory_space<hbm>>, %arg8: memref<127x64xi32, #tpu.memory_space<vmem>>, %arg9: memref<64x128xf32, #tpu.memory_space<vmem>>, %arg10: memref<64x128xf32, #tpu.memory_space<vmem>>, %arg11: memref<64x128xf32, #tpu.memory_space<vmem>>, %arg12: memref<64x128xf32, #tpu.memory_space<vmem>>, %arg13: memref<2048x128xf32, #tpu.memory_space<vmem_shared>>, %arg14: memref<2048x128xf32, #tpu.memory_space<vmem_shared>>, %arg15: memref<!tpu.dma_semaphore, #tpu.memory_space<semaphore_mem>>, %arg16: memref<!tpu.dma_semaphore, #tpu.memory_space<semaphore_mem>>, %arg17: memref<!tpu.dma_semaphore, #tpu.memory_space<semaphore_mem>>, %arg18: memref<!tpu.dma_semaphore, #tpu.memory_space<semaphore_mem>>) attributes {dimension_semantics = [#tpu.dimension_semantics<core_parallel>, #tpu.dimension_semantics<subcore_parallel>], iteration_bounds = array<i64: 2, 16>, scalar_prefetch = 0 : i64, scratch_operands = 11 : i64, tpu.core_type = #tpu.core_type<sc_vector_subcore>, window_params = [{transform_indices = #map}, {transform_indices = #map}, {transform_indices = #map}, {transform_indices = #map1}, {transform_indices = #map}, {transform_indices = #map}]} {
    %mul3A = arith.constant 2 : i32
    %mul3A_0 = arith.muli %arg1, %mul3A : i32
    %add3A = arith.addi %mul3A_0, %arg0 : i32
    "tpu.region"() ({
      %run_scoped3A_135 = tpu.sem_alloc : memref<!tpu.dma_semaphore, #tpu.memory_space<semaphore_mem>>
      %dma_start3A_136 = arith.constant 0 : i32
      %dma_start3A_137 = arith.constant 0 : i32
      %dma_start3A_138 = tpu.memref_slice %arg4[%arg1, %dma_start3A_136, %dma_start3A_137] : memref<16x127x64xi32, #tpu.memory_space<hbm>> -> memref<1x127x64xi32, #tpu.memory_space<hbm>>
      %dma_start3A_139 = tpu.memref_squeeze %dma_start3A_138 : memref<1x127x64xi32, #tpu.memory_space<hbm>> -> memref<127x64xi32, #tpu.memory_space<hbm>>
      %dma_start3A_140 = arith.constant 0 : i32
      %dma_start3A_141 = arith.constant 0 : i32
      %dma_start3A_142 = tpu.memref_slice %arg4[%arg1, %dma_start3A_140, %dma_start3A_141] : memref<16x127x64xi32, #tpu.memory_space<hbm>> -> memref<1x127x64xi32, #tpu.memory_space<hbm>>
      %dma_start3A_143 = tpu.memref_squeeze %dma_start3A_142 : memref<1x127x64xi32, #tpu.memory_space<hbm>> -> memref<127x64xi32, #tpu.memory_space<hbm>>
      tpu.enqueue_dma source(%dma_start3A_143 : memref<127x64xi32, #tpu.memory_space<hbm>>) target(%arg8 : memref<127x64xi32, #tpu.memory_space<vmem>>) target_semaphore(%run_scoped3A_135 : memref<!tpu.dma_semaphore, #tpu.memory_space<semaphore_mem>>)
      %dma_wait3A_144 = arith.constant 0 : i32
      %dma_wait3A_145 = arith.constant 0 : i32
      %dma_wait3A_146 = tpu.memref_slice %arg4[%arg1, %dma_wait3A_144, %dma_wait3A_145] : memref<16x127x64xi32, #tpu.memory_space<hbm>> -> memref<1x127x64xi32, #tpu.memory_space<hbm>>
      %dma_wait3A_147 = tpu.memref_squeeze %dma_wait3A_146 : memref<1x127x64xi32, #tpu.memory_space<hbm>> -> memref<127x64xi32, #tpu.memory_space<hbm>>
      %dma_wait3A_148 = arith.constant 0 : i32
      %dma_wait3A_149 = arith.constant 0 : i32
      %dma_wait3A_150 = tpu.memref_slice %arg4[%arg1, %dma_wait3A_148, %dma_wait3A_149] : memref<16x127x64xi32, #tpu.memory_space<hbm>> -> memref<1x127x64xi32, #tpu.memory_space<hbm>>
      %dma_wait3A_151 = tpu.memref_squeeze %dma_wait3A_150 : memref<1x127x64xi32, #tpu.memory_space<hbm>> -> memref<127x64xi32, #tpu.memory_space<hbm>>
      tpu.wait_dma2 semaphore(%run_scoped3A_135 : memref<!tpu.dma_semaphore, #tpu.memory_space<semaphore_mem>>) src(%dma_wait3A_151 : memref<127x64xi32, #tpu.memory_space<hbm>>) dst(%arg8 : memref<127x64xi32, #tpu.memory_space<vmem>>)
      tpu.yield
    }) : () -> ()
    %mul3A_1 = arith.constant 128 : i32
    %mul3A_2 = arith.muli %arg1, %mul3A_1 : i32
    "tpu.region"() ({
      %run_scoped3A_135 = tpu.sem_alloc : memref<!tpu.dma_semaphore, #tpu.memory_space<semaphore_mem>>
      %dma_start3A_136 = arith.constant 0 : i32
      %dma_start3A_137 = tpu.memref_slice %arg13[%mul3A_2, %dma_start3A_136] : memref<2048x128xf32, #tpu.memory_space<vmem_shared>> -> memref<128x128xf32, #tpu.memory_space<vmem_shared>>
      tpu.enqueue_dma source(%arg5 : memref<128x128xf32, #tpu.memory_space<hbm>>) target(%dma_start3A_137 : memref<128x128xf32, #tpu.memory_space<vmem_shared>>) target_semaphore(%run_scoped3A_135 : memref<!tpu.dma_semaphore, #tpu.memory_space<semaphore_mem>>)
      %dma_wait3A_138 = arith.constant 0 : i32
      %dma_wait3A_139 = tpu.memref_slice %arg13[%mul3A_2, %dma_wait3A_138] : memref<2048x128xf32, #tpu.memory_space<vmem_shared>> -> memref<128x128xf32, #tpu.memory_space<vmem_shared>>
      tpu.wait_dma2 semaphore(%run_scoped3A_135 : memref<!tpu.dma_semaphore, #tpu.memory_space<semaphore_mem>>) src(%arg5 : memref<128x128xf32, #tpu.memory_space<hbm>>) dst(%dma_wait3A_139 : memref<128x128xf32, #tpu.memory_space<vmem_shared>>)
      tpu.yield
    }) : () -> ()
    %mul3A_3 = arith.constant 128 : i32
    %mul3A_4 = arith.muli %arg1, %mul3A_3 : i32
    "tpu.region"() ({
      %run_scoped3A_135 = tpu.sem_alloc : memref<!tpu.dma_semaphore, #tpu.memory_space<semaphore_mem>>
      %dma_start3A_136 = arith.constant 0 : i32
      %dma_start3A_137 = tpu.memref_slice %arg14[%mul3A_4, %dma_start3A_136] : memref<2048x128xf32, #tpu.memory_space<vmem_shared>> -> memref<128x128xf32, #tpu.memory_space<vmem_shared>>
      tpu.enqueue_dma source(%arg5 : memref<128x128xf32, #tpu.memory_space<hbm>>) target(%dma_start3A_137 : memref<128x128xf32, #tpu.memory_space<vmem_shared>>) target_semaphore(%run_scoped3A_135 : memref<!tpu.dma_semaphore, #tpu.memory_space<semaphore_mem>>)
      %dma_wait3A_138 = arith.constant 0 : i32
      %dma_wait3A_139 = tpu.memref_slice %arg14[%mul3A_4, %dma_wait3A_138] : memref<2048x128xf32, #tpu.memory_space<vmem_shared>> -> memref<128x128xf32, #tpu.memory_space<vmem_shared>>
      tpu.wait_dma2 semaphore(%run_scoped3A_135 : memref<!tpu.dma_semaphore, #tpu.memory_space<semaphore_mem>>) src(%arg5 : memref<128x128xf32, #tpu.memory_space<hbm>>) dst(%dma_wait3A_139 : memref<128x128xf32, #tpu.memory_space<vmem_shared>>)
      tpu.yield
    }) : () -> ()
    %dma_start3A = arith.constant 0 : i32
    %dma_start3A_5 = arith.constant 0 : i32
    %dma_start3A_6 = tpu.memref_slice %arg2[%add3A, %dma_start3A, %dma_start3A_5] : memref<32x8128x128xf32, #tpu.memory_space<hbm>> -> memref<1x64x128xf32, #tpu.memory_space<hbm>>
    %dma_start3A_7 = tpu.memref_squeeze %dma_start3A_6 : memref<1x64x128xf32, #tpu.memory_space<hbm>> -> memref<64x128xf32, #tpu.memory_space<hbm>>
    %dma_start3A_8 = arith.constant 0 : i32
    %dma_start3A_9 = arith.constant 0 : i32
    %dma_start3A_10 = tpu.memref_slice %arg2[%add3A, %dma_start3A_8, %dma_start3A_9] : memref<32x8128x128xf32, #tpu.memory_space<hbm>> -> memref<1x64x128xf32, #tpu.memory_space<hbm>>
    %dma_start3A_11 = tpu.memref_squeeze %dma_start3A_10 : memref<1x64x128xf32, #tpu.memory_space<hbm>> -> memref<64x128xf32, #tpu.memory_space<hbm>>
    tpu.enqueue_dma source(%dma_start3A_11 : memref<64x128xf32, #tpu.memory_space<hbm>>) target(%arg9 : memref<64x128xf32, #tpu.memory_space<vmem>>) target_semaphore(%arg15 : memref<!tpu.dma_semaphore, #tpu.memory_space<semaphore_mem>>)
    %dma_start3A_12 = arith.constant 64 : i32
    %dma_start3A_13 = arith.constant 0 : i32
    %dma_start3A_14 = tpu.memref_slice %arg2[%add3A, %dma_start3A_12, %dma_start3A_13] : memref<32x8128x128xf32, #tpu.memory_space<hbm>> -> memref<1x64x128xf32, #tpu.memory_space<hbm>>
    %dma_start3A_15 = tpu.memref_squeeze %dma_start3A_14 : memref<1x64x128xf32, #tpu.memory_space<hbm>> -> memref<64x128xf32, #tpu.memory_space<hbm>>
    %dma_start3A_16 = arith.constant 64 : i32
    %dma_start3A_17 = arith.constant 0 : i32
    %dma_start3A_18 = tpu.memref_slice %arg2[%add3A, %dma_start3A_16, %dma_start3A_17] : memref<32x8128x128xf32, #tpu.memory_space<hbm>> -> memref<1x64x128xf32, #tpu.memory_space<hbm>>
    %dma_start3A_19 = tpu.memref_squeeze %dma_start3A_18 : memref<1x64x128xf32, #tpu.memory_space<hbm>> -> memref<64x128xf32, #tpu.memory_space<hbm>>
    tpu.enqueue_dma source(%dma_start3A_19 : memref<64x128xf32, #tpu.memory_space<hbm>>) target(%arg10 : memref<64x128xf32, #tpu.memory_space<vmem>>) target_semaphore(%arg16 : memref<!tpu.dma_semaphore, #tpu.memory_space<semaphore_mem>>)
    %dma_start3A_20 = arith.constant 128 : i32
    %dma_start3A_21 = arith.constant 0 : i32
    %dma_start3A_22 = tpu.memref_slice %arg2[%add3A, %dma_start3A_20, %dma_start3A_21] : memref<32x8128x128xf32, #tpu.memory_space<hbm>> -> memref<1x64x128xf32, #tpu.memory_space<hbm>>
    %dma_start3A_23 = tpu.memref_squeeze %dma_start3A_22 : memref<1x64x128xf32, #tpu.memory_space<hbm>> -> memref<64x128xf32, #tpu.memory_space<hbm>>
    %dma_start3A_24 = arith.constant 128 : i32
    %dma_start3A_25 = arith.constant 0 : i32
    %dma_start3A_26 = tpu.memref_slice %arg2[%add3A, %dma_start3A_24, %dma_start3A_25] : memref<32x8128x128xf32, #tpu.memory_space<hbm>> -> memref<1x64x128xf32, #tpu.memory_space<hbm>>
    %dma_start3A_27 = tpu.memref_squeeze %dma_start3A_26 : memref<1x64x128xf32, #tpu.memory_space<hbm>> -> memref<64x128xf32, #tpu.memory_space<hbm>>
    tpu.enqueue_dma source(%dma_start3A_27 : memref<64x128xf32, #tpu.memory_space<hbm>>) target(%arg11 : memref<64x128xf32, #tpu.memory_space<vmem>>) target_semaphore(%arg17 : memref<!tpu.dma_semaphore, #tpu.memory_space<semaphore_mem>>)
    %dma_start3A_28 = arith.constant 192 : i32
    %dma_start3A_29 = arith.constant 0 : i32
    %dma_start3A_30 = tpu.memref_slice %arg2[%add3A, %dma_start3A_28, %dma_start3A_29] : memref<32x8128x128xf32, #tpu.memory_space<hbm>> -> memref<1x64x128xf32, #tpu.memory_space<hbm>>
    %dma_start3A_31 = tpu.memref_squeeze %dma_start3A_30 : memref<1x64x128xf32, #tpu.memory_space<hbm>> -> memref<64x128xf32, #tpu.memory_space<hbm>>
    %dma_start3A_32 = arith.constant 192 : i32
    %dma_start3A_33 = arith.constant 0 : i32
    %dma_start3A_34 = tpu.memref_slice %arg2[%add3A, %dma_start3A_32, %dma_start3A_33] : memref<32x8128x128xf32, #tpu.memory_space<hbm>> -> memref<1x64x128xf32, #tpu.memory_space<hbm>>
    %dma_start3A_35 = tpu.memref_squeeze %dma_start3A_34 : memref<1x64x128xf32, #tpu.memory_space<hbm>> -> memref<64x128xf32, #tpu.memory_space<hbm>>
    tpu.enqueue_dma source(%dma_start3A_35 : memref<64x128xf32, #tpu.memory_space<hbm>>) target(%arg12 : memref<64x128xf32, #tpu.memory_space<vmem>>) target_semaphore(%arg18 : memref<!tpu.dma_semaphore, #tpu.memory_space<semaphore_mem>>)
    %scan3A = arith.constant 0 : i32
    %scan3A_36 = arith.constant 0 : i32
    %scan3A_37 = arith.constant 31 : i32
    %scan3A_38 = arith.addi %scan3A_36, %scan3A_37 : i32
    %scan3A_39 = arith.constant 1 : i32
    scf.for %scan3A_135 = %scan3A_36 to %scan3A_38 step %scan3A_39  : i32 {
      %mul3A_136 = arith.constant 4 : i32
      %mul3A_137 = arith.muli %scan3A_135, %mul3A_136 : i32
      %add3A_138 = arith.constant 0 : i32
      %add3A_139 = arith.addi %mul3A_137, %add3A_138 : i32
      %mul3A_140 = arith.constant 64 : i32
      %mul3A_141 = arith.muli %add3A_139, %mul3A_140 : i32
      %dma_wait3A_142 = arith.constant 0 : i32
      %dma_wait3A_143 = tpu.memref_slice %arg2[%add3A, %mul3A_141, %dma_wait3A_142] : memref<32x8128x128xf32, #tpu.memory_space<hbm>> -> memref<1x64x128xf32, #tpu.memory_space<hbm>>
      %dma_wait3A_144 = tpu.memref_squeeze %dma_wait3A_143 : memref<1x64x128xf32, #tpu.memory_space<hbm>> -> memref<64x128xf32, #tpu.memory_space<hbm>>
      %dma_wait3A_145 = arith.constant 0 : i32
      %dma_wait3A_146 = tpu.memref_slice %arg2[%add3A, %mul3A_141, %dma_wait3A_145] : memref<32x8128x128xf32, #tpu.memory_space<hbm>> -> memref<1x64x128xf32, #tpu.memory_space<hbm>>
      %dma_wait3A_147 = tpu.memref_squeeze %dma_wait3A_146 : memref<1x64x128xf32, #tpu.memory_space<hbm>> -> memref<64x128xf32, #tpu.memory_space<hbm>>
      tpu.wait_dma2 semaphore(%arg15 : memref<!tpu.dma_semaphore, #tpu.memory_space<semaphore_mem>>) src(%dma_wait3A_147 : memref<64x128xf32, #tpu.memory_space<hbm>>) dst(%arg9 : memref<64x128xf32, #tpu.memory_space<vmem>>)
      "tpu.region"() ({
        %run_scoped3A_209 = tpu.sem_alloc : memref<!tpu.dma_semaphore, #tpu.memory_space<semaphore_mem>>
        %dma_start3A_210 = arith.constant 0 : i32
        %dma_start3A_211 = tpu.memref_slice %arg8[%add3A_139, %dma_start3A_210] : memref<127x64xi32, #tpu.memory_space<vmem>> -> memref<1x64xi32, #tpu.memory_space<vmem>>
        %dma_start3A_212 = tpu.memref_squeeze %dma_start3A_211 : memref<1x64xi32, #tpu.memory_space<vmem>> -> memref<64xi32, #tpu.memory_space<vmem>>
        %dma_start3A_213 = arith.constant 0 : i32
        %dma_start3A_214 = arith.constant 0 : i32
        %dma_start3A_215 = tpu.memref_slice %arg13[%dma_start3A_213, %dma_start3A_214] : memref<2048x128xf32, #tpu.memory_space<vmem_shared>> -> memref<2048x128xf32, #tpu.memory_space<vmem_shared>>
        tpu.enqueue_indirect_dma source(%arg9 : memref<64x128xf32, #tpu.memory_space<vmem>>) target(%dma_start3A_215 : memref<2048x128xf32, #tpu.memory_space<vmem_shared>>) offsets(%dma_start3A_212 : memref<64xi32, #tpu.memory_space<vmem>>) semaphore(%run_scoped3A_209 : memref<!tpu.dma_semaphore, #tpu.memory_space<semaphore_mem>>) {add = true}
        %dma_wait3A_216 = arith.constant 0 : i32
        %dma_wait3A_217 = tpu.memref_slice %arg8[%add3A_139, %dma_wait3A_216] : memref<127x64xi32, #tpu.memory_space<vmem>> -> memref<1x64xi32, #tpu.memory_space<vmem>>
        %dma_wait3A_218 = tpu.memref_squeeze %dma_wait3A_217 : memref<1x64xi32, #tpu.memory_space<vmem>> -> memref<64xi32, #tpu.memory_space<vmem>>
        %dma_wait3A_219 = arith.constant 0 : i32
        %dma_wait3A_220 = arith.constant 0 : i32
        %dma_wait3A_221 = tpu.memref_slice %arg13[%dma_wait3A_219, %dma_wait3A_220] : memref<2048x128xf32, #tpu.memory_space<vmem_shared>> -> memref<2048x128xf32, #tpu.memory_space<vmem_shared>>
        tpu.wait_indirect_dma semaphore(%run_scoped3A_209 : memref<!tpu.dma_semaphore, #tpu.memory_space<semaphore_mem>>) src(%arg9 : memref<64x128xf32, #tpu.memory_space<vmem>>) dst(%dma_wait3A_221 : memref<2048x128xf32, #tpu.memory_space<vmem_shared>>)
        tpu.yield
      }) : () -> ()
      %add3A_148 = arith.constant 4 : i32
      %add3A_149 = arith.addi %add3A_139, %add3A_148 : i32
      %lt3A = arith.constant 127 : i32
      %lt3A_150 = arith.cmpi slt, %add3A_149, %lt3A : i32
      %convert_element_type3A = arith.extui %lt3A_150 : i1 to i32
      %cond3A = arith.constant 0 : i32
      %cond3A_151 = arith.cmpi ne, %convert_element_type3A, %cond3A : i32
      scf.if %cond3A_151 {
        %mul3A_209 = arith.constant 64 : i32
        %mul3A_210 = arith.muli %add3A_149, %mul3A_209 : i32
        %dma_start3A_211 = arith.constant 0 : i32
        %dma_start3A_212 = tpu.memref_slice %arg2[%add3A, %mul3A_210, %dma_start3A_211] : memref<32x8128x128xf32, #tpu.memory_space<hbm>> -> memref<1x64x128xf32, #tpu.memory_space<hbm>>
        %dma_start3A_213 = tpu.memref_squeeze %dma_start3A_212 : memref<1x64x128xf32, #tpu.memory_space<hbm>> -> memref<64x128xf32, #tpu.memory_space<hbm>>
        %dma_start3A_214 = arith.constant 0 : i32
        %dma_start3A_215 = tpu.memref_slice %arg2[%add3A, %mul3A_210, %dma_start3A_214] : memref<32x8128x128xf32, #tpu.memory_space<hbm>> -> memref<1x64x128xf32, #tpu.memory_space<hbm>>
        %dma_start3A_216 = tpu.memref_squeeze %dma_start3A_215 : memref<1x64x128xf32, #tpu.memory_space<hbm>> -> memref<64x128xf32, #tpu.memory_space<hbm>>
        tpu.enqueue_dma source(%dma_start3A_216 : memref<64x128xf32, #tpu.memory_space<hbm>>) target(%arg9 : memref<64x128xf32, #tpu.memory_space<vmem>>) target_semaphore(%arg15 : memref<!tpu.dma_semaphore, #tpu.memory_space<semaphore_mem>>)
      } else {
      }
      %mul3A_152 = arith.constant 4 : i32
      %mul3A_153 = arith.muli %scan3A_135, %mul3A_152 : i32
      %add3A_154 = arith.constant 1 : i32
      %add3A_155 = arith.addi %mul3A_153, %add3A_154 : i32
      %mul3A_156 = arith.constant 64 : i32
      %mul3A_157 = arith.muli %add3A_155, %mul3A_156 : i32
      %dma_wait3A_158 = arith.constant 0 : i32
      %dma_wait3A_159 = tpu.memref_slice %arg2[%add3A, %mul3A_157, %dma_wait3A_158] : memref<32x8128x128xf32, #tpu.memory_space<hbm>> -> memref<1x64x128xf32, #tpu.memory_space<hbm>>
      %dma_wait3A_160 = tpu.memref_squeeze %dma_wait3A_159 : memref<1x64x128xf32, #tpu.memory_space<hbm>> -> memref<64x128xf32, #tpu.memory_space<hbm>>
      %dma_wait3A_161 = arith.constant 0 : i32
      %dma_wait3A_162 = tpu.memref_slice %arg2[%add3A, %mul3A_157, %dma_wait3A_161] : memref<32x8128x128xf32, #tpu.memory_space<hbm>> -> memref<1x64x128xf32, #tpu.memory_space<hbm>>
      %dma_wait3A_163 = tpu.memref_squeeze %dma_wait3A_162 : memref<1x64x128xf32, #tpu.memory_space<hbm>> -> memref<64x128xf32, #tpu.memory_space<hbm>>
      tpu.wait_dma2 semaphore(%arg16 : memref<!tpu.dma_semaphore, #tpu.memory_space<semaphore_mem>>) src(%dma_wait3A_163 : memref<64x128xf32, #tpu.memory_space<hbm>>) dst(%arg10 : memref<64x128xf32, #tpu.memory_space<vmem>>)
      "tpu.region"() ({
        %run_scoped3A_209 = tpu.sem_alloc : memref<!tpu.dma_semaphore, #tpu.memory_space<semaphore_mem>>
        %dma_start3A_210 = arith.constant 0 : i32
        %dma_start3A_211 = tpu.memref_slice %arg8[%add3A_155, %dma_start3A_210] : memref<127x64xi32, #tpu.memory_space<vmem>> -> memref<1x64xi32, #tpu.memory_space<vmem>>
        %dma_start3A_212 = tpu.memref_squeeze %dma_start3A_211 : memref<1x64xi32, #tpu.memory_space<vmem>> -> memref<64xi32, #tpu.memory_space<vmem>>
        %dma_start3A_213 = arith.constant 0 : i32
        %dma_start3A_214 = arith.constant 0 : i32
        %dma_start3A_215 = tpu.memref_slice %arg13[%dma_start3A_213, %dma_start3A_214] : memref<2048x128xf32, #tpu.memory_space<vmem_shared>> -> memref<2048x128xf32, #tpu.memory_space<vmem_shared>>
        tpu.enqueue_indirect_dma source(%arg10 : memref<64x128xf32, #tpu.memory_space<vmem>>) target(%dma_start3A_215 : memref<2048x128xf32, #tpu.memory_space<vmem_shared>>) offsets(%dma_start3A_212 : memref<64xi32, #tpu.memory_space<vmem>>) semaphore(%run_scoped3A_209 : memref<!tpu.dma_semaphore, #tpu.memory_space<semaphore_mem>>) {add = true}
        %dma_wait3A_216 = arith.constant 0 : i32
        %dma_wait3A_217 = tpu.memref_slice %arg8[%add3A_155, %dma_wait3A_216] : memref<127x64xi32, #tpu.memory_space<vmem>> -> memref<1x64xi32, #tpu.memory_space<vmem>>
        %dma_wait3A_218 = tpu.memref_squeeze %dma_wait3A_217 : memref<1x64xi32, #tpu.memory_space<vmem>> -> memref<64xi32, #tpu.memory_space<vmem>>
        %dma_wait3A_219 = arith.constant 0 : i32
        %dma_wait3A_220 = arith.constant 0 : i32
        %dma_wait3A_221 = tpu.memref_slice %arg13[%dma_wait3A_219, %dma_wait3A_220] : memref<2048x128xf32, #tpu.memory_space<vmem_shared>> -> memref<2048x128xf32, #tpu.memory_space<vmem_shared>>
        tpu.wait_indirect_dma semaphore(%run_scoped3A_209 : memref<!tpu.dma_semaphore, #tpu.memory_space<semaphore_mem>>) src(%arg10 : memref<64x128xf32, #tpu.memory_space<vmem>>) dst(%dma_wait3A_221 : memref<2048x128xf32, #tpu.memory_space<vmem_shared>>)
        tpu.yield
      }) : () -> ()
      %add3A_164 = arith.constant 4 : i32
      %add3A_165 = arith.addi %add3A_155, %add3A_164 : i32
      %lt3A_166 = arith.constant 127 : i32
      %lt3A_167 = arith.cmpi slt, %add3A_165, %lt3A_166 : i32
      %convert_element_type3A_168 = arith.extui %lt3A_167 : i1 to i32
      %cond3A_169 = arith.constant 0 : i32
      %cond3A_170 = arith.cmpi ne, %convert_element_type3A_168, %cond3A_169 : i32
      scf.if %cond3A_170 {
        %mul3A_209 = arith.constant 64 : i32
        %mul3A_210 = arith.muli %add3A_165, %mul3A_209 : i32
        %dma_start3A_211 = arith.constant 0 : i32
        %dma_start3A_212 = tpu.memref_slice %arg2[%add3A, %mul3A_210, %dma_start3A_211] : memref<32x8128x128xf32, #tpu.memory_space<hbm>> -> memref<1x64x128xf32, #tpu.memory_space<hbm>>
        %dma_start3A_213 = tpu.memref_squeeze %dma_start3A_212 : memref<1x64x128xf32, #tpu.memory_space<hbm>> -> memref<64x128xf32, #tpu.memory_space<hbm>>
        %dma_start3A_214 = arith.constant 0 : i32
        %dma_start3A_215 = tpu.memref_slice %arg2[%add3A, %mul3A_210, %dma_start3A_214] : memref<32x8128x128xf32, #tpu.memory_space<hbm>> -> memref<1x64x128xf32, #tpu.memory_space<hbm>>
        %dma_start3A_216 = tpu.memref_squeeze %dma_start3A_215 : memref<1x64x128xf32, #tpu.memory_space<hbm>> -> memref<64x128xf32, #tpu.memory_space<hbm>>
        tpu.enqueue_dma source(%dma_start3A_216 : memref<64x128xf32, #tpu.memory_space<hbm>>) target(%arg10 : memref<64x128xf32, #tpu.memory_space<vmem>>) target_semaphore(%arg16 : memref<!tpu.dma_semaphore, #tpu.memory_space<semaphore_mem>>)
      } else {
      }
      %mul3A_171 = arith.constant 4 : i32
      %mul3A_172 = arith.muli %scan3A_135, %mul3A_171 : i32
      %add3A_173 = arith.constant 2 : i32
      %add3A_174 = arith.addi %mul3A_172, %add3A_173 : i32
      %mul3A_175 = arith.constant 64 : i32
      %mul3A_176 = arith.muli %add3A_174, %mul3A_175 : i32
      %dma_wait3A_177 = arith.constant 0 : i32
      %dma_wait3A_178 = tpu.memref_slice %arg2[%add3A, %mul3A_176, %dma_wait3A_177] : memref<32x8128x128xf32, #tpu.memory_space<hbm>> -> memref<1x64x128xf32, #tpu.memory_space<hbm>>
      %dma_wait3A_179 = tpu.memref_squeeze %dma_wait3A_178 : memref<1x64x128xf32, #tpu.memory_space<hbm>> -> memref<64x128xf32, #tpu.memory_space<hbm>>
      %dma_wait3A_180 = arith.constant 0 : i32
      %dma_wait3A_181 = tpu.memref_slice %arg2[%add3A, %mul3A_176, %dma_wait3A_180] : memref<32x8128x128xf32, #tpu.memory_space<hbm>> -> memref<1x64x128xf32, #tpu.memory_space<hbm>>
      %dma_wait3A_182 = tpu.memref_squeeze %dma_wait3A_181 : memref<1x64x128xf32, #tpu.memory_space<hbm>> -> memref<64x128xf32, #tpu.memory_space<hbm>>
      tpu.wait_dma2 semaphore(%arg17 : memref<!tpu.dma_semaphore, #tpu.memory_space<semaphore_mem>>) src(%dma_wait3A_182 : memref<64x128xf32, #tpu.memory_space<hbm>>) dst(%arg11 : memref<64x128xf32, #tpu.memory_space<vmem>>)
      "tpu.region"() ({
        %run_scoped3A_209 = tpu.sem_alloc : memref<!tpu.dma_semaphore, #tpu.memory_space<semaphore_mem>>
        %dma_start3A_210 = arith.constant 0 : i32
        %dma_start3A_211 = tpu.memref_slice %arg8[%add3A_174, %dma_start3A_210] : memref<127x64xi32, #tpu.memory_space<vmem>> -> memref<1x64xi32, #tpu.memory_space<vmem>>
        %dma_start3A_212 = tpu.memref_squeeze %dma_start3A_211 : memref<1x64xi32, #tpu.memory_space<vmem>> -> memref<64xi32, #tpu.memory_space<vmem>>
        %dma_start3A_213 = arith.constant 0 : i32
        %dma_start3A_214 = arith.constant 0 : i32
        %dma_start3A_215 = tpu.memref_slice %arg13[%dma_start3A_213, %dma_start3A_214] : memref<2048x128xf32, #tpu.memory_space<vmem_shared>> -> memref<2048x128xf32, #tpu.memory_space<vmem_shared>>
        tpu.enqueue_indirect_dma source(%arg11 : memref<64x128xf32, #tpu.memory_space<vmem>>) target(%dma_start3A_215 : memref<2048x128xf32, #tpu.memory_space<vmem_shared>>) offsets(%dma_start3A_212 : memref<64xi32, #tpu.memory_space<vmem>>) semaphore(%run_scoped3A_209 : memref<!tpu.dma_semaphore, #tpu.memory_space<semaphore_mem>>) {add = true}
        %dma_wait3A_216 = arith.constant 0 : i32
        %dma_wait3A_217 = tpu.memref_slice %arg8[%add3A_174, %dma_wait3A_216] : memref<127x64xi32, #tpu.memory_space<vmem>> -> memref<1x64xi32, #tpu.memory_space<vmem>>
        %dma_wait3A_218 = tpu.memref_squeeze %dma_wait3A_217 : memref<1x64xi32, #tpu.memory_space<vmem>> -> memref<64xi32, #tpu.memory_space<vmem>>
        %dma_wait3A_219 = arith.constant 0 : i32
        %dma_wait3A_220 = arith.constant 0 : i32
        %dma_wait3A_221 = tpu.memref_slice %arg13[%dma_wait3A_219, %dma_wait3A_220] : memref<2048x128xf32, #tpu.memory_space<vmem_shared>> -> memref<2048x128xf32, #tpu.memory_space<vmem_shared>>
        tpu.wait_indirect_dma semaphore(%run_scoped3A_209 : memref<!tpu.dma_semaphore, #tpu.memory_space<semaphore_mem>>) src(%arg11 : memref<64x128xf32, #tpu.memory_space<vmem>>) dst(%dma_wait3A_221 : memref<2048x128xf32, #tpu.memory_space<vmem_shared>>)
        tpu.yield
      }) : () -> ()
      %add3A_183 = arith.constant 4 : i32
      %add3A_184 = arith.addi %add3A_174, %add3A_183 : i32
      %lt3A_185 = arith.constant 127 : i32
      %lt3A_186 = arith.cmpi slt, %add3A_184, %lt3A_185 : i32
      %convert_element_type3A_187 = arith.extui %lt3A_186 : i1 to i32
      %cond3A_188 = arith.constant 0 : i32
      %cond3A_189 = arith.cmpi ne, %convert_element_type3A_187, %cond3A_188 : i32
      scf.if %cond3A_189 {
        %mul3A_209 = arith.constant 64 : i32
        %mul3A_210 = arith.muli %add3A_184, %mul3A_209 : i32
        %dma_start3A_211 = arith.constant 0 : i32
        %dma_start3A_212 = tpu.memref_slice %arg2[%add3A, %mul3A_210, %dma_start3A_211] : memref<32x8128x128xf32, #tpu.memory_space<hbm>> -> memref<1x64x128xf32, #tpu.memory_space<hbm>>
        %dma_start3A_213 = tpu.memref_squeeze %dma_start3A_212 : memref<1x64x128xf32, #tpu.memory_space<hbm>> -> memref<64x128xf32, #tpu.memory_space<hbm>>
        %dma_start3A_214 = arith.constant 0 : i32
        %dma_start3A_215 = tpu.memref_slice %arg2[%add3A, %mul3A_210, %dma_start3A_214] : memref<32x8128x128xf32, #tpu.memory_space<hbm>> -> memref<1x64x128xf32, #tpu.memory_space<hbm>>
        %dma_start3A_216 = tpu.memref_squeeze %dma_start3A_215 : memref<1x64x128xf32, #tpu.memory_space<hbm>> -> memref<64x128xf32, #tpu.memory_space<hbm>>
        tpu.enqueue_dma source(%dma_start3A_216 : memref<64x128xf32, #tpu.memory_space<hbm>>) target(%arg11 : memref<64x128xf32, #tpu.memory_space<vmem>>) target_semaphore(%arg17 : memref<!tpu.dma_semaphore, #tpu.memory_space<semaphore_mem>>)
      } else {
      }
      %mul3A_190 = arith.constant 4 : i32
      %mul3A_191 = arith.muli %scan3A_135, %mul3A_190 : i32
      %add3A_192 = arith.constant 3 : i32
      %add3A_193 = arith.addi %mul3A_191, %add3A_192 : i32
      %mul3A_194 = arith.constant 64 : i32
      %mul3A_195 = arith.muli %add3A_193, %mul3A_194 : i32
      %dma_wait3A_196 = arith.constant 0 : i32
      %dma_wait3A_197 = tpu.memref_slice %arg2[%add3A, %mul3A_195, %dma_wait3A_196] : memref<32x8128x128xf32, #tpu.memory_space<hbm>> -> memref<1x64x128xf32, #tpu.memory_space<hbm>>
      %dma_wait3A_198 = tpu.memref_squeeze %dma_wait3A_197 : memref<1x64x128xf32, #tpu.memory_space<hbm>> -> memref<64x128xf32, #tpu.memory_space<hbm>>
      %dma_wait3A_199 = arith.constant 0 : i32
      %dma_wait3A_200 = tpu.memref_slice %arg2[%add3A, %mul3A_195, %dma_wait3A_199] : memref<32x8128x128xf32, #tpu.memory_space<hbm>> -> memref<1x64x128xf32, #tpu.memory_space<hbm>>
      %dma_wait3A_201 = tpu.memref_squeeze %dma_wait3A_200 : memref<1x64x128xf32, #tpu.memory_space<hbm>> -> memref<64x128xf32, #tpu.memory_space<hbm>>
      tpu.wait_dma2 semaphore(%arg18 : memref<!tpu.dma_semaphore, #tpu.memory_space<semaphore_mem>>) src(%dma_wait3A_201 : memref<64x128xf32, #tpu.memory_space<hbm>>) dst(%arg12 : memref<64x128xf32, #tpu.memory_space<vmem>>)
      "tpu.region"() ({
        %run_scoped3A_209 = tpu.sem_alloc : memref<!tpu.dma_semaphore, #tpu.memory_space<semaphore_mem>>
        %dma_start3A_210 = arith.constant 0 : i32
        %dma_start3A_211 = tpu.memref_slice %arg8[%add3A_193, %dma_start3A_210] : memref<127x64xi32, #tpu.memory_space<vmem>> -> memref<1x64xi32, #tpu.memory_space<vmem>>
        %dma_start3A_212 = tpu.memref_squeeze %dma_start3A_211 : memref<1x64xi32, #tpu.memory_space<vmem>> -> memref<64xi32, #tpu.memory_space<vmem>>
        %dma_start3A_213 = arith.constant 0 : i32
        %dma_start3A_214 = arith.constant 0 : i32
        %dma_start3A_215 = tpu.memref_slice %arg13[%dma_start3A_213, %dma_start3A_214] : memref<2048x128xf32, #tpu.memory_space<vmem_shared>> -> memref<2048x128xf32, #tpu.memory_space<vmem_shared>>
        tpu.enqueue_indirect_dma source(%arg12 : memref<64x128xf32, #tpu.memory_space<vmem>>) target(%dma_start3A_215 : memref<2048x128xf32, #tpu.memory_space<vmem_shared>>) offsets(%dma_start3A_212 : memref<64xi32, #tpu.memory_space<vmem>>) semaphore(%run_scoped3A_209 : memref<!tpu.dma_semaphore, #tpu.memory_space<semaphore_mem>>) {add = true}
        %dma_wait3A_216 = arith.constant 0 : i32
        %dma_wait3A_217 = tpu.memref_slice %arg8[%add3A_193, %dma_wait3A_216] : memref<127x64xi32, #tpu.memory_space<vmem>> -> memref<1x64xi32, #tpu.memory_space<vmem>>
        %dma_wait3A_218 = tpu.memref_squeeze %dma_wait3A_217 : memref<1x64xi32, #tpu.memory_space<vmem>> -> memref<64xi32, #tpu.memory_space<vmem>>
        %dma_wait3A_219 = arith.constant 0 : i32
        %dma_wait3A_220 = arith.constant 0 : i32
        %dma_wait3A_221 = tpu.memref_slice %arg13[%dma_wait3A_219, %dma_wait3A_220] : memref<2048x128xf32, #tpu.memory_space<vmem_shared>> -> memref<2048x128xf32, #tpu.memory_space<vmem_shared>>
        tpu.wait_indirect_dma semaphore(%run_scoped3A_209 : memref<!tpu.dma_semaphore, #tpu.memory_space<semaphore_mem>>) src(%arg12 : memref<64x128xf32, #tpu.memory_space<vmem>>) dst(%dma_wait3A_221 : memref<2048x128xf32, #tpu.memory_space<vmem_shared>>)
        tpu.yield
      }) : () -> ()
      %add3A_202 = arith.constant 4 : i32
      %add3A_203 = arith.addi %add3A_193, %add3A_202 : i32
      %lt3A_204 = arith.constant 127 : i32
      %lt3A_205 = arith.cmpi slt, %add3A_203, %lt3A_204 : i32
      %convert_element_type3A_206 = arith.extui %lt3A_205 : i1 to i32
      %cond3A_207 = arith.constant 0 : i32
      %cond3A_208 = arith.cmpi ne, %convert_element_type3A_206, %cond3A_207 : i32
      scf.if %cond3A_208 {
        %mul3A_209 = arith.constant 64 : i32
        %mul3A_210 = arith.muli %add3A_203, %mul3A_209 : i32
        %dma_start3A_211 = arith.constant 0 : i32
        %dma_start3A_212 = tpu.memref_slice %arg2[%add3A, %mul3A_210, %dma_start3A_211] : memref<32x8128x128xf32, #tpu.memory_space<hbm>> -> memref<1x64x128xf32, #tpu.memory_space<hbm>>
        %dma_start3A_213 = tpu.memref_squeeze %dma_start3A_212 : memref<1x64x128xf32, #tpu.memory_space<hbm>> -> memref<64x128xf32, #tpu.memory_space<hbm>>
        %dma_start3A_214 = arith.constant 0 : i32
        %dma_start3A_215 = tpu.memref_slice %arg2[%add3A, %mul3A_210, %dma_start3A_214] : memref<32x8128x128xf32, #tpu.memory_space<hbm>> -> memref<1x64x128xf32, #tpu.memory_space<hbm>>
        %dma_start3A_216 = tpu.memref_squeeze %dma_start3A_215 : memref<1x64x128xf32, #tpu.memory_space<hbm>> -> memref<64x128xf32, #tpu.memory_space<hbm>>
        tpu.enqueue_dma source(%dma_start3A_216 : memref<64x128xf32, #tpu.memory_space<hbm>>) target(%arg12 : memref<64x128xf32, #tpu.memory_space<vmem>>) target_semaphore(%arg18 : memref<!tpu.dma_semaphore, #tpu.memory_space<semaphore_mem>>)
      } else {
      }
    }
    %scan3A_40 = arith.constant 31 : i32
    %dma_wait3A = arith.constant 7936 : i32
    %dma_wait3A_41 = arith.constant 0 : i32
    %dma_wait3A_42 = tpu.memref_slice %arg2[%add3A, %dma_wait3A, %dma_wait3A_41] : memref<32x8128x128xf32, #tpu.memory_space<hbm>> -> memref<1x64x128xf32, #tpu.memory_space<hbm>>
    %dma_wait3A_43 = tpu.memref_squeeze %dma_wait3A_42 : memref<1x64x128xf32, #tpu.memory_space<hbm>> -> memref<64x128xf32, #tpu.memory_space<hbm>>
    %dma_wait3A_44 = arith.constant 7936 : i32
    %dma_wait3A_45 = arith.constant 0 : i32
    %dma_wait3A_46 = tpu.memref_slice %arg2[%add3A, %dma_wait3A_44, %dma_wait3A_45] : memref<32x8128x128xf32, #tpu.memory_space<hbm>> -> memref<1x64x128xf32, #tpu.memory_space<hbm>>
    %dma_wait3A_47 = tpu.memref_squeeze %dma_wait3A_46 : memref<1x64x128xf32, #tpu.memory_space<hbm>> -> memref<64x128xf32, #tpu.memory_space<hbm>>
    tpu.wait_dma2 semaphore(%arg15 : memref<!tpu.dma_semaphore, #tpu.memory_space<semaphore_mem>>) src(%dma_wait3A_47 : memref<64x128xf32, #tpu.memory_space<hbm>>) dst(%arg9 : memref<64x128xf32, #tpu.memory_space<vmem>>)
    %run_scoped3A = arith.constant 124 : i32
    "tpu.region"() ({
      %run_scoped3A_135 = tpu.sem_alloc : memref<!tpu.dma_semaphore, #tpu.memory_space<semaphore_mem>>
      %dma_start3A_136 = arith.constant 0 : i32
      %dma_start3A_137 = tpu.memref_slice %arg8[%run_scoped3A, %dma_start3A_136] : memref<127x64xi32, #tpu.memory_space<vmem>> -> memref<1x64xi32, #tpu.memory_space<vmem>>
      %dma_start3A_138 = tpu.memref_squeeze %dma_start3A_137 : memref<1x64xi32, #tpu.memory_space<vmem>> -> memref<64xi32, #tpu.memory_space<vmem>>
      %dma_start3A_139 = arith.constant 0 : i32
      %dma_start3A_140 = arith.constant 0 : i32
      %dma_start3A_141 = tpu.memref_slice %arg13[%dma_start3A_139, %dma_start3A_140] : memref<2048x128xf32, #tpu.memory_space<vmem_shared>> -> memref<2048x128xf32, #tpu.memory_space<vmem_shared>>
      tpu.enqueue_indirect_dma source(%arg9 : memref<64x128xf32, #tpu.memory_space<vmem>>) target(%dma_start3A_141 : memref<2048x128xf32, #tpu.memory_space<vmem_shared>>) offsets(%dma_start3A_138 : memref<64xi32, #tpu.memory_space<vmem>>) semaphore(%run_scoped3A_135 : memref<!tpu.dma_semaphore, #tpu.memory_space<semaphore_mem>>) {add = true}
      %dma_wait3A_142 = arith.constant 0 : i32
      %dma_wait3A_143 = tpu.memref_slice %arg8[%run_scoped3A, %dma_wait3A_142] : memref<127x64xi32, #tpu.memory_space<vmem>> -> memref<1x64xi32, #tpu.memory_space<vmem>>
      %dma_wait3A_144 = tpu.memref_squeeze %dma_wait3A_143 : memref<1x64xi32, #tpu.memory_space<vmem>> -> memref<64xi32, #tpu.memory_space<vmem>>
      %dma_wait3A_145 = arith.constant 0 : i32
      %dma_wait3A_146 = arith.constant 0 : i32
      %dma_wait3A_147 = tpu.memref_slice %arg13[%dma_wait3A_145, %dma_wait3A_146] : memref<2048x128xf32, #tpu.memory_space<vmem_shared>> -> memref<2048x128xf32, #tpu.memory_space<vmem_shared>>
      tpu.wait_indirect_dma semaphore(%run_scoped3A_135 : memref<!tpu.dma_semaphore, #tpu.memory_space<semaphore_mem>>) src(%arg9 : memref<64x128xf32, #tpu.memory_space<vmem>>) dst(%dma_wait3A_147 : memref<2048x128xf32, #tpu.memory_space<vmem_shared>>)
      tpu.yield
    }) : () -> ()
    %dma_wait3A_48 = arith.constant 8000 : i32
    %dma_wait3A_49 = arith.constant 0 : i32
    %dma_wait3A_50 = tpu.memref_slice %arg2[%add3A, %dma_wait3A_48, %dma_wait3A_49] : memref<32x8128x128xf32, #tpu.memory_space<hbm>> -> memref<1x64x128xf32, #tpu.memory_space<hbm>>
    %dma_wait3A_51 = tpu.memref_squeeze %dma_wait3A_50 : memref<1x64x128xf32, #tpu.memory_space<hbm>> -> memref<64x128xf32, #tpu.memory_space<hbm>>
    %dma_wait3A_52 = arith.constant 8000 : i32
    %dma_wait3A_53 = arith.constant 0 : i32
    %dma_wait3A_54 = tpu.memref_slice %arg2[%add3A, %dma_wait3A_52, %dma_wait3A_53] : memref<32x8128x128xf32, #tpu.memory_space<hbm>> -> memref<1x64x128xf32, #tpu.memory_space<hbm>>
    %dma_wait3A_55 = tpu.memref_squeeze %dma_wait3A_54 : memref<1x64x128xf32, #tpu.memory_space<hbm>> -> memref<64x128xf32, #tpu.memory_space<hbm>>
    tpu.wait_dma2 semaphore(%arg16 : memref<!tpu.dma_semaphore, #tpu.memory_space<semaphore_mem>>) src(%dma_wait3A_55 : memref<64x128xf32, #tpu.memory_space<hbm>>) dst(%arg10 : memref<64x128xf32, #tpu.memory_space<vmem>>)
    %run_scoped3A_56 = arith.constant 125 : i32
    "tpu.region"() ({
      %run_scoped3A_135 = tpu.sem_alloc : memref<!tpu.dma_semaphore, #tpu.memory_space<semaphore_mem>>
      %dma_start3A_136 = arith.constant 0 : i32
      %dma_start3A_137 = tpu.memref_slice %arg8[%run_scoped3A_56, %dma_start3A_136] : memref<127x64xi32, #tpu.memory_space<vmem>> -> memref<1x64xi32, #tpu.memory_space<vmem>>
      %dma_start3A_138 = tpu.memref_squeeze %dma_start3A_137 : memref<1x64xi32, #tpu.memory_space<vmem>> -> memref<64xi32, #tpu.memory_space<vmem>>
      %dma_start3A_139 = arith.constant 0 : i32
      %dma_start3A_140 = arith.constant 0 : i32
      %dma_start3A_141 = tpu.memref_slice %arg13[%dma_start3A_139, %dma_start3A_140] : memref<2048x128xf32, #tpu.memory_space<vmem_shared>> -> memref<2048x128xf32, #tpu.memory_space<vmem_shared>>
      tpu.enqueue_indirect_dma source(%arg10 : memref<64x128xf32, #tpu.memory_space<vmem>>) target(%dma_start3A_141 : memref<2048x128xf32, #tpu.memory_space<vmem_shared>>) offsets(%dma_start3A_138 : memref<64xi32, #tpu.memory_space<vmem>>) semaphore(%run_scoped3A_135 : memref<!tpu.dma_semaphore, #tpu.memory_space<semaphore_mem>>) {add = true}
      %dma_wait3A_142 = arith.constant 0 : i32
      %dma_wait3A_143 = tpu.memref_slice %arg8[%run_scoped3A_56, %dma_wait3A_142] : memref<127x64xi32, #tpu.memory_space<vmem>> -> memref<1x64xi32, #tpu.memory_space<vmem>>
      %dma_wait3A_144 = tpu.memref_squeeze %dma_wait3A_143 : memref<1x64xi32, #tpu.memory_space<vmem>> -> memref<64xi32, #tpu.memory_space<vmem>>
      %dma_wait3A_145 = arith.constant 0 : i32
      %dma_wait3A_146 = arith.constant 0 : i32
      %dma_wait3A_147 = tpu.memref_slice %arg13[%dma_wait3A_145, %dma_wait3A_146] : memref<2048x128xf32, #tpu.memory_space<vmem_shared>> -> memref<2048x128xf32, #tpu.memory_space<vmem_shared>>
      tpu.wait_indirect_dma semaphore(%run_scoped3A_135 : memref<!tpu.dma_semaphore, #tpu.memory_space<semaphore_mem>>) src(%arg10 : memref<64x128xf32, #tpu.memory_space<vmem>>) dst(%dma_wait3A_147 : memref<2048x128xf32, #tpu.memory_space<vmem_shared>>)
      tpu.yield
    }) : () -> ()
    %dma_wait3A_57 = arith.constant 8064 : i32
    %dma_wait3A_58 = arith.constant 0 : i32
    %dma_wait3A_59 = tpu.memref_slice %arg2[%add3A, %dma_wait3A_57, %dma_wait3A_58] : memref<32x8128x128xf32, #tpu.memory_space<hbm>> -> memref<1x64x128xf32, #tpu.memory_space<hbm>>
    %dma_wait3A_60 = tpu.memref_squeeze %dma_wait3A_59 : memref<1x64x128xf32, #tpu.memory_space<hbm>> -> memref<64x128xf32, #tpu.memory_space<hbm>>
    %dma_wait3A_61 = arith.constant 8064 : i32
    %dma_wait3A_62 = arith.constant 0 : i32
    %dma_wait3A_63 = tpu.memref_slice %arg2[%add3A, %dma_wait3A_61, %dma_wait3A_62] : memref<32x8128x128xf32, #tpu.memory_space<hbm>> -> memref<1x64x128xf32, #tpu.memory_space<hbm>>
    %dma_wait3A_64 = tpu.memref_squeeze %dma_wait3A_63 : memref<1x64x128xf32, #tpu.memory_space<hbm>> -> memref<64x128xf32, #tpu.memory_space<hbm>>
    tpu.wait_dma2 semaphore(%arg17 : memref<!tpu.dma_semaphore, #tpu.memory_space<semaphore_mem>>) src(%dma_wait3A_64 : memref<64x128xf32, #tpu.memory_space<hbm>>) dst(%arg11 : memref<64x128xf32, #tpu.memory_space<vmem>>)
    %run_scoped3A_65 = arith.constant 126 : i32
    "tpu.region"() ({
      %run_scoped3A_135 = tpu.sem_alloc : memref<!tpu.dma_semaphore, #tpu.memory_space<semaphore_mem>>
      %dma_start3A_136 = arith.constant 0 : i32
      %dma_start3A_137 = tpu.memref_slice %arg8[%run_scoped3A_65, %dma_start3A_136] : memref<127x64xi32, #tpu.memory_space<vmem>> -> memref<1x64xi32, #tpu.memory_space<vmem>>
      %dma_start3A_138 = tpu.memref_squeeze %dma_start3A_137 : memref<1x64xi32, #tpu.memory_space<vmem>> -> memref<64xi32, #tpu.memory_space<vmem>>
      %dma_start3A_139 = arith.constant 0 : i32
      %dma_start3A_140 = arith.constant 0 : i32
      %dma_start3A_141 = tpu.memref_slice %arg13[%dma_start3A_139, %dma_start3A_140] : memref<2048x128xf32, #tpu.memory_space<vmem_shared>> -> memref<2048x128xf32, #tpu.memory_space<vmem_shared>>
      tpu.enqueue_indirect_dma source(%arg11 : memref<64x128xf32, #tpu.memory_space<vmem>>) target(%dma_start3A_141 : memref<2048x128xf32, #tpu.memory_space<vmem_shared>>) offsets(%dma_start3A_138 : memref<64xi32, #tpu.memory_space<vmem>>) semaphore(%run_scoped3A_135 : memref<!tpu.dma_semaphore, #tpu.memory_space<semaphore_mem>>) {add = true}
      %dma_wait3A_142 = arith.constant 0 : i32
      %dma_wait3A_143 = tpu.memref_slice %arg8[%run_scoped3A_65, %dma_wait3A_142] : memref<127x64xi32, #tpu.memory_space<vmem>> -> memref<1x64xi32, #tpu.memory_space<vmem>>
      %dma_wait3A_144 = tpu.memref_squeeze %dma_wait3A_143 : memref<1x64xi32, #tpu.memory_space<vmem>> -> memref<64xi32, #tpu.memory_space<vmem>>
      %dma_wait3A_145 = arith.constant 0 : i32
      %dma_wait3A_146 = arith.constant 0 : i32
      %dma_wait3A_147 = tpu.memref_slice %arg13[%dma_wait3A_145, %dma_wait3A_146] : memref<2048x128xf32, #tpu.memory_space<vmem_shared>> -> memref<2048x128xf32, #tpu.memory_space<vmem_shared>>
      tpu.wait_indirect_dma semaphore(%run_scoped3A_135 : memref<!tpu.dma_semaphore, #tpu.memory_space<semaphore_mem>>) src(%arg11 : memref<64x128xf32, #tpu.memory_space<vmem>>) dst(%dma_wait3A_147 : memref<2048x128xf32, #tpu.memory_space<vmem_shared>>)
      tpu.yield
    }) : () -> ()
    %dma_start3A_66 = arith.constant 0 : i32
    %dma_start3A_67 = arith.constant 0 : i32
    %dma_start3A_68 = tpu.memref_slice %arg3[%add3A, %dma_start3A_66, %dma_start3A_67] : memref<32x8128x128xf32, #tpu.memory_space<hbm>> -> memref<1x64x128xf32, #tpu.memory_space<hbm>>
    %dma_start3A_69 = tpu.memref_squeeze %dma_start3A_68 : memref<1x64x128xf32, #tpu.memory_space<hbm>> -> memref<64x128xf32, #tpu.memory_space<hbm>>
    %dma_start3A_70 = arith.constant 0 : i32
    %dma_start3A_71 = arith.constant 0 : i32
    %dma_start3A_72 = tpu.memref_slice %arg3[%add3A, %dma_start3A_70, %dma_start3A_71] : memref<32x8128x128xf32, #tpu.memory_space<hbm>> -> memref<1x64x128xf32, #tpu.memory_space<hbm>>
    %dma_start3A_73 = tpu.memref_squeeze %dma_start3A_72 : memref<1x64x128xf32, #tpu.memory_space<hbm>> -> memref<64x128xf32, #tpu.memory_space<hbm>>
    tpu.enqueue_dma source(%dma_start3A_73 : memref<64x128xf32, #tpu.memory_space<hbm>>) target(%arg9 : memref<64x128xf32, #tpu.memory_space<vmem>>) target_semaphore(%arg15 : memref<!tpu.dma_semaphore, #tpu.memory_space<semaphore_mem>>)
    %dma_start3A_74 = arith.constant 64 : i32
    %dma_start3A_75 = arith.constant 0 : i32
    %dma_start3A_76 = tpu.memref_slice %arg3[%add3A, %dma_start3A_74, %dma_start3A_75] : memref<32x8128x128xf32, #tpu.memory_space<hbm>> -> memref<1x64x128xf32, #tpu.memory_space<hbm>>
    %dma_start3A_77 = tpu.memref_squeeze %dma_start3A_76 : memref<1x64x128xf32, #tpu.memory_space<hbm>> -> memref<64x128xf32, #tpu.memory_space<hbm>>
    %dma_start3A_78 = arith.constant 64 : i32
    %dma_start3A_79 = arith.constant 0 : i32
    %dma_start3A_80 = tpu.memref_slice %arg3[%add3A, %dma_start3A_78, %dma_start3A_79] : memref<32x8128x128xf32, #tpu.memory_space<hbm>> -> memref<1x64x128xf32, #tpu.memory_space<hbm>>
    %dma_start3A_81 = tpu.memref_squeeze %dma_start3A_80 : memref<1x64x128xf32, #tpu.memory_space<hbm>> -> memref<64x128xf32, #tpu.memory_space<hbm>>
    tpu.enqueue_dma source(%dma_start3A_81 : memref<64x128xf32, #tpu.memory_space<hbm>>) target(%arg10 : memref<64x128xf32, #tpu.memory_space<vmem>>) target_semaphore(%arg16 : memref<!tpu.dma_semaphore, #tpu.memory_space<semaphore_mem>>)
    %dma_start3A_82 = arith.constant 128 : i32
    %dma_start3A_83 = arith.constant 0 : i32
    %dma_start3A_84 = tpu.memref_slice %arg3[%add3A, %dma_start3A_82, %dma_start3A_83] : memref<32x8128x128xf32, #tpu.memory_space<hbm>> -> memref<1x64x128xf32, #tpu.memory_space<hbm>>
    %dma_start3A_85 = tpu.memref_squeeze %dma_start3A_84 : memref<1x64x128xf32, #tpu.memory_space<hbm>> -> memref<64x128xf32, #tpu.memory_space<hbm>>
    %dma_start3A_86 = arith.constant 128 : i32
    %dma_start3A_87 = arith.constant 0 : i32
    %dma_start3A_88 = tpu.memref_slice %arg3[%add3A, %dma_start3A_86, %dma_start3A_87] : memref<32x8128x128xf32, #tpu.memory_space<hbm>> -> memref<1x64x128xf32, #tpu.memory_space<hbm>>
    %dma_start3A_89 = tpu.memref_squeeze %dma_start3A_88 : memref<1x64x128xf32, #tpu.memory_space<hbm>> -> memref<64x128xf32, #tpu.memory_space<hbm>>
    tpu.enqueue_dma source(%dma_start3A_89 : memref<64x128xf32, #tpu.memory_space<hbm>>) target(%arg11 : memref<64x128xf32, #tpu.memory_space<vmem>>) target_semaphore(%arg17 : memref<!tpu.dma_semaphore, #tpu.memory_space<semaphore_mem>>)
    %dma_start3A_90 = arith.constant 192 : i32
    %dma_start3A_91 = arith.constant 0 : i32
    %dma_start3A_92 = tpu.memref_slice %arg3[%add3A, %dma_start3A_90, %dma_start3A_91] : memref<32x8128x128xf32, #tpu.memory_space<hbm>> -> memref<1x64x128xf32, #tpu.memory_space<hbm>>
    %dma_start3A_93 = tpu.memref_squeeze %dma_start3A_92 : memref<1x64x128xf32, #tpu.memory_space<hbm>> -> memref<64x128xf32, #tpu.memory_space<hbm>>
    %dma_start3A_94 = arith.constant 192 : i32
    %dma_start3A_95 = arith.constant 0 : i32
    %dma_start3A_96 = tpu.memref_slice %arg3[%add3A, %dma_start3A_94, %dma_start3A_95] : memref<32x8128x128xf32, #tpu.memory_space<hbm>> -> memref<1x64x128xf32, #tpu.memory_space<hbm>>
    %dma_start3A_97 = tpu.memref_squeeze %dma_start3A_96 : memref<1x64x128xf32, #tpu.memory_space<hbm>> -> memref<64x128xf32, #tpu.memory_space<hbm>>
    tpu.enqueue_dma source(%dma_start3A_97 : memref<64x128xf32, #tpu.memory_space<hbm>>) target(%arg12 : memref<64x128xf32, #tpu.memory_space<vmem>>) target_semaphore(%arg18 : memref<!tpu.dma_semaphore, #tpu.memory_space<semaphore_mem>>)
    %scan3A_98 = arith.constant 0 : i32
    %scan3A_99 = arith.constant 0 : i32
    %scan3A_100 = arith.constant 31 : i32
    %scan3A_101 = arith.addi %scan3A_99, %scan3A_100 : i32
    %scan3A_102 = arith.constant 1 : i32
    scf.for %scan3A_135 = %scan3A_99 to %scan3A_101 step %scan3A_102  : i32 {
      %mul3A_136 = arith.constant 4 : i32
      %mul3A_137 = arith.muli %scan3A_135, %mul3A_136 : i32
      %add3A_138 = arith.constant 0 : i32
      %add3A_139 = arith.addi %mul3A_137, %add3A_138 : i32
      %mul3A_140 = arith.constant 64 : i32
      %mul3A_141 = arith.muli %add3A_139, %mul3A_140 : i32
      %dma_wait3A_142 = arith.constant 0 : i32
      %dma_wait3A_143 = tpu.memref_slice %arg3[%add3A, %mul3A_141, %dma_wait3A_142] : memref<32x8128x128xf32, #tpu.memory_space<hbm>> -> memref<1x64x128xf32, #tpu.memory_space<hbm>>
      %dma_wait3A_144 = tpu.memref_squeeze %dma_wait3A_143 : memref<1x64x128xf32, #tpu.memory_space<hbm>> -> memref<64x128xf32, #tpu.memory_space<hbm>>
      %dma_wait3A_145 = arith.constant 0 : i32
      %dma_wait3A_146 = tpu.memref_slice %arg3[%add3A, %mul3A_141, %dma_wait3A_145] : memref<32x8128x128xf32, #tpu.memory_space<hbm>> -> memref<1x64x128xf32, #tpu.memory_space<hbm>>
      %dma_wait3A_147 = tpu.memref_squeeze %dma_wait3A_146 : memref<1x64x128xf32, #tpu.memory_space<hbm>> -> memref<64x128xf32, #tpu.memory_space<hbm>>
      tpu.wait_dma2 semaphore(%arg15 : memref<!tpu.dma_semaphore, #tpu.memory_space<semaphore_mem>>) src(%dma_wait3A_147 : memref<64x128xf32, #tpu.memory_space<hbm>>) dst(%arg9 : memref<64x128xf32, #tpu.memory_space<vmem>>)
      "tpu.region"() ({
        %run_scoped3A_209 = tpu.sem_alloc : memref<!tpu.dma_semaphore, #tpu.memory_space<semaphore_mem>>
        %dma_start3A_210 = arith.constant 0 : i32
        %dma_start3A_211 = tpu.memref_slice %arg8[%add3A_139, %dma_start3A_210] : memref<127x64xi32, #tpu.memory_space<vmem>> -> memref<1x64xi32, #tpu.memory_space<vmem>>
        %dma_start3A_212 = tpu.memref_squeeze %dma_start3A_211 : memref<1x64xi32, #tpu.memory_space<vmem>> -> memref<64xi32, #tpu.memory_space<vmem>>
        %dma_start3A_213 = arith.constant 0 : i32
        %dma_start3A_214 = arith.constant 0 : i32
        %dma_start3A_215 = tpu.memref_slice %arg14[%dma_start3A_213, %dma_start3A_214] : memref<2048x128xf32, #tpu.memory_space<vmem_shared>> -> memref<2048x128xf32, #tpu.memory_space<vmem_shared>>
        tpu.enqueue_indirect_dma source(%arg9 : memref<64x128xf32, #tpu.memory_space<vmem>>) target(%dma_start3A_215 : memref<2048x128xf32, #tpu.memory_space<vmem_shared>>) offsets(%dma_start3A_212 : memref<64xi32, #tpu.memory_space<vmem>>) semaphore(%run_scoped3A_209 : memref<!tpu.dma_semaphore, #tpu.memory_space<semaphore_mem>>) {add = true}
        %dma_wait3A_216 = arith.constant 0 : i32
        %dma_wait3A_217 = tpu.memref_slice %arg8[%add3A_139, %dma_wait3A_216] : memref<127x64xi32, #tpu.memory_space<vmem>> -> memref<1x64xi32, #tpu.memory_space<vmem>>
        %dma_wait3A_218 = tpu.memref_squeeze %dma_wait3A_217 : memref<1x64xi32, #tpu.memory_space<vmem>> -> memref<64xi32, #tpu.memory_space<vmem>>
        %dma_wait3A_219 = arith.constant 0 : i32
        %dma_wait3A_220 = arith.constant 0 : i32
        %dma_wait3A_221 = tpu.memref_slice %arg14[%dma_wait3A_219, %dma_wait3A_220] : memref<2048x128xf32, #tpu.memory_space<vmem_shared>> -> memref<2048x128xf32, #tpu.memory_space<vmem_shared>>
        tpu.wait_indirect_dma semaphore(%run_scoped3A_209 : memref<!tpu.dma_semaphore, #tpu.memory_space<semaphore_mem>>) src(%arg9 : memref<64x128xf32, #tpu.memory_space<vmem>>) dst(%dma_wait3A_221 : memref<2048x128xf32, #tpu.memory_space<vmem_shared>>)
        tpu.yield
      }) : () -> ()
      %add3A_148 = arith.constant 4 : i32
      %add3A_149 = arith.addi %add3A_139, %add3A_148 : i32
      %lt3A = arith.constant 127 : i32
      %lt3A_150 = arith.cmpi slt, %add3A_149, %lt3A : i32
      %convert_element_type3A = arith.extui %lt3A_150 : i1 to i32
      %cond3A = arith.constant 0 : i32
      %cond3A_151 = arith.cmpi ne, %convert_element_type3A, %cond3A : i32
      scf.if %cond3A_151 {
        %mul3A_209 = arith.constant 64 : i32
        %mul3A_210 = arith.muli %add3A_149, %mul3A_209 : i32
        %dma_start3A_211 = arith.constant 0 : i32
        %dma_start3A_212 = tpu.memref_slice %arg3[%add3A, %mul3A_210, %dma_start3A_211] : memref<32x8128x128xf32, #tpu.memory_space<hbm>> -> memref<1x64x128xf32, #tpu.memory_space<hbm>>
        %dma_start3A_213 = tpu.memref_squeeze %dma_start3A_212 : memref<1x64x128xf32, #tpu.memory_space<hbm>> -> memref<64x128xf32, #tpu.memory_space<hbm>>
        %dma_start3A_214 = arith.constant 0 : i32
        %dma_start3A_215 = tpu.memref_slice %arg3[%add3A, %mul3A_210, %dma_start3A_214] : memref<32x8128x128xf32, #tpu.memory_space<hbm>> -> memref<1x64x128xf32, #tpu.memory_space<hbm>>
        %dma_start3A_216 = tpu.memref_squeeze %dma_start3A_215 : memref<1x64x128xf32, #tpu.memory_space<hbm>> -> memref<64x128xf32, #tpu.memory_space<hbm>>
        tpu.enqueue_dma source(%dma_start3A_216 : memref<64x128xf32, #tpu.memory_space<hbm>>) target(%arg9 : memref<64x128xf32, #tpu.memory_space<vmem>>) target_semaphore(%arg15 : memref<!tpu.dma_semaphore, #tpu.memory_space<semaphore_mem>>)
      } else {
      }
      %mul3A_152 = arith.constant 4 : i32
      %mul3A_153 = arith.muli %scan3A_135, %mul3A_152 : i32
      %add3A_154 = arith.constant 1 : i32
      %add3A_155 = arith.addi %mul3A_153, %add3A_154 : i32
      %mul3A_156 = arith.constant 64 : i32
      %mul3A_157 = arith.muli %add3A_155, %mul3A_156 : i32
      %dma_wait3A_158 = arith.constant 0 : i32
      %dma_wait3A_159 = tpu.memref_slice %arg3[%add3A, %mul3A_157, %dma_wait3A_158] : memref<32x8128x128xf32, #tpu.memory_space<hbm>> -> memref<1x64x128xf32, #tpu.memory_space<hbm>>
      %dma_wait3A_160 = tpu.memref_squeeze %dma_wait3A_159 : memref<1x64x128xf32, #tpu.memory_space<hbm>> -> memref<64x128xf32, #tpu.memory_space<hbm>>
      %dma_wait3A_161 = arith.constant 0 : i32
      %dma_wait3A_162 = tpu.memref_slice %arg3[%add3A, %mul3A_157, %dma_wait3A_161] : memref<32x8128x128xf32, #tpu.memory_space<hbm>> -> memref<1x64x128xf32, #tpu.memory_space<hbm>>
      %dma_wait3A_163 = tpu.memref_squeeze %dma_wait3A_162 : memref<1x64x128xf32, #tpu.memory_space<hbm>> -> memref<64x128xf32, #tpu.memory_space<hbm>>
      tpu.wait_dma2 semaphore(%arg16 : memref<!tpu.dma_semaphore, #tpu.memory_space<semaphore_mem>>) src(%dma_wait3A_163 : memref<64x128xf32, #tpu.memory_space<hbm>>) dst(%arg10 : memref<64x128xf32, #tpu.memory_space<vmem>>)
      "tpu.region"() ({
        %run_scoped3A_209 = tpu.sem_alloc : memref<!tpu.dma_semaphore, #tpu.memory_space<semaphore_mem>>
        %dma_start3A_210 = arith.constant 0 : i32
        %dma_start3A_211 = tpu.memref_slice %arg8[%add3A_155, %dma_start3A_210] : memref<127x64xi32, #tpu.memory_space<vmem>> -> memref<1x64xi32, #tpu.memory_space<vmem>>
        %dma_start3A_212 = tpu.memref_squeeze %dma_start3A_211 : memref<1x64xi32, #tpu.memory_space<vmem>> -> memref<64xi32, #tpu.memory_space<vmem>>
        %dma_start3A_213 = arith.constant 0 : i32
        %dma_start3A_214 = arith.constant 0 : i32
        %dma_start3A_215 = tpu.memref_slice %arg14[%dma_start3A_213, %dma_start3A_214] : memref<2048x128xf32, #tpu.memory_space<vmem_shared>> -> memref<2048x128xf32, #tpu.memory_space<vmem_shared>>
        tpu.enqueue_indirect_dma source(%arg10 : memref<64x128xf32, #tpu.memory_space<vmem>>) target(%dma_start3A_215 : memref<2048x128xf32, #tpu.memory_space<vmem_shared>>) offsets(%dma_start3A_212 : memref<64xi32, #tpu.memory_space<vmem>>) semaphore(%run_scoped3A_209 : memref<!tpu.dma_semaphore, #tpu.memory_space<semaphore_mem>>) {add = true}
        %dma_wait3A_216 = arith.constant 0 : i32
        %dma_wait3A_217 = tpu.memref_slice %arg8[%add3A_155, %dma_wait3A_216] : memref<127x64xi32, #tpu.memory_space<vmem>> -> memref<1x64xi32, #tpu.memory_space<vmem>>
        %dma_wait3A_218 = tpu.memref_squeeze %dma_wait3A_217 : memref<1x64xi32, #tpu.memory_space<vmem>> -> memref<64xi32, #tpu.memory_space<vmem>>
        %dma_wait3A_219 = arith.constant 0 : i32
        %dma_wait3A_220 = arith.constant 0 : i32
        %dma_wait3A_221 = tpu.memref_slice %arg14[%dma_wait3A_219, %dma_wait3A_220] : memref<2048x128xf32, #tpu.memory_space<vmem_shared>> -> memref<2048x128xf32, #tpu.memory_space<vmem_shared>>
        tpu.wait_indirect_dma semaphore(%run_scoped3A_209 : memref<!tpu.dma_semaphore, #tpu.memory_space<semaphore_mem>>) src(%arg10 : memref<64x128xf32, #tpu.memory_space<vmem>>) dst(%dma_wait3A_221 : memref<2048x128xf32, #tpu.memory_space<vmem_shared>>)
        tpu.yield
      }) : () -> ()
      %add3A_164 = arith.constant 4 : i32
      %add3A_165 = arith.addi %add3A_155, %add3A_164 : i32
      %lt3A_166 = arith.constant 127 : i32
      %lt3A_167 = arith.cmpi slt, %add3A_165, %lt3A_166 : i32
      %convert_element_type3A_168 = arith.extui %lt3A_167 : i1 to i32
      %cond3A_169 = arith.constant 0 : i32
      %cond3A_170 = arith.cmpi ne, %convert_element_type3A_168, %cond3A_169 : i32
      scf.if %cond3A_170 {
        %mul3A_209 = arith.constant 64 : i32
        %mul3A_210 = arith.muli %add3A_165, %mul3A_209 : i32
        %dma_start3A_211 = arith.constant 0 : i32
        %dma_start3A_212 = tpu.memref_slice %arg3[%add3A, %mul3A_210, %dma_start3A_211] : memref<32x8128x128xf32, #tpu.memory_space<hbm>> -> memref<1x64x128xf32, #tpu.memory_space<hbm>>
        %dma_start3A_213 = tpu.memref_squeeze %dma_start3A_212 : memref<1x64x128xf32, #tpu.memory_space<hbm>> -> memref<64x128xf32, #tpu.memory_space<hbm>>
        %dma_start3A_214 = arith.constant 0 : i32
        %dma_start3A_215 = tpu.memref_slice %arg3[%add3A, %mul3A_210, %dma_start3A_214] : memref<32x8128x128xf32, #tpu.memory_space<hbm>> -> memref<1x64x128xf32, #tpu.memory_space<hbm>>
        %dma_start3A_216 = tpu.memref_squeeze %dma_start3A_215 : memref<1x64x128xf32, #tpu.memory_space<hbm>> -> memref<64x128xf32, #tpu.memory_space<hbm>>
        tpu.enqueue_dma source(%dma_start3A_216 : memref<64x128xf32, #tpu.memory_space<hbm>>) target(%arg10 : memref<64x128xf32, #tpu.memory_space<vmem>>) target_semaphore(%arg16 : memref<!tpu.dma_semaphore, #tpu.memory_space<semaphore_mem>>)
      } else {
      }
      %mul3A_171 = arith.constant 4 : i32
      %mul3A_172 = arith.muli %scan3A_135, %mul3A_171 : i32
      %add3A_173 = arith.constant 2 : i32
      %add3A_174 = arith.addi %mul3A_172, %add3A_173 : i32
      %mul3A_175 = arith.constant 64 : i32
      %mul3A_176 = arith.muli %add3A_174, %mul3A_175 : i32
      %dma_wait3A_177 = arith.constant 0 : i32
      %dma_wait3A_178 = tpu.memref_slice %arg3[%add3A, %mul3A_176, %dma_wait3A_177] : memref<32x8128x128xf32, #tpu.memory_space<hbm>> -> memref<1x64x128xf32, #tpu.memory_space<hbm>>
      %dma_wait3A_179 = tpu.memref_squeeze %dma_wait3A_178 : memref<1x64x128xf32, #tpu.memory_space<hbm>> -> memref<64x128xf32, #tpu.memory_space<hbm>>
      %dma_wait3A_180 = arith.constant 0 : i32
      %dma_wait3A_181 = tpu.memref_slice %arg3[%add3A, %mul3A_176, %dma_wait3A_180] : memref<32x8128x128xf32, #tpu.memory_space<hbm>> -> memref<1x64x128xf32, #tpu.memory_space<hbm>>
      %dma_wait3A_182 = tpu.memref_squeeze %dma_wait3A_181 : memref<1x64x128xf32, #tpu.memory_space<hbm>> -> memref<64x128xf32, #tpu.memory_space<hbm>>
      tpu.wait_dma2 semaphore(%arg17 : memref<!tpu.dma_semaphore, #tpu.memory_space<semaphore_mem>>) src(%dma_wait3A_182 : memref<64x128xf32, #tpu.memory_space<hbm>>) dst(%arg11 : memref<64x128xf32, #tpu.memory_space<vmem>>)
      "tpu.region"() ({
        %run_scoped3A_209 = tpu.sem_alloc : memref<!tpu.dma_semaphore, #tpu.memory_space<semaphore_mem>>
        %dma_start3A_210 = arith.constant 0 : i32
        %dma_start3A_211 = tpu.memref_slice %arg8[%add3A_174, %dma_start3A_210] : memref<127x64xi32, #tpu.memory_space<vmem>> -> memref<1x64xi32, #tpu.memory_space<vmem>>
        %dma_start3A_212 = tpu.memref_squeeze %dma_start3A_211 : memref<1x64xi32, #tpu.memory_space<vmem>> -> memref<64xi32, #tpu.memory_space<vmem>>
        %dma_start3A_213 = arith.constant 0 : i32
        %dma_start3A_214 = arith.constant 0 : i32
        %dma_start3A_215 = tpu.memref_slice %arg14[%dma_start3A_213, %dma_start3A_214] : memref<2048x128xf32, #tpu.memory_space<vmem_shared>> -> memref<2048x128xf32, #tpu.memory_space<vmem_shared>>
        tpu.enqueue_indirect_dma source(%arg11 : memref<64x128xf32, #tpu.memory_space<vmem>>) target(%dma_start3A_215 : memref<2048x128xf32, #tpu.memory_space<vmem_shared>>) offsets(%dma_start3A_212 : memref<64xi32, #tpu.memory_space<vmem>>) semaphore(%run_scoped3A_209 : memref<!tpu.dma_semaphore, #tpu.memory_space<semaphore_mem>>) {add = true}
        %dma_wait3A_216 = arith.constant 0 : i32
        %dma_wait3A_217 = tpu.memref_slice %arg8[%add3A_174, %dma_wait3A_216] : memref<127x64xi32, #tpu.memory_space<vmem>> -> memref<1x64xi32, #tpu.memory_space<vmem>>
        %dma_wait3A_218 = tpu.memref_squeeze %dma_wait3A_217 : memref<1x64xi32, #tpu.memory_space<vmem>> -> memref<64xi32, #tpu.memory_space<vmem>>
        %dma_wait3A_219 = arith.constant 0 : i32
        %dma_wait3A_220 = arith.constant 0 : i32
        %dma_wait3A_221 = tpu.memref_slice %arg14[%dma_wait3A_219, %dma_wait3A_220] : memref<2048x128xf32, #tpu.memory_space<vmem_shared>> -> memref<2048x128xf32, #tpu.memory_space<vmem_shared>>
        tpu.wait_indirect_dma semaphore(%run_scoped3A_209 : memref<!tpu.dma_semaphore, #tpu.memory_space<semaphore_mem>>) src(%arg11 : memref<64x128xf32, #tpu.memory_space<vmem>>) dst(%dma_wait3A_221 : memref<2048x128xf32, #tpu.memory_space<vmem_shared>>)
        tpu.yield
      }) : () -> ()
      %add3A_183 = arith.constant 4 : i32
      %add3A_184 = arith.addi %add3A_174, %add3A_183 : i32
      %lt3A_185 = arith.constant 127 : i32
      %lt3A_186 = arith.cmpi slt, %add3A_184, %lt3A_185 : i32
      %convert_element_type3A_187 = arith.extui %lt3A_186 : i1 to i32
      %cond3A_188 = arith.constant 0 : i32
      %cond3A_189 = arith.cmpi ne, %convert_element_type3A_187, %cond3A_188 : i32
      scf.if %cond3A_189 {
        %mul3A_209 = arith.constant 64 : i32
        %mul3A_210 = arith.muli %add3A_184, %mul3A_209 : i32
        %dma_start3A_211 = arith.constant 0 : i32
        %dma_start3A_212 = tpu.memref_slice %arg3[%add3A, %mul3A_210, %dma_start3A_211] : memref<32x8128x128xf32, #tpu.memory_space<hbm>> -> memref<1x64x128xf32, #tpu.memory_space<hbm>>
        %dma_start3A_213 = tpu.memref_squeeze %dma_start3A_212 : memref<1x64x128xf32, #tpu.memory_space<hbm>> -> memref<64x128xf32, #tpu.memory_space<hbm>>
        %dma_start3A_214 = arith.constant 0 : i32
        %dma_start3A_215 = tpu.memref_slice %arg3[%add3A, %mul3A_210, %dma_start3A_214] : memref<32x8128x128xf32, #tpu.memory_space<hbm>> -> memref<1x64x128xf32, #tpu.memory_space<hbm>>
        %dma_start3A_216 = tpu.memref_squeeze %dma_start3A_215 : memref<1x64x128xf32, #tpu.memory_space<hbm>> -> memref<64x128xf32, #tpu.memory_space<hbm>>
        tpu.enqueue_dma source(%dma_start3A_216 : memref<64x128xf32, #tpu.memory_space<hbm>>) target(%arg11 : memref<64x128xf32, #tpu.memory_space<vmem>>) target_semaphore(%arg17 : memref<!tpu.dma_semaphore, #tpu.memory_space<semaphore_mem>>)
      } else {
      }
      %mul3A_190 = arith.constant 4 : i32
      %mul3A_191 = arith.muli %scan3A_135, %mul3A_190 : i32
      %add3A_192 = arith.constant 3 : i32
      %add3A_193 = arith.addi %mul3A_191, %add3A_192 : i32
      %mul3A_194 = arith.constant 64 : i32
      %mul3A_195 = arith.muli %add3A_193, %mul3A_194 : i32
      %dma_wait3A_196 = arith.constant 0 : i32
      %dma_wait3A_197 = tpu.memref_slice %arg3[%add3A, %mul3A_195, %dma_wait3A_196] : memref<32x8128x128xf32, #tpu.memory_space<hbm>> -> memref<1x64x128xf32, #tpu.memory_space<hbm>>
      %dma_wait3A_198 = tpu.memref_squeeze %dma_wait3A_197 : memref<1x64x128xf32, #tpu.memory_space<hbm>> -> memref<64x128xf32, #tpu.memory_space<hbm>>
      %dma_wait3A_199 = arith.constant 0 : i32
      %dma_wait3A_200 = tpu.memref_slice %arg3[%add3A, %mul3A_195, %dma_wait3A_199] : memref<32x8128x128xf32, #tpu.memory_space<hbm>> -> memref<1x64x128xf32, #tpu.memory_space<hbm>>
      %dma_wait3A_201 = tpu.memref_squeeze %dma_wait3A_200 : memref<1x64x128xf32, #tpu.memory_space<hbm>> -> memref<64x128xf32, #tpu.memory_space<hbm>>
      tpu.wait_dma2 semaphore(%arg18 : memref<!tpu.dma_semaphore, #tpu.memory_space<semaphore_mem>>) src(%dma_wait3A_201 : memref<64x128xf32, #tpu.memory_space<hbm>>) dst(%arg12 : memref<64x128xf32, #tpu.memory_space<vmem>>)
      "tpu.region"() ({
        %run_scoped3A_209 = tpu.sem_alloc : memref<!tpu.dma_semaphore, #tpu.memory_space<semaphore_mem>>
        %dma_start3A_210 = arith.constant 0 : i32
        %dma_start3A_211 = tpu.memref_slice %arg8[%add3A_193, %dma_start3A_210] : memref<127x64xi32, #tpu.memory_space<vmem>> -> memref<1x64xi32, #tpu.memory_space<vmem>>
        %dma_start3A_212 = tpu.memref_squeeze %dma_start3A_211 : memref<1x64xi32, #tpu.memory_space<vmem>> -> memref<64xi32, #tpu.memory_space<vmem>>
        %dma_start3A_213 = arith.constant 0 : i32
        %dma_start3A_214 = arith.constant 0 : i32
        %dma_start3A_215 = tpu.memref_slice %arg14[%dma_start3A_213, %dma_start3A_214] : memref<2048x128xf32, #tpu.memory_space<vmem_shared>> -> memref<2048x128xf32, #tpu.memory_space<vmem_shared>>
        tpu.enqueue_indirect_dma source(%arg12 : memref<64x128xf32, #tpu.memory_space<vmem>>) target(%dma_start3A_215 : memref<2048x128xf32, #tpu.memory_space<vmem_shared>>) offsets(%dma_start3A_212 : memref<64xi32, #tpu.memory_space<vmem>>) semaphore(%run_scoped3A_209 : memref<!tpu.dma_semaphore, #tpu.memory_space<semaphore_mem>>) {add = true}
        %dma_wait3A_216 = arith.constant 0 : i32
        %dma_wait3A_217 = tpu.memref_slice %arg8[%add3A_193, %dma_wait3A_216] : memref<127x64xi32, #tpu.memory_space<vmem>> -> memref<1x64xi32, #tpu.memory_space<vmem>>
        %dma_wait3A_218 = tpu.memref_squeeze %dma_wait3A_217 : memref<1x64xi32, #tpu.memory_space<vmem>> -> memref<64xi32, #tpu.memory_space<vmem>>
        %dma_wait3A_219 = arith.constant 0 : i32
        %dma_wait3A_220 = arith.constant 0 : i32
        %dma_wait3A_221 = tpu.memref_slice %arg14[%dma_wait3A_219, %dma_wait3A_220] : memref<2048x128xf32, #tpu.memory_space<vmem_shared>> -> memref<2048x128xf32, #tpu.memory_space<vmem_shared>>
        tpu.wait_indirect_dma semaphore(%run_scoped3A_209 : memref<!tpu.dma_semaphore, #tpu.memory_space<semaphore_mem>>) src(%arg12 : memref<64x128xf32, #tpu.memory_space<vmem>>) dst(%dma_wait3A_221 : memref<2048x128xf32, #tpu.memory_space<vmem_shared>>)
        tpu.yield
      }) : () -> ()
      %add3A_202 = arith.constant 4 : i32
      %add3A_203 = arith.addi %add3A_193, %add3A_202 : i32
      %lt3A_204 = arith.constant 127 : i32
      %lt3A_205 = arith.cmpi slt, %add3A_203, %lt3A_204 : i32
      %convert_element_type3A_206 = arith.extui %lt3A_205 : i1 to i32
      %cond3A_207 = arith.constant 0 : i32
      %cond3A_208 = arith.cmpi ne, %convert_element_type3A_206, %cond3A_207 : i32
      scf.if %cond3A_208 {
        %mul3A_209 = arith.constant 64 : i32
        %mul3A_210 = arith.muli %add3A_203, %mul3A_209 : i32
        %dma_start3A_211 = arith.constant 0 : i32
        %dma_start3A_212 = tpu.memref_slice %arg3[%add3A, %mul3A_210, %dma_start3A_211] : memref<32x8128x128xf32, #tpu.memory_space<hbm>> -> memref<1x64x128xf32, #tpu.memory_space<hbm>>
        %dma_start3A_213 = tpu.memref_squeeze %dma_start3A_212 : memref<1x64x128xf32, #tpu.memory_space<hbm>> -> memref<64x128xf32, #tpu.memory_space<hbm>>
        %dma_start3A_214 = arith.constant 0 : i32
        %dma_start3A_215 = tpu.memref_slice %arg3[%add3A, %mul3A_210, %dma_start3A_214] : memref<32x8128x128xf32, #tpu.memory_space<hbm>> -> memref<1x64x128xf32, #tpu.memory_space<hbm>>
        %dma_start3A_216 = tpu.memref_squeeze %dma_start3A_215 : memref<1x64x128xf32, #tpu.memory_space<hbm>> -> memref<64x128xf32, #tpu.memory_space<hbm>>
        tpu.enqueue_dma source(%dma_start3A_216 : memref<64x128xf32, #tpu.memory_space<hbm>>) target(%arg12 : memref<64x128xf32, #tpu.memory_space<vmem>>) target_semaphore(%arg18 : memref<!tpu.dma_semaphore, #tpu.memory_space<semaphore_mem>>)
      } else {
      }
    }
    %scan3A_103 = arith.constant 31 : i32
    %dma_wait3A_104 = arith.constant 7936 : i32
    %dma_wait3A_105 = arith.constant 0 : i32
    %dma_wait3A_106 = tpu.memref_slice %arg3[%add3A, %dma_wait3A_104, %dma_wait3A_105] : memref<32x8128x128xf32, #tpu.memory_space<hbm>> -> memref<1x64x128xf32, #tpu.memory_space<hbm>>
    %dma_wait3A_107 = tpu.memref_squeeze %dma_wait3A_106 : memref<1x64x128xf32, #tpu.memory_space<hbm>> -> memref<64x128xf32, #tpu.memory_space<hbm>>
    %dma_wait3A_108 = arith.constant 7936 : i32
    %dma_wait3A_109 = arith.constant 0 : i32
    %dma_wait3A_110 = tpu.memref_slice %arg3[%add3A, %dma_wait3A_108, %dma_wait3A_109] : memref<32x8128x128xf32, #tpu.memory_space<hbm>> -> memref<1x64x128xf32, #tpu.memory_space<hbm>>
    %dma_wait3A_111 = tpu.memref_squeeze %dma_wait3A_110 : memref<1x64x128xf32, #tpu.memory_space<hbm>> -> memref<64x128xf32, #tpu.memory_space<hbm>>
    tpu.wait_dma2 semaphore(%arg15 : memref<!tpu.dma_semaphore, #tpu.memory_space<semaphore_mem>>) src(%dma_wait3A_111 : memref<64x128xf32, #tpu.memory_space<hbm>>) dst(%arg9 : memref<64x128xf32, #tpu.memory_space<vmem>>)
    %run_scoped3A_112 = arith.constant 124 : i32
    "tpu.region"() ({
      %run_scoped3A_135 = tpu.sem_alloc : memref<!tpu.dma_semaphore, #tpu.memory_space<semaphore_mem>>
      %dma_start3A_136 = arith.constant 0 : i32
      %dma_start3A_137 = tpu.memref_slice %arg8[%run_scoped3A_112, %dma_start3A_136] : memref<127x64xi32, #tpu.memory_space<vmem>> -> memref<1x64xi32, #tpu.memory_space<vmem>>
      %dma_start3A_138 = tpu.memref_squeeze %dma_start3A_137 : memref<1x64xi32, #tpu.memory_space<vmem>> -> memref<64xi32, #tpu.memory_space<vmem>>
      %dma_start3A_139 = arith.constant 0 : i32
      %dma_start3A_140 = arith.constant 0 : i32
      %dma_start3A_141 = tpu.memref_slice %arg14[%dma_start3A_139, %dma_start3A_140] : memref<2048x128xf32, #tpu.memory_space<vmem_shared>> -> memref<2048x128xf32, #tpu.memory_space<vmem_shared>>
      tpu.enqueue_indirect_dma source(%arg9 : memref<64x128xf32, #tpu.memory_space<vmem>>) target(%dma_start3A_141 : memref<2048x128xf32, #tpu.memory_space<vmem_shared>>) offsets(%dma_start3A_138 : memref<64xi32, #tpu.memory_space<vmem>>) semaphore(%run_scoped3A_135 : memref<!tpu.dma_semaphore, #tpu.memory_space<semaphore_mem>>) {add = true}
      %dma_wait3A_142 = arith.constant 0 : i32
      %dma_wait3A_143 = tpu.memref_slice %arg8[%run_scoped3A_112, %dma_wait3A_142] : memref<127x64xi32, #tpu.memory_space<vmem>> -> memref<1x64xi32, #tpu.memory_space<vmem>>
      %dma_wait3A_144 = tpu.memref_squeeze %dma_wait3A_143 : memref<1x64xi32, #tpu.memory_space<vmem>> -> memref<64xi32, #tpu.memory_space<vmem>>
      %dma_wait3A_145 = arith.constant 0 : i32
      %dma_wait3A_146 = arith.constant 0 : i32
      %dma_wait3A_147 = tpu.memref_slice %arg14[%dma_wait3A_145, %dma_wait3A_146] : memref<2048x128xf32, #tpu.memory_space<vmem_shared>> -> memref<2048x128xf32, #tpu.memory_space<vmem_shared>>
      tpu.wait_indirect_dma semaphore(%run_scoped3A_135 : memref<!tpu.dma_semaphore, #tpu.memory_space<semaphore_mem>>) src(%arg9 : memref<64x128xf32, #tpu.memory_space<vmem>>) dst(%dma_wait3A_147 : memref<2048x128xf32, #tpu.memory_space<vmem_shared>>)
      tpu.yield
    }) : () -> ()
    %dma_wait3A_113 = arith.constant 8000 : i32
    %dma_wait3A_114 = arith.constant 0 : i32
    %dma_wait3A_115 = tpu.memref_slice %arg3[%add3A, %dma_wait3A_113, %dma_wait3A_114] : memref<32x8128x128xf32, #tpu.memory_space<hbm>> -> memref<1x64x128xf32, #tpu.memory_space<hbm>>
    %dma_wait3A_116 = tpu.memref_squeeze %dma_wait3A_115 : memref<1x64x128xf32, #tpu.memory_space<hbm>> -> memref<64x128xf32, #tpu.memory_space<hbm>>
    %dma_wait3A_117 = arith.constant 8000 : i32
    %dma_wait3A_118 = arith.constant 0 : i32
    %dma_wait3A_119 = tpu.memref_slice %arg3[%add3A, %dma_wait3A_117, %dma_wait3A_118] : memref<32x8128x128xf32, #tpu.memory_space<hbm>> -> memref<1x64x128xf32, #tpu.memory_space<hbm>>
    %dma_wait3A_120 = tpu.memref_squeeze %dma_wait3A_119 : memref<1x64x128xf32, #tpu.memory_space<hbm>> -> memref<64x128xf32, #tpu.memory_space<hbm>>
    tpu.wait_dma2 semaphore(%arg16 : memref<!tpu.dma_semaphore, #tpu.memory_space<semaphore_mem>>) src(%dma_wait3A_120 : memref<64x128xf32, #tpu.memory_space<hbm>>) dst(%arg10 : memref<64x128xf32, #tpu.memory_space<vmem>>)
    %run_scoped3A_121 = arith.constant 125 : i32
    "tpu.region"() ({
      %run_scoped3A_135 = tpu.sem_alloc : memref<!tpu.dma_semaphore, #tpu.memory_space<semaphore_mem>>
      %dma_start3A_136 = arith.constant 0 : i32
      %dma_start3A_137 = tpu.memref_slice %arg8[%run_scoped3A_121, %dma_start3A_136] : memref<127x64xi32, #tpu.memory_space<vmem>> -> memref<1x64xi32, #tpu.memory_space<vmem>>
      %dma_start3A_138 = tpu.memref_squeeze %dma_start3A_137 : memref<1x64xi32, #tpu.memory_space<vmem>> -> memref<64xi32, #tpu.memory_space<vmem>>
      %dma_start3A_139 = arith.constant 0 : i32
      %dma_start3A_140 = arith.constant 0 : i32
      %dma_start3A_141 = tpu.memref_slice %arg14[%dma_start3A_139, %dma_start3A_140] : memref<2048x128xf32, #tpu.memory_space<vmem_shared>> -> memref<2048x128xf32, #tpu.memory_space<vmem_shared>>
      tpu.enqueue_indirect_dma source(%arg10 : memref<64x128xf32, #tpu.memory_space<vmem>>) target(%dma_start3A_141 : memref<2048x128xf32, #tpu.memory_space<vmem_shared>>) offsets(%dma_start3A_138 : memref<64xi32, #tpu.memory_space<vmem>>) semaphore(%run_scoped3A_135 : memref<!tpu.dma_semaphore, #tpu.memory_space<semaphore_mem>>) {add = true}
      %dma_wait3A_142 = arith.constant 0 : i32
      %dma_wait3A_143 = tpu.memref_slice %arg8[%run_scoped3A_121, %dma_wait3A_142] : memref<127x64xi32, #tpu.memory_space<vmem>> -> memref<1x64xi32, #tpu.memory_space<vmem>>
      %dma_wait3A_144 = tpu.memref_squeeze %dma_wait3A_143 : memref<1x64xi32, #tpu.memory_space<vmem>> -> memref<64xi32, #tpu.memory_space<vmem>>
      %dma_wait3A_145 = arith.constant 0 : i32
      %dma_wait3A_146 = arith.constant 0 : i32
      %dma_wait3A_147 = tpu.memref_slice %arg14[%dma_wait3A_145, %dma_wait3A_146] : memref<2048x128xf32, #tpu.memory_space<vmem_shared>> -> memref<2048x128xf32, #tpu.memory_space<vmem_shared>>
      tpu.wait_indirect_dma semaphore(%run_scoped3A_135 : memref<!tpu.dma_semaphore, #tpu.memory_space<semaphore_mem>>) src(%arg10 : memref<64x128xf32, #tpu.memory_space<vmem>>) dst(%dma_wait3A_147 : memref<2048x128xf32, #tpu.memory_space<vmem_shared>>)
      tpu.yield
    }) : () -> ()
    %dma_wait3A_122 = arith.constant 8064 : i32
    %dma_wait3A_123 = arith.constant 0 : i32
    %dma_wait3A_124 = tpu.memref_slice %arg3[%add3A, %dma_wait3A_122, %dma_wait3A_123] : memref<32x8128x128xf32, #tpu.memory_space<hbm>> -> memref<1x64x128xf32, #tpu.memory_space<hbm>>
    %dma_wait3A_125 = tpu.memref_squeeze %dma_wait3A_124 : memref<1x64x128xf32, #tpu.memory_space<hbm>> -> memref<64x128xf32, #tpu.memory_space<hbm>>
    %dma_wait3A_126 = arith.constant 8064 : i32
    %dma_wait3A_127 = arith.constant 0 : i32
    %dma_wait3A_128 = tpu.memref_slice %arg3[%add3A, %dma_wait3A_126, %dma_wait3A_127] : memref<32x8128x128xf32, #tpu.memory_space<hbm>> -> memref<1x64x128xf32, #tpu.memory_space<hbm>>
    %dma_wait3A_129 = tpu.memref_squeeze %dma_wait3A_128 : memref<1x64x128xf32, #tpu.memory_space<hbm>> -> memref<64x128xf32, #tpu.memory_space<hbm>>
    tpu.wait_dma2 semaphore(%arg17 : memref<!tpu.dma_semaphore, #tpu.memory_space<semaphore_mem>>) src(%dma_wait3A_129 : memref<64x128xf32, #tpu.memory_space<hbm>>) dst(%arg11 : memref<64x128xf32, #tpu.memory_space<vmem>>)
    %run_scoped3A_130 = arith.constant 126 : i32
    "tpu.region"() ({
      %run_scoped3A_135 = tpu.sem_alloc : memref<!tpu.dma_semaphore, #tpu.memory_space<semaphore_mem>>
      %dma_start3A_136 = arith.constant 0 : i32
      %dma_start3A_137 = tpu.memref_slice %arg8[%run_scoped3A_130, %dma_start3A_136] : memref<127x64xi32, #tpu.memory_space<vmem>> -> memref<1x64xi32, #tpu.memory_space<vmem>>
      %dma_start3A_138 = tpu.memref_squeeze %dma_start3A_137 : memref<1x64xi32, #tpu.memory_space<vmem>> -> memref<64xi32, #tpu.memory_space<vmem>>
      %dma_start3A_139 = arith.constant 0 : i32
      %dma_start3A_140 = arith.constant 0 : i32
      %dma_start3A_141 = tpu.memref_slice %arg14[%dma_start3A_139, %dma_start3A_140] : memref<2048x128xf32, #tpu.memory_space<vmem_shared>> -> memref<2048x128xf32, #tpu.memory_space<vmem_shared>>
      tpu.enqueue_indirect_dma source(%arg11 : memref<64x128xf32, #tpu.memory_space<vmem>>) target(%dma_start3A_141 : memref<2048x128xf32, #tpu.memory_space<vmem_shared>>) offsets(%dma_start3A_138 : memref<64xi32, #tpu.memory_space<vmem>>) semaphore(%run_scoped3A_135 : memref<!tpu.dma_semaphore, #tpu.memory_space<semaphore_mem>>) {add = true}
      %dma_wait3A_142 = arith.constant 0 : i32
      %dma_wait3A_143 = tpu.memref_slice %arg8[%run_scoped3A_130, %dma_wait3A_142] : memref<127x64xi32, #tpu.memory_space<vmem>> -> memref<1x64xi32, #tpu.memory_space<vmem>>
      %dma_wait3A_144 = tpu.memref_squeeze %dma_wait3A_143 : memref<1x64xi32, #tpu.memory_space<vmem>> -> memref<64xi32, #tpu.memory_space<vmem>>
      %dma_wait3A_145 = arith.constant 0 : i32
      %dma_wait3A_146 = arith.constant 0 : i32
      %dma_wait3A_147 = tpu.memref_slice %arg14[%dma_wait3A_145, %dma_wait3A_146] : memref<2048x128xf32, #tpu.memory_space<vmem_shared>> -> memref<2048x128xf32, #tpu.memory_space<vmem_shared>>
      tpu.wait_indirect_dma semaphore(%run_scoped3A_135 : memref<!tpu.dma_semaphore, #tpu.memory_space<semaphore_mem>>) src(%arg11 : memref<64x128xf32, #tpu.memory_space<vmem>>) dst(%dma_wait3A_147 : memref<2048x128xf32, #tpu.memory_space<vmem_shared>>)
      tpu.yield
    }) : () -> ()
    %mul3A_131 = arith.constant 128 : i32
    %mul3A_132 = arith.muli %arg1, %mul3A_131 : i32
    "tpu.region"() ({
      %run_scoped3A_135 = tpu.sem_alloc : memref<!tpu.dma_semaphore, #tpu.memory_space<semaphore_mem>>
      %dma_start3A_136 = arith.constant 0 : i32
      %dma_start3A_137 = arith.constant 0 : i32
      %dma_start3A_138 = tpu.memref_slice %arg6[%add3A, %dma_start3A_136, %dma_start3A_137] : memref<32x128x128xf32, #tpu.memory_space<hbm>> -> memref<1x128x128xf32, #tpu.memory_space<hbm>>
      %dma_start3A_139 = tpu.memref_squeeze %dma_start3A_138 : memref<1x128x128xf32, #tpu.memory_space<hbm>> -> memref<128x128xf32, #tpu.memory_space<hbm>>
      %dma_start3A_140 = arith.constant 0 : i32
      %dma_start3A_141 = tpu.memref_slice %arg13[%mul3A_132, %dma_start3A_140] : memref<2048x128xf32, #tpu.memory_space<vmem_shared>> -> memref<128x128xf32, #tpu.memory_space<vmem_shared>>
      tpu.enqueue_dma source(%dma_start3A_141 : memref<128x128xf32, #tpu.memory_space<vmem_shared>>) target(%dma_start3A_139 : memref<128x128xf32, #tpu.memory_space<hbm>>) target_semaphore(%run_scoped3A_135 : memref<!tpu.dma_semaphore, #tpu.memory_space<semaphore_mem>>)
      %dma_wait3A_142 = arith.constant 0 : i32
      %dma_wait3A_143 = arith.constant 0 : i32
      %dma_wait3A_144 = tpu.memref_slice %arg6[%add3A, %dma_wait3A_142, %dma_wait3A_143] : memref<32x128x128xf32, #tpu.memory_space<hbm>> -> memref<1x128x128xf32, #tpu.memory_space<hbm>>
      %dma_wait3A_145 = tpu.memref_squeeze %dma_wait3A_144 : memref<1x128x128xf32, #tpu.memory_space<hbm>> -> memref<128x128xf32, #tpu.memory_space<hbm>>
      %dma_wait3A_146 = arith.constant 0 : i32
      %dma_wait3A_147 = tpu.memref_slice %arg13[%mul3A_132, %dma_wait3A_146] : memref<2048x128xf32, #tpu.memory_space<vmem_shared>> -> memref<128x128xf32, #tpu.memory_space<vmem_shared>>
      tpu.wait_dma2 semaphore(%run_scoped3A_135 : memref<!tpu.dma_semaphore, #tpu.memory_space<semaphore_mem>>) src(%dma_wait3A_147 : memref<128x128xf32, #tpu.memory_space<vmem_shared>>) dst(%dma_wait3A_145 : memref<128x128xf32, #tpu.memory_space<hbm>>)
      tpu.yield
    }) : () -> ()
    %mul3A_133 = arith.constant 128 : i32
    %mul3A_134 = arith.muli %arg1, %mul3A_133 : i32
    "tpu.region"() ({
      %run_scoped3A_135 = tpu.sem_alloc : memref<!tpu.dma_semaphore, #tpu.memory_space<semaphore_mem>>
      %dma_start3A_136 = arith.constant 0 : i32
      %dma_start3A_137 = arith.constant 0 : i32
      %dma_start3A_138 = tpu.memref_slice %arg7[%add3A, %dma_start3A_136, %dma_start3A_137] : memref<32x128x128xf32, #tpu.memory_space<hbm>> -> memref<1x128x128xf32, #tpu.memory_space<hbm>>
      %dma_start3A_139 = tpu.memref_squeeze %dma_start3A_138 : memref<1x128x128xf32, #tpu.memory_space<hbm>> -> memref<128x128xf32, #tpu.memory_space<hbm>>
      %dma_start3A_140 = arith.constant 0 : i32
      %dma_start3A_141 = tpu.memref_slice %arg14[%mul3A_134, %dma_start3A_140] : memref<2048x128xf32, #tpu.memory_space<vmem_shared>> -> memref<128x128xf32, #tpu.memory_space<vmem_shared>>
      tpu.enqueue_dma source(%dma_start3A_141 : memref<128x128xf32, #tpu.memory_space<vmem_shared>>) target(%dma_start3A_139 : memref<128x128xf32, #tpu.memory_space<hbm>>) target_semaphore(%run_scoped3A_135 : memref<!tpu.dma_semaphore, #tpu.memory_space<semaphore_mem>>)
      %dma_wait3A_142 = arith.constant 0 : i32
      %dma_wait3A_143 = arith.constant 0 : i32
      %dma_wait3A_144 = tpu.memref_slice %arg7[%add3A, %dma_wait3A_142, %dma_wait3A_143] : memref<32x128x128xf32, #tpu.memory_space<hbm>> -> memref<1x128x128xf32, #tpu.memory_space<hbm>>
      %dma_wait3A_145 = tpu.memref_squeeze %dma_wait3A_144 : memref<1x128x128xf32, #tpu.memory_space<hbm>> -> memref<128x128xf32, #tpu.memory_space<hbm>>
      %dma_wait3A_146 = arith.constant 0 : i32
      %dma_wait3A_147 = tpu.memref_slice %arg14[%mul3A_134, %dma_wait3A_146] : memref<2048x128xf32, #tpu.memory_space<vmem_shared>> -> memref<128x128xf32, #tpu.memory_space<vmem_shared>>
      tpu.wait_dma2 semaphore(%run_scoped3A_135 : memref<!tpu.dma_semaphore, #tpu.memory_space<semaphore_mem>>) src(%dma_wait3A_147 : memref<128x128xf32, #tpu.memory_space<vmem_shared>>) dst(%dma_wait3A_145 : memref<128x128xf32, #tpu.memory_space<hbm>>)
      tpu.yield
    }) : () -> ()
    return
  }
}

module attributes {stable_mosaic.version = 14 : i64} {
  func.func @_finish_kernel(%arg0: i32, %arg1: memref<1x128xf32, #tpu.memory_space<vmem>>, %arg2: memref<8x128x128xf32, #tpu.memory_space<vmem>>, %arg3: memref<8x128x128xf32, #tpu.memory_space<vmem>>, %arg4: memref<8x128x128xf32, #tpu.memory_space<vmem>>) attributes {dimension_semantics = [#tpu.dimension_semantics<arbitrary>], iteration_bounds = array<i64: 4>, scalar_prefetch = 0 : i64, scratch_operands = 0 : i64, tpu.core_type = #tpu.core_type<tc>, window_params = [{pipeline_mode = #tpu.pipeline_mode<synchronous>, transform_indices = @transform_0, window_bounds = array<i64: 1, 128>}, {transform_indices = @transform_1, window_bounds = array<i64: 8, 128, 128>}, {transform_indices = @transform_2, window_bounds = array<i64: 8, 128, 128>}, {transform_indices = @transform_3, window_bounds = array<i64: 8, 128, 128>}]} {
    %get3A = arith.constant 0 : index
    %get3A_0 = arith.constant 0 : index
    %get3A_1 = arith.constant 0 : index
    %get3A_2 = vector.load %arg2[%get3A, %get3A_0, %get3A_1] : memref<8x128x128xf32, #tpu.memory_space<vmem>>, vector<1x128x128xf32>
    %get3A_3 = vector.shape_cast %get3A_2 : vector<1x128x128xf32> to vector<128x128xf32>
    %convert_element_type3A = arith.truncf %get3A_3 : vector<128x128xf32> to vector<128x128xbf16>
    %get3A_4 = arith.constant 0 : index
    %get3A_5 = arith.constant 0 : index
    %get3A_6 = arith.constant 0 : index
    %get3A_7 = vector.load %arg3[%get3A_4, %get3A_5, %get3A_6] : memref<8x128x128xf32, #tpu.memory_space<vmem>>, vector<1x128x128xf32>
    %get3A_8 = vector.shape_cast %get3A_7 : vector<1x128x128xf32> to vector<128x128xf32>
    %convert_element_type3A_9 = arith.truncf %get3A_8 : vector<128x128xf32> to vector<128x128xbf16>
    %dot_general3A = arith.constant dense<0.000000e+00> : vector<128x128xf32>
    %dot_general3A_10 = tpu.matmul %convert_element_type3A, %convert_element_type3A_9, %dot_general3A {dimension_numbers = #tpu.dot_dimension_numbers<[1], [1], [0], [0], [0, 0, 1, 0], [], []>, transpose_lhs_hint = false} : vector<128x128xbf16>, vector<128x128xbf16>, vector<128x128xf32> -> vector<128x128xf32>
    %mul3A = arith.constant 0.0883883461 : f32
    %mul3A_11 = vector.broadcast %mul3A : f32 to vector<128x128xf32>
    %mul3A_12 = arith.mulf %dot_general3A_10, %mul3A_11 : vector<128x128xf32>
    %get3A_13 = arith.constant 0 : index
    %get3A_14 = arith.constant 0 : index
    %get3A_15 = vector.load %arg1[%get3A_13, %get3A_14] : memref<1x128xf32, #tpu.memory_space<vmem>>, vector<1x128xf32>
    %mul3A_16 = vector.broadcast %get3A_15 : vector<1x128xf32> to vector<128x128xf32>
    %mul3A_17 = arith.mulf %mul3A_12, %mul3A_16 : vector<128x128xf32>
    %reduce_max3A = arith.constant dense<0xFF800000> : vector<128xf32>
    %reduce_max3A_18 = vector.multi_reduction <maximumf>, %mul3A_17, %reduce_max3A [1] : vector<128x128xf32> to vector<128xf32>
    %broadcast_in_dim3A = vector.shape_cast %reduce_max3A_18 : vector<128xf32> to vector<128x1xf32>
    %sub3A = vector.broadcast %broadcast_in_dim3A : vector<128x1xf32> to vector<128x128xf32>
    %sub3A_19 = arith.subf %mul3A_17, %sub3A : vector<128x128xf32>
    %exp3A = math.exp %sub3A_19 : vector<128x128xf32>
    %reduce_sum3A = arith.constant dense<0.000000e+00> : vector<128xf32>
    %reduce_sum3A_20 = vector.multi_reduction <add>, %exp3A, %reduce_sum3A [1] : vector<128x128xf32> to vector<128xf32>
    %broadcast_in_dim3A_21 = vector.shape_cast %reduce_sum3A_20 : vector<128xf32> to vector<128x1xf32>
    %div3A = vector.broadcast %broadcast_in_dim3A_21 : vector<128x1xf32> to vector<128x128xf32>
    %div3A_22 = arith.divf %exp3A, %div3A : vector<128x128xf32>
    %reduce_max3A_23 = arith.constant dense<0xFF800000> : vector<128xf32>
    %reduce_max3A_24 = vector.multi_reduction <maximumf>, %div3A_22, %reduce_max3A_23 [1] : vector<128x128xf32> to vector<128xf32>
    %broadcast_in_dim3A_25 = vector.shape_cast %reduce_max3A_24 : vector<128xf32> to vector<128x1xf32>
    %iota3A = tpu.iota {dimensions = array<i32: 1>} : vector<128x128xi32>
    %ge3A = vector.broadcast %broadcast_in_dim3A_25 : vector<128x1xf32> to vector<128x128xf32>
    %ge3A_26 = arith.cmpf oge, %div3A_22, %ge3A : vector<128x128xf32>
    %jit3A = arith.constant 128 : i32
    %broadcast_in_dim3A_27 = vector.broadcast %jit3A : i32 to vector<128x128xi32>
    %select_n3A = arith.select %ge3A_26, %iota3A, %broadcast_in_dim3A_27 : vector<128x128xi1>, vector<128x128xi32>
    %reduce_min3A = arith.constant dense<2147483647> : vector<128xi32>
    %reduce_min3A_28 = vector.multi_reduction <minsi>, %select_n3A, %reduce_min3A [1] : vector<128x128xi32> to vector<128xi32>
    %broadcast_in_dim3A_29 = vector.shape_cast %reduce_min3A_28 : vector<128xi32> to vector<128x1xi32>
    %eq3A = vector.broadcast %broadcast_in_dim3A_29 : vector<128x1xi32> to vector<128x128xi32>
    %eq3A_30 = arith.cmpi eq, %iota3A, %eq3A : vector<128x128xi32>
    %jit3A_31 = arith.constant 0.000000e+00 : f32
    %broadcast_in_dim3A_32 = vector.shape_cast %broadcast_in_dim3A_25 : vector<128x1xf32> to vector<128x1xf32>
    %broadcast_in_dim3A_33 = vector.broadcast %broadcast_in_dim3A_32 : vector<128x1xf32> to vector<128x128xf32>
    %broadcast_in_dim3A_34 = vector.broadcast %jit3A_31 : f32 to vector<128x128xf32>
    %select_n3A_35 = arith.select %eq3A_30, %broadcast_in_dim3A_33, %broadcast_in_dim3A_34 : vector<128x128xi1>, vector<128x128xf32>
    %swap3A = arith.constant 0 : index
    %swap3A_36 = arith.constant 0 : index
    %swap3A_37 = arith.constant 0 : index
    %swap3A_38 = vector.load %arg4[%swap3A, %swap3A_36, %swap3A_37] : memref<8x128x128xf32, #tpu.memory_space<vmem>>, vector<1x128x128xf32>
    %swap3A_39 = vector.shape_cast %swap3A_38 : vector<1x128x128xf32> to vector<128x128xf32>
    %swap3A_40 = vector.shape_cast %select_n3A_35 : vector<128x128xf32> to vector<1x128x128xf32>
    tpu.vector_store %arg4[%swap3A, %swap3A_36, %swap3A_37], %swap3A_40 {strides = array<i32>} : memref<8x128x128xf32, #tpu.memory_space<vmem>>, vector<1x128x128xf32>,
    %get3A_41 = arith.constant 1 : index
    %get3A_42 = arith.constant 0 : index
    %get3A_43 = arith.constant 0 : index
    %get3A_44 = vector.load %arg2[%get3A_41, %get3A_42, %get3A_43] : memref<8x128x128xf32, #tpu.memory_space<vmem>>, vector<1x128x128xf32>
    %get3A_45 = vector.shape_cast %get3A_44 : vector<1x128x128xf32> to vector<128x128xf32>
    %convert_element_type3A_46 = arith.truncf %get3A_45 : vector<128x128xf32> to vector<128x128xbf16>
    %get3A_47 = arith.constant 1 : index
    %get3A_48 = arith.constant 0 : index
    %get3A_49 = arith.constant 0 : index
    %get3A_50 = vector.load %arg3[%get3A_47, %get3A_48, %get3A_49] : memref<8x128x128xf32, #tpu.memory_space<vmem>>, vector<1x128x128xf32>
    %get3A_51 = vector.shape_cast %get3A_50 : vector<1x128x128xf32> to vector<128x128xf32>
    %convert_element_type3A_52 = arith.truncf %get3A_51 : vector<128x128xf32> to vector<128x128xbf16>
    %dot_general3A_53 = arith.constant dense<0.000000e+00> : vector<128x128xf32>
    %dot_general3A_54 = tpu.matmul %convert_element_type3A_46, %convert_element_type3A_52, %dot_general3A_53 {dimension_numbers = #tpu.dot_dimension_numbers<[1], [1], [0], [0], [0, 0, 1, 0], [], []>, transpose_lhs_hint = false} : vector<128x128xbf16>, vector<128x128xbf16>, vector<128x128xf32> -> vector<128x128xf32>
    %mul3A_55 = arith.constant 0.0883883461 : f32
    %mul3A_56 = vector.broadcast %mul3A_55 : f32 to vector<128x128xf32>
    %mul3A_57 = arith.mulf %dot_general3A_54, %mul3A_56 : vector<128x128xf32>
    %get3A_58 = arith.constant 0 : index
    %get3A_59 = arith.constant 0 : index
    %get3A_60 = vector.load %arg1[%get3A_58, %get3A_59] : memref<1x128xf32, #tpu.memory_space<vmem>>, vector<1x128xf32>
    %mul3A_61 = vector.broadcast %get3A_60 : vector<1x128xf32> to vector<128x128xf32>
    %mul3A_62 = arith.mulf %mul3A_57, %mul3A_61 : vector<128x128xf32>
    %reduce_max3A_63 = arith.constant dense<0xFF800000> : vector<128xf32>
    %reduce_max3A_64 = vector.multi_reduction <maximumf>, %mul3A_62, %reduce_max3A_63 [1] : vector<128x128xf32> to vector<128xf32>
    %broadcast_in_dim3A_65 = vector.shape_cast %reduce_max3A_64 : vector<128xf32> to vector<128x1xf32>
    %sub3A_66 = vector.broadcast %broadcast_in_dim3A_65 : vector<128x1xf32> to vector<128x128xf32>
    %sub3A_67 = arith.subf %mul3A_62, %sub3A_66 : vector<128x128xf32>
    %exp3A_68 = math.exp %sub3A_67 : vector<128x128xf32>
    %reduce_sum3A_69 = arith.constant dense<0.000000e+00> : vector<128xf32>
    %reduce_sum3A_70 = vector.multi_reduction <add>, %exp3A_68, %reduce_sum3A_69 [1] : vector<128x128xf32> to vector<128xf32>
    %broadcast_in_dim3A_71 = vector.shape_cast %reduce_sum3A_70 : vector<128xf32> to vector<128x1xf32>
    %div3A_72 = vector.broadcast %broadcast_in_dim3A_71 : vector<128x1xf32> to vector<128x128xf32>
    %div3A_73 = arith.divf %exp3A_68, %div3A_72 : vector<128x128xf32>
    %reduce_max3A_74 = arith.constant dense<0xFF800000> : vector<128xf32>
    %reduce_max3A_75 = vector.multi_reduction <maximumf>, %div3A_73, %reduce_max3A_74 [1] : vector<128x128xf32> to vector<128xf32>
    %broadcast_in_dim3A_76 = vector.shape_cast %reduce_max3A_75 : vector<128xf32> to vector<128x1xf32>
    %iota3A_77 = tpu.iota {dimensions = array<i32: 1>} : vector<128x128xi32>
    %ge3A_78 = vector.broadcast %broadcast_in_dim3A_76 : vector<128x1xf32> to vector<128x128xf32>
    %ge3A_79 = arith.cmpf oge, %div3A_73, %ge3A_78 : vector<128x128xf32>
    %jit3A_80 = arith.constant 128 : i32
    %broadcast_in_dim3A_81 = vector.broadcast %jit3A_80 : i32 to vector<128x128xi32>
    %select_n3A_82 = arith.select %ge3A_79, %iota3A_77, %broadcast_in_dim3A_81 : vector<128x128xi1>, vector<128x128xi32>
    %reduce_min3A_83 = arith.constant dense<2147483647> : vector<128xi32>
    %reduce_min3A_84 = vector.multi_reduction <minsi>, %select_n3A_82, %reduce_min3A_83 [1] : vector<128x128xi32> to vector<128xi32>
    %broadcast_in_dim3A_85 = vector.shape_cast %reduce_min3A_84 : vector<128xi32> to vector<128x1xi32>
    %eq3A_86 = vector.broadcast %broadcast_in_dim3A_85 : vector<128x1xi32> to vector<128x128xi32>
    %eq3A_87 = arith.cmpi eq, %iota3A_77, %eq3A_86 : vector<128x128xi32>
    %jit3A_88 = arith.constant 0.000000e+00 : f32
    %broadcast_in_dim3A_89 = vector.shape_cast %broadcast_in_dim3A_76 : vector<128x1xf32> to vector<128x1xf32>
    %broadcast_in_dim3A_90 = vector.broadcast %broadcast_in_dim3A_89 : vector<128x1xf32> to vector<128x128xf32>
    %broadcast_in_dim3A_91 = vector.broadcast %jit3A_88 : f32 to vector<128x128xf32>
    %select_n3A_92 = arith.select %eq3A_87, %broadcast_in_dim3A_90, %broadcast_in_dim3A_91 : vector<128x128xi1>, vector<128x128xf32>
    %swap3A_93 = arith.constant 1 : index
    %swap3A_94 = arith.constant 0 : index
    %swap3A_95 = arith.constant 0 : index
    %swap3A_96 = vector.load %arg4[%swap3A_93, %swap3A_94, %swap3A_95] : memref<8x128x128xf32, #tpu.memory_space<vmem>>, vector<1x128x128xf32>
    %swap3A_97 = vector.shape_cast %swap3A_96 : vector<1x128x128xf32> to vector<128x128xf32>
    %swap3A_98 = vector.shape_cast %select_n3A_92 : vector<128x128xf32> to vector<1x128x128xf32>
    tpu.vector_store %arg4[%swap3A_93, %swap3A_94, %swap3A_95], %swap3A_98 {strides = array<i32>} : memref<8x128x128xf32, #tpu.memory_space<vmem>>, vector<1x128x128xf32>,
    %get3A_99 = arith.constant 2 : index
    %get3A_100 = arith.constant 0 : index
    %get3A_101 = arith.constant 0 : index
    %get3A_102 = vector.load %arg2[%get3A_99, %get3A_100, %get3A_101] : memref<8x128x128xf32, #tpu.memory_space<vmem>>, vector<1x128x128xf32>
    %get3A_103 = vector.shape_cast %get3A_102 : vector<1x128x128xf32> to vector<128x128xf32>
    %convert_element_type3A_104 = arith.truncf %get3A_103 : vector<128x128xf32> to vector<128x128xbf16>
    %get3A_105 = arith.constant 2 : index
    %get3A_106 = arith.constant 0 : index
    %get3A_107 = arith.constant 0 : index
    %get3A_108 = vector.load %arg3[%get3A_105, %get3A_106, %get3A_107] : memref<8x128x128xf32, #tpu.memory_space<vmem>>, vector<1x128x128xf32>
    %get3A_109 = vector.shape_cast %get3A_108 : vector<1x128x128xf32> to vector<128x128xf32>
    %convert_element_type3A_110 = arith.truncf %get3A_109 : vector<128x128xf32> to vector<128x128xbf16>
    %dot_general3A_111 = arith.constant dense<0.000000e+00> : vector<128x128xf32>
    %dot_general3A_112 = tpu.matmul %convert_element_type3A_104, %convert_element_type3A_110, %dot_general3A_111 {dimension_numbers = #tpu.dot_dimension_numbers<[1], [1], [0], [0], [0, 0, 1, 0], [], []>, transpose_lhs_hint = false} : vector<128x128xbf16>, vector<128x128xbf16>, vector<128x128xf32> -> vector<128x128xf32>
    %mul3A_113 = arith.constant 0.0883883461 : f32
    %mul3A_114 = vector.broadcast %mul3A_113 : f32 to vector<128x128xf32>
    %mul3A_115 = arith.mulf %dot_general3A_112, %mul3A_114 : vector<128x128xf32>
    %get3A_116 = arith.constant 0 : index
    %get3A_117 = arith.constant 0 : index
    %get3A_118 = vector.load %arg1[%get3A_116, %get3A_117] : memref<1x128xf32, #tpu.memory_space<vmem>>, vector<1x128xf32>
    %mul3A_119 = vector.broadcast %get3A_118 : vector<1x128xf32> to vector<128x128xf32>
    %mul3A_120 = arith.mulf %mul3A_115, %mul3A_119 : vector<128x128xf32>
    %reduce_max3A_121 = arith.constant dense<0xFF800000> : vector<128xf32>
    %reduce_max3A_122 = vector.multi_reduction <maximumf>, %mul3A_120, %reduce_max3A_121 [1] : vector<128x128xf32> to vector<128xf32>
    %broadcast_in_dim3A_123 = vector.shape_cast %reduce_max3A_122 : vector<128xf32> to vector<128x1xf32>
    %sub3A_124 = vector.broadcast %broadcast_in_dim3A_123 : vector<128x1xf32> to vector<128x128xf32>
    %sub3A_125 = arith.subf %mul3A_120, %sub3A_124 : vector<128x128xf32>
    %exp3A_126 = math.exp %sub3A_125 : vector<128x128xf32>
    %reduce_sum3A_127 = arith.constant dense<0.000000e+00> : vector<128xf32>
    %reduce_sum3A_128 = vector.multi_reduction <add>, %exp3A_126, %reduce_sum3A_127 [1] : vector<128x128xf32> to vector<128xf32>
    %broadcast_in_dim3A_129 = vector.shape_cast %reduce_sum3A_128 : vector<128xf32> to vector<128x1xf32>
    %div3A_130 = vector.broadcast %broadcast_in_dim3A_129 : vector<128x1xf32> to vector<128x128xf32>
    %div3A_131 = arith.divf %exp3A_126, %div3A_130 : vector<128x128xf32>
    %reduce_max3A_132 = arith.constant dense<0xFF800000> : vector<128xf32>
    %reduce_max3A_133 = vector.multi_reduction <maximumf>, %div3A_131, %reduce_max3A_132 [1] : vector<128x128xf32> to vector<128xf32>
    %broadcast_in_dim3A_134 = vector.shape_cast %reduce_max3A_133 : vector<128xf32> to vector<128x1xf32>
    %iota3A_135 = tpu.iota {dimensions = array<i32: 1>} : vector<128x128xi32>
    %ge3A_136 = vector.broadcast %broadcast_in_dim3A_134 : vector<128x1xf32> to vector<128x128xf32>
    %ge3A_137 = arith.cmpf oge, %div3A_131, %ge3A_136 : vector<128x128xf32>
    %jit3A_138 = arith.constant 128 : i32
    %broadcast_in_dim3A_139 = vector.broadcast %jit3A_138 : i32 to vector<128x128xi32>
    %select_n3A_140 = arith.select %ge3A_137, %iota3A_135, %broadcast_in_dim3A_139 : vector<128x128xi1>, vector<128x128xi32>
    %reduce_min3A_141 = arith.constant dense<2147483647> : vector<128xi32>
    %reduce_min3A_142 = vector.multi_reduction <minsi>, %select_n3A_140, %reduce_min3A_141 [1] : vector<128x128xi32> to vector<128xi32>
    %broadcast_in_dim3A_143 = vector.shape_cast %reduce_min3A_142 : vector<128xi32> to vector<128x1xi32>
    %eq3A_144 = vector.broadcast %broadcast_in_dim3A_143 : vector<128x1xi32> to vector<128x128xi32>
    %eq3A_145 = arith.cmpi eq, %iota3A_135, %eq3A_144 : vector<128x128xi32>
    %jit3A_146 = arith.constant 0.000000e+00 : f32
    %broadcast_in_dim3A_147 = vector.shape_cast %broadcast_in_dim3A_134 : vector<128x1xf32> to vector<128x1xf32>
    %broadcast_in_dim3A_148 = vector.broadcast %broadcast_in_dim3A_147 : vector<128x1xf32> to vector<128x128xf32>
    %broadcast_in_dim3A_149 = vector.broadcast %jit3A_146 : f32 to vector<128x128xf32>
    %select_n3A_150 = arith.select %eq3A_145, %broadcast_in_dim3A_148, %broadcast_in_dim3A_149 : vector<128x128xi1>, vector<128x128xf32>
    %swap3A_151 = arith.constant 2 : index
    %swap3A_152 = arith.constant 0 : index
    %swap3A_153 = arith.constant 0 : index
    %swap3A_154 = vector.load %arg4[%swap3A_151, %swap3A_152, %swap3A_153] : memref<8x128x128xf32, #tpu.memory_space<vmem>>, vector<1x128x128xf32>
    %swap3A_155 = vector.shape_cast %swap3A_154 : vector<1x128x128xf32> to vector<128x128xf32>
    %swap3A_156 = vector.shape_cast %select_n3A_150 : vector<128x128xf32> to vector<1x128x128xf32>
    tpu.vector_store %arg4[%swap3A_151, %swap3A_152, %swap3A_153], %swap3A_156 {strides = array<i32>} : memref<8x128x128xf32, #tpu.memory_space<vmem>>, vector<1x128x128xf32>,
    %get3A_157 = arith.constant 3 : index
    %get3A_158 = arith.constant 0 : index
    %get3A_159 = arith.constant 0 : index
    %get3A_160 = vector.load %arg2[%get3A_157, %get3A_158, %get3A_159] : memref<8x128x128xf32, #tpu.memory_space<vmem>>, vector<1x128x128xf32>
    %get3A_161 = vector.shape_cast %get3A_160 : vector<1x128x128xf32> to vector<128x128xf32>
    %convert_element_type3A_162 = arith.truncf %get3A_161 : vector<128x128xf32> to vector<128x128xbf16>
    %get3A_163 = arith.constant 3 : index
    %get3A_164 = arith.constant 0 : index
    %get3A_165 = arith.constant 0 : index
    %get3A_166 = vector.load %arg3[%get3A_163, %get3A_164, %get3A_165] : memref<8x128x128xf32, #tpu.memory_space<vmem>>, vector<1x128x128xf32>
    %get3A_167 = vector.shape_cast %get3A_166 : vector<1x128x128xf32> to vector<128x128xf32>
    %convert_element_type3A_168 = arith.truncf %get3A_167 : vector<128x128xf32> to vector<128x128xbf16>
    %dot_general3A_169 = arith.constant dense<0.000000e+00> : vector<128x128xf32>
    %dot_general3A_170 = tpu.matmul %convert_element_type3A_162, %convert_element_type3A_168, %dot_general3A_169 {dimension_numbers = #tpu.dot_dimension_numbers<[1], [1], [0], [0], [0, 0, 1, 0], [], []>, transpose_lhs_hint = false} : vector<128x128xbf16>, vector<128x128xbf16>, vector<128x128xf32> -> vector<128x128xf32>
    %mul3A_171 = arith.constant 0.0883883461 : f32
    %mul3A_172 = vector.broadcast %mul3A_171 : f32 to vector<128x128xf32>
    %mul3A_173 = arith.mulf %dot_general3A_170, %mul3A_172 : vector<128x128xf32>
    %get3A_174 = arith.constant 0 : index
    %get3A_175 = arith.constant 0 : index
    %get3A_176 = vector.load %arg1[%get3A_174, %get3A_175] : memref<1x128xf32, #tpu.memory_space<vmem>>, vector<1x128xf32>
    %mul3A_177 = vector.broadcast %get3A_176 : vector<1x128xf32> to vector<128x128xf32>
    %mul3A_178 = arith.mulf %mul3A_173, %mul3A_177 : vector<128x128xf32>
    %reduce_max3A_179 = arith.constant dense<0xFF800000> : vector<128xf32>
    %reduce_max3A_180 = vector.multi_reduction <maximumf>, %mul3A_178, %reduce_max3A_179 [1] : vector<128x128xf32> to vector<128xf32>
    %broadcast_in_dim3A_181 = vector.shape_cast %reduce_max3A_180 : vector<128xf32> to vector<128x1xf32>
    %sub3A_182 = vector.broadcast %broadcast_in_dim3A_181 : vector<128x1xf32> to vector<128x128xf32>
    %sub3A_183 = arith.subf %mul3A_178, %sub3A_182 : vector<128x128xf32>
    %exp3A_184 = math.exp %sub3A_183 : vector<128x128xf32>
    %reduce_sum3A_185 = arith.constant dense<0.000000e+00> : vector<128xf32>
    %reduce_sum3A_186 = vector.multi_reduction <add>, %exp3A_184, %reduce_sum3A_185 [1] : vector<128x128xf32> to vector<128xf32>
    %broadcast_in_dim3A_187 = vector.shape_cast %reduce_sum3A_186 : vector<128xf32> to vector<128x1xf32>
    %div3A_188 = vector.broadcast %broadcast_in_dim3A_187 : vector<128x1xf32> to vector<128x128xf32>
    %div3A_189 = arith.divf %exp3A_184, %div3A_188 : vector<128x128xf32>
    %reduce_max3A_190 = arith.constant dense<0xFF800000> : vector<128xf32>
    %reduce_max3A_191 = vector.multi_reduction <maximumf>, %div3A_189, %reduce_max3A_190 [1] : vector<128x128xf32> to vector<128xf32>
    %broadcast_in_dim3A_192 = vector.shape_cast %reduce_max3A_191 : vector<128xf32> to vector<128x1xf32>
    %iota3A_193 = tpu.iota {dimensions = array<i32: 1>} : vector<128x128xi32>
    %ge3A_194 = vector.broadcast %broadcast_in_dim3A_192 : vector<128x1xf32> to vector<128x128xf32>
    %ge3A_195 = arith.cmpf oge, %div3A_189, %ge3A_194 : vector<128x128xf32>
    %jit3A_196 = arith.constant 128 : i32
    %broadcast_in_dim3A_197 = vector.broadcast %jit3A_196 : i32 to vector<128x128xi32>
    %select_n3A_198 = arith.select %ge3A_195, %iota3A_193, %broadcast_in_dim3A_197 : vector<128x128xi1>, vector<128x128xi32>
    %reduce_min3A_199 = arith.constant dense<2147483647> : vector<128xi32>
    %reduce_min3A_200 = vector.multi_reduction <minsi>, %select_n3A_198, %reduce_min3A_199 [1] : vector<128x128xi32> to vector<128xi32>
    %broadcast_in_dim3A_201 = vector.shape_cast %reduce_min3A_200 : vector<128xi32> to vector<128x1xi32>
    %eq3A_202 = vector.broadcast %broadcast_in_dim3A_201 : vector<128x1xi32> to vector<128x128xi32>
    %eq3A_203 = arith.cmpi eq, %iota3A_193, %eq3A_202 : vector<128x128xi32>
    %jit3A_204 = arith.constant 0.000000e+00 : f32
    %broadcast_in_dim3A_205 = vector.shape_cast %broadcast_in_dim3A_192 : vector<128x1xf32> to vector<128x1xf32>
    %broadcast_in_dim3A_206 = vector.broadcast %broadcast_in_dim3A_205 : vector<128x1xf32> to vector<128x128xf32>
    %broadcast_in_dim3A_207 = vector.broadcast %jit3A_204 : f32 to vector<128x128xf32>
    %select_n3A_208 = arith.select %eq3A_203, %broadcast_in_dim3A_206, %broadcast_in_dim3A_207 : vector<128x128xi1>, vector<128x128xf32>
    %swap3A_209 = arith.constant 3 : index
    %swap3A_210 = arith.constant 0 : index
    %swap3A_211 = arith.constant 0 : index
    %swap3A_212 = vector.load %arg4[%swap3A_209, %swap3A_210, %swap3A_211] : memref<8x128x128xf32, #tpu.memory_space<vmem>>, vector<1x128x128xf32>
    %swap3A_213 = vector.shape_cast %swap3A_212 : vector<1x128x128xf32> to vector<128x128xf32>
    %swap3A_214 = vector.shape_cast %select_n3A_208 : vector<128x128xf32> to vector<1x128x128xf32>
    tpu.vector_store %arg4[%swap3A_209, %swap3A_210, %swap3A_211], %swap3A_214 {strides = array<i32>} : memref<8x128x128xf32, #tpu.memory_space<vmem>>, vector<1x128x128xf32>,
    %get3A_215 = arith.constant 4 : index
    %get3A_216 = arith.constant 0 : index
    %get3A_217 = arith.constant 0 : index
    %get3A_218 = vector.load %arg2[%get3A_215, %get3A_216, %get3A_217] : memref<8x128x128xf32, #tpu.memory_space<vmem>>, vector<1x128x128xf32>
    %get3A_219 = vector.shape_cast %get3A_218 : vector<1x128x128xf32> to vector<128x128xf32>
    %convert_element_type3A_220 = arith.truncf %get3A_219 : vector<128x128xf32> to vector<128x128xbf16>
    %get3A_221 = arith.constant 4 : index
    %get3A_222 = arith.constant 0 : index
    %get3A_223 = arith.constant 0 : index
    %get3A_224 = vector.load %arg3[%get3A_221, %get3A_222, %get3A_223] : memref<8x128x128xf32, #tpu.memory_space<vmem>>, vector<1x128x128xf32>
    %get3A_225 = vector.shape_cast %get3A_224 : vector<1x128x128xf32> to vector<128x128xf32>
    %convert_element_type3A_226 = arith.truncf %get3A_225 : vector<128x128xf32> to vector<128x128xbf16>
    %dot_general3A_227 = arith.constant dense<0.000000e+00> : vector<128x128xf32>
    %dot_general3A_228 = tpu.matmul %convert_element_type3A_220, %convert_element_type3A_226, %dot_general3A_227 {dimension_numbers = #tpu.dot_dimension_numbers<[1], [1], [0], [0], [0, 0, 1, 0], [], []>, transpose_lhs_hint = false} : vector<128x128xbf16>, vector<128x128xbf16>, vector<128x128xf32> -> vector<128x128xf32>
    %mul3A_229 = arith.constant 0.0883883461 : f32
    %mul3A_230 = vector.broadcast %mul3A_229 : f32 to vector<128x128xf32>
    %mul3A_231 = arith.mulf %dot_general3A_228, %mul3A_230 : vector<128x128xf32>
    %get3A_232 = arith.constant 0 : index
    %get3A_233 = arith.constant 0 : index
    %get3A_234 = vector.load %arg1[%get3A_232, %get3A_233] : memref<1x128xf32, #tpu.memory_space<vmem>>, vector<1x128xf32>
    %mul3A_235 = vector.broadcast %get3A_234 : vector<1x128xf32> to vector<128x128xf32>
    %mul3A_236 = arith.mulf %mul3A_231, %mul3A_235 : vector<128x128xf32>
    %reduce_max3A_237 = arith.constant dense<0xFF800000> : vector<128xf32>
    %reduce_max3A_238 = vector.multi_reduction <maximumf>, %mul3A_236, %reduce_max3A_237 [1] : vector<128x128xf32> to vector<128xf32>
    %broadcast_in_dim3A_239 = vector.shape_cast %reduce_max3A_238 : vector<128xf32> to vector<128x1xf32>
    %sub3A_240 = vector.broadcast %broadcast_in_dim3A_239 : vector<128x1xf32> to vector<128x128xf32>
    %sub3A_241 = arith.subf %mul3A_236, %sub3A_240 : vector<128x128xf32>
    %exp3A_242 = math.exp %sub3A_241 : vector<128x128xf32>
    %reduce_sum3A_243 = arith.constant dense<0.000000e+00> : vector<128xf32>
    %reduce_sum3A_244 = vector.multi_reduction <add>, %exp3A_242, %reduce_sum3A_243 [1] : vector<128x128xf32> to vector<128xf32>
    %broadcast_in_dim3A_245 = vector.shape_cast %reduce_sum3A_244 : vector<128xf32> to vector<128x1xf32>
    %div3A_246 = vector.broadcast %broadcast_in_dim3A_245 : vector<128x1xf32> to vector<128x128xf32>
    %div3A_247 = arith.divf %exp3A_242, %div3A_246 : vector<128x128xf32>
    %reduce_max3A_248 = arith.constant dense<0xFF800000> : vector<128xf32>
    %reduce_max3A_249 = vector.multi_reduction <maximumf>, %div3A_247, %reduce_max3A_248 [1] : vector<128x128xf32> to vector<128xf32>
    %broadcast_in_dim3A_250 = vector.shape_cast %reduce_max3A_249 : vector<128xf32> to vector<128x1xf32>
    %iota3A_251 = tpu.iota {dimensions = array<i32: 1>} : vector<128x128xi32>
    %ge3A_252 = vector.broadcast %broadcast_in_dim3A_250 : vector<128x1xf32> to vector<128x128xf32>
    %ge3A_253 = arith.cmpf oge, %div3A_247, %ge3A_252 : vector<128x128xf32>
    %jit3A_254 = arith.constant 128 : i32
    %broadcast_in_dim3A_255 = vector.broadcast %jit3A_254 : i32 to vector<128x128xi32>
    %select_n3A_256 = arith.select %ge3A_253, %iota3A_251, %broadcast_in_dim3A_255 : vector<128x128xi1>, vector<128x128xi32>
    %reduce_min3A_257 = arith.constant dense<2147483647> : vector<128xi32>
    %reduce_min3A_258 = vector.multi_reduction <minsi>, %select_n3A_256, %reduce_min3A_257 [1] : vector<128x128xi32> to vector<128xi32>
    %broadcast_in_dim3A_259 = vector.shape_cast %reduce_min3A_258 : vector<128xi32> to vector<128x1xi32>
    %eq3A_260 = vector.broadcast %broadcast_in_dim3A_259 : vector<128x1xi32> to vector<128x128xi32>
    %eq3A_261 = arith.cmpi eq, %iota3A_251, %eq3A_260 : vector<128x128xi32>
    %jit3A_262 = arith.constant 0.000000e+00 : f32
    %broadcast_in_dim3A_263 = vector.shape_cast %broadcast_in_dim3A_250 : vector<128x1xf32> to vector<128x1xf32>
    %broadcast_in_dim3A_264 = vector.broadcast %broadcast_in_dim3A_263 : vector<128x1xf32> to vector<128x128xf32>
    %broadcast_in_dim3A_265 = vector.broadcast %jit3A_262 : f32 to vector<128x128xf32>
    %select_n3A_266 = arith.select %eq3A_261, %broadcast_in_dim3A_264, %broadcast_in_dim3A_265 : vector<128x128xi1>, vector<128x128xf32>
    %swap3A_267 = arith.constant 4 : index
    %swap3A_268 = arith.constant 0 : index
    %swap3A_269 = arith.constant 0 : index
    %swap3A_270 = vector.load %arg4[%swap3A_267, %swap3A_268, %swap3A_269] : memref<8x128x128xf32, #tpu.memory_space<vmem>>, vector<1x128x128xf32>
    %swap3A_271 = vector.shape_cast %swap3A_270 : vector<1x128x128xf32> to vector<128x128xf32>
    %swap3A_272 = vector.shape_cast %select_n3A_266 : vector<128x128xf32> to vector<1x128x128xf32>
    tpu.vector_store %arg4[%swap3A_267, %swap3A_268, %swap3A_269], %swap3A_272 {strides = array<i32>} : memref<8x128x128xf32, #tpu.memory_space<vmem>>, vector<1x128x128xf32>,
    %get3A_273 = arith.constant 5 : index
    %get3A_274 = arith.constant 0 : index
    %get3A_275 = arith.constant 0 : index
    %get3A_276 = vector.load %arg2[%get3A_273, %get3A_274, %get3A_275] : memref<8x128x128xf32, #tpu.memory_space<vmem>>, vector<1x128x128xf32>
    %get3A_277 = vector.shape_cast %get3A_276 : vector<1x128x128xf32> to vector<128x128xf32>
    %convert_element_type3A_278 = arith.truncf %get3A_277 : vector<128x128xf32> to vector<128x128xbf16>
    %get3A_279 = arith.constant 5 : index
    %get3A_280 = arith.constant 0 : index
    %get3A_281 = arith.constant 0 : index
    %get3A_282 = vector.load %arg3[%get3A_279, %get3A_280, %get3A_281] : memref<8x128x128xf32, #tpu.memory_space<vmem>>, vector<1x128x128xf32>
    %get3A_283 = vector.shape_cast %get3A_282 : vector<1x128x128xf32> to vector<128x128xf32>
    %convert_element_type3A_284 = arith.truncf %get3A_283 : vector<128x128xf32> to vector<128x128xbf16>
    %dot_general3A_285 = arith.constant dense<0.000000e+00> : vector<128x128xf32>
    %dot_general3A_286 = tpu.matmul %convert_element_type3A_278, %convert_element_type3A_284, %dot_general3A_285 {dimension_numbers = #tpu.dot_dimension_numbers<[1], [1], [0], [0], [0, 0, 1, 0], [], []>, transpose_lhs_hint = false} : vector<128x128xbf16>, vector<128x128xbf16>, vector<128x128xf32> -> vector<128x128xf32>
    %mul3A_287 = arith.constant 0.0883883461 : f32
    %mul3A_288 = vector.broadcast %mul3A_287 : f32 to vector<128x128xf32>
    %mul3A_289 = arith.mulf %dot_general3A_286, %mul3A_288 : vector<128x128xf32>
    %get3A_290 = arith.constant 0 : index
    %get3A_291 = arith.constant 0 : index
    %get3A_292 = vector.load %arg1[%get3A_290, %get3A_291] : memref<1x128xf32, #tpu.memory_space<vmem>>, vector<1x128xf32>
    %mul3A_293 = vector.broadcast %get3A_292 : vector<1x128xf32> to vector<128x128xf32>
    %mul3A_294 = arith.mulf %mul3A_289, %mul3A_293 : vector<128x128xf32>
    %reduce_max3A_295 = arith.constant dense<0xFF800000> : vector<128xf32>
    %reduce_max3A_296 = vector.multi_reduction <maximumf>, %mul3A_294, %reduce_max3A_295 [1] : vector<128x128xf32> to vector<128xf32>
    %broadcast_in_dim3A_297 = vector.shape_cast %reduce_max3A_296 : vector<128xf32> to vector<128x1xf32>
    %sub3A_298 = vector.broadcast %broadcast_in_dim3A_297 : vector<128x1xf32> to vector<128x128xf32>
    %sub3A_299 = arith.subf %mul3A_294, %sub3A_298 : vector<128x128xf32>
    %exp3A_300 = math.exp %sub3A_299 : vector<128x128xf32>
    %reduce_sum3A_301 = arith.constant dense<0.000000e+00> : vector<128xf32>
    %reduce_sum3A_302 = vector.multi_reduction <add>, %exp3A_300, %reduce_sum3A_301 [1] : vector<128x128xf32> to vector<128xf32>
    %broadcast_in_dim3A_303 = vector.shape_cast %reduce_sum3A_302 : vector<128xf32> to vector<128x1xf32>
    %div3A_304 = vector.broadcast %broadcast_in_dim3A_303 : vector<128x1xf32> to vector<128x128xf32>
    %div3A_305 = arith.divf %exp3A_300, %div3A_304 : vector<128x128xf32>
    %reduce_max3A_306 = arith.constant dense<0xFF800000> : vector<128xf32>
    %reduce_max3A_307 = vector.multi_reduction <maximumf>, %div3A_305, %reduce_max3A_306 [1] : vector<128x128xf32> to vector<128xf32>
    %broadcast_in_dim3A_308 = vector.shape_cast %reduce_max3A_307 : vector<128xf32> to vector<128x1xf32>
    %iota3A_309 = tpu.iota {dimensions = array<i32: 1>} : vector<128x128xi32>
    %ge3A_310 = vector.broadcast %broadcast_in_dim3A_308 : vector<128x1xf32> to vector<128x128xf32>
    %ge3A_311 = arith.cmpf oge, %div3A_305, %ge3A_310 : vector<128x128xf32>
    %jit3A_312 = arith.constant 128 : i32
    %broadcast_in_dim3A_313 = vector.broadcast %jit3A_312 : i32 to vector<128x128xi32>
    %select_n3A_314 = arith.select %ge3A_311, %iota3A_309, %broadcast_in_dim3A_313 : vector<128x128xi1>, vector<128x128xi32>
    %reduce_min3A_315 = arith.constant dense<2147483647> : vector<128xi32>
    %reduce_min3A_316 = vector.multi_reduction <minsi>, %select_n3A_314, %reduce_min3A_315 [1] : vector<128x128xi32> to vector<128xi32>
    %broadcast_in_dim3A_317 = vector.shape_cast %reduce_min3A_316 : vector<128xi32> to vector<128x1xi32>
    %eq3A_318 = vector.broadcast %broadcast_in_dim3A_317 : vector<128x1xi32> to vector<128x128xi32>
    %eq3A_319 = arith.cmpi eq, %iota3A_309, %eq3A_318 : vector<128x128xi32>
    %jit3A_320 = arith.constant 0.000000e+00 : f32
    %broadcast_in_dim3A_321 = vector.shape_cast %broadcast_in_dim3A_308 : vector<128x1xf32> to vector<128x1xf32>
    %broadcast_in_dim3A_322 = vector.broadcast %broadcast_in_dim3A_321 : vector<128x1xf32> to vector<128x128xf32>
    %broadcast_in_dim3A_323 = vector.broadcast %jit3A_320 : f32 to vector<128x128xf32>
    %select_n3A_324 = arith.select %eq3A_319, %broadcast_in_dim3A_322, %broadcast_in_dim3A_323 : vector<128x128xi1>, vector<128x128xf32>
    %swap3A_325 = arith.constant 5 : index
    %swap3A_326 = arith.constant 0 : index
    %swap3A_327 = arith.constant 0 : index
    %swap3A_328 = vector.load %arg4[%swap3A_325, %swap3A_326, %swap3A_327] : memref<8x128x128xf32, #tpu.memory_space<vmem>>, vector<1x128x128xf32>
    %swap3A_329 = vector.shape_cast %swap3A_328 : vector<1x128x128xf32> to vector<128x128xf32>
    %swap3A_330 = vector.shape_cast %select_n3A_324 : vector<128x128xf32> to vector<1x128x128xf32>
    tpu.vector_store %arg4[%swap3A_325, %swap3A_326, %swap3A_327], %swap3A_330 {strides = array<i32>} : memref<8x128x128xf32, #tpu.memory_space<vmem>>, vector<1x128x128xf32>,
    %get3A_331 = arith.constant 6 : index
    %get3A_332 = arith.constant 0 : index
    %get3A_333 = arith.constant 0 : index
    %get3A_334 = vector.load %arg2[%get3A_331, %get3A_332, %get3A_333] : memref<8x128x128xf32, #tpu.memory_space<vmem>>, vector<1x128x128xf32>
    %get3A_335 = vector.shape_cast %get3A_334 : vector<1x128x128xf32> to vector<128x128xf32>
    %convert_element_type3A_336 = arith.truncf %get3A_335 : vector<128x128xf32> to vector<128x128xbf16>
    %get3A_337 = arith.constant 6 : index
    %get3A_338 = arith.constant 0 : index
    %get3A_339 = arith.constant 0 : index
    %get3A_340 = vector.load %arg3[%get3A_337, %get3A_338, %get3A_339] : memref<8x128x128xf32, #tpu.memory_space<vmem>>, vector<1x128x128xf32>
    %get3A_341 = vector.shape_cast %get3A_340 : vector<1x128x128xf32> to vector<128x128xf32>
    %convert_element_type3A_342 = arith.truncf %get3A_341 : vector<128x128xf32> to vector<128x128xbf16>
    %dot_general3A_343 = arith.constant dense<0.000000e+00> : vector<128x128xf32>
    %dot_general3A_344 = tpu.matmul %convert_element_type3A_336, %convert_element_type3A_342, %dot_general3A_343 {dimension_numbers = #tpu.dot_dimension_numbers<[1], [1], [0], [0], [0, 0, 1, 0], [], []>, transpose_lhs_hint = false} : vector<128x128xbf16>, vector<128x128xbf16>, vector<128x128xf32> -> vector<128x128xf32>
    %mul3A_345 = arith.constant 0.0883883461 : f32
    %mul3A_346 = vector.broadcast %mul3A_345 : f32 to vector<128x128xf32>
    %mul3A_347 = arith.mulf %dot_general3A_344, %mul3A_346 : vector<128x128xf32>
    %get3A_348 = arith.constant 0 : index
    %get3A_349 = arith.constant 0 : index
    %get3A_350 = vector.load %arg1[%get3A_348, %get3A_349] : memref<1x128xf32, #tpu.memory_space<vmem>>, vector<1x128xf32>
    %mul3A_351 = vector.broadcast %get3A_350 : vector<1x128xf32> to vector<128x128xf32>
    %mul3A_352 = arith.mulf %mul3A_347, %mul3A_351 : vector<128x128xf32>
    %reduce_max3A_353 = arith.constant dense<0xFF800000> : vector<128xf32>
    %reduce_max3A_354 = vector.multi_reduction <maximumf>, %mul3A_352, %reduce_max3A_353 [1] : vector<128x128xf32> to vector<128xf32>
    %broadcast_in_dim3A_355 = vector.shape_cast %reduce_max3A_354 : vector<128xf32> to vector<128x1xf32>
    %sub3A_356 = vector.broadcast %broadcast_in_dim3A_355 : vector<128x1xf32> to vector<128x128xf32>
    %sub3A_357 = arith.subf %mul3A_352, %sub3A_356 : vector<128x128xf32>
    %exp3A_358 = math.exp %sub3A_357 : vector<128x128xf32>
    %reduce_sum3A_359 = arith.constant dense<0.000000e+00> : vector<128xf32>
    %reduce_sum3A_360 = vector.multi_reduction <add>, %exp3A_358, %reduce_sum3A_359 [1] : vector<128x128xf32> to vector<128xf32>
    %broadcast_in_dim3A_361 = vector.shape_cast %reduce_sum3A_360 : vector<128xf32> to vector<128x1xf32>
    %div3A_362 = vector.broadcast %broadcast_in_dim3A_361 : vector<128x1xf32> to vector<128x128xf32>
    %div3A_363 = arith.divf %exp3A_358, %div3A_362 : vector<128x128xf32>
    %reduce_max3A_364 = arith.constant dense<0xFF800000> : vector<128xf32>
    %reduce_max3A_365 = vector.multi_reduction <maximumf>, %div3A_363, %reduce_max3A_364 [1] : vector<128x128xf32> to vector<128xf32>
    %broadcast_in_dim3A_366 = vector.shape_cast %reduce_max3A_365 : vector<128xf32> to vector<128x1xf32>
    %iota3A_367 = tpu.iota {dimensions = array<i32: 1>} : vector<128x128xi32>
    %ge3A_368 = vector.broadcast %broadcast_in_dim3A_366 : vector<128x1xf32> to vector<128x128xf32>
    %ge3A_369 = arith.cmpf oge, %div3A_363, %ge3A_368 : vector<128x128xf32>
    %jit3A_370 = arith.constant 128 : i32
    %broadcast_in_dim3A_371 = vector.broadcast %jit3A_370 : i32 to vector<128x128xi32>
    %select_n3A_372 = arith.select %ge3A_369, %iota3A_367, %broadcast_in_dim3A_371 : vector<128x128xi1>, vector<128x128xi32>
    %reduce_min3A_373 = arith.constant dense<2147483647> : vector<128xi32>
    %reduce_min3A_374 = vector.multi_reduction <minsi>, %select_n3A_372, %reduce_min3A_373 [1] : vector<128x128xi32> to vector<128xi32>
    %broadcast_in_dim3A_375 = vector.shape_cast %reduce_min3A_374 : vector<128xi32> to vector<128x1xi32>
    %eq3A_376 = vector.broadcast %broadcast_in_dim3A_375 : vector<128x1xi32> to vector<128x128xi32>
    %eq3A_377 = arith.cmpi eq, %iota3A_367, %eq3A_376 : vector<128x128xi32>
    %jit3A_378 = arith.constant 0.000000e+00 : f32
    %broadcast_in_dim3A_379 = vector.shape_cast %broadcast_in_dim3A_366 : vector<128x1xf32> to vector<128x1xf32>
    %broadcast_in_dim3A_380 = vector.broadcast %broadcast_in_dim3A_379 : vector<128x1xf32> to vector<128x128xf32>
    %broadcast_in_dim3A_381 = vector.broadcast %jit3A_378 : f32 to vector<128x128xf32>
    %select_n3A_382 = arith.select %eq3A_377, %broadcast_in_dim3A_380, %broadcast_in_dim3A_381 : vector<128x128xi1>, vector<128x128xf32>
    %swap3A_383 = arith.constant 6 : index
    %swap3A_384 = arith.constant 0 : index
    %swap3A_385 = arith.constant 0 : index
    %swap3A_386 = vector.load %arg4[%swap3A_383, %swap3A_384, %swap3A_385] : memref<8x128x128xf32, #tpu.memory_space<vmem>>, vector<1x128x128xf32>
    %swap3A_387 = vector.shape_cast %swap3A_386 : vector<1x128x128xf32> to vector<128x128xf32>
    %swap3A_388 = vector.shape_cast %select_n3A_382 : vector<128x128xf32> to vector<1x128x128xf32>
    tpu.vector_store %arg4[%swap3A_383, %swap3A_384, %swap3A_385], %swap3A_388 {strides = array<i32>} : memref<8x128x128xf32, #tpu.memory_space<vmem>>, vector<1x128x128xf32>,
    %get3A_389 = arith.constant 7 : index
    %get3A_390 = arith.constant 0 : index
    %get3A_391 = arith.constant 0 : index
    %get3A_392 = vector.load %arg2[%get3A_389, %get3A_390, %get3A_391] : memref<8x128x128xf32, #tpu.memory_space<vmem>>, vector<1x128x128xf32>
    %get3A_393 = vector.shape_cast %get3A_392 : vector<1x128x128xf32> to vector<128x128xf32>
    %convert_element_type3A_394 = arith.truncf %get3A_393 : vector<128x128xf32> to vector<128x128xbf16>
    %get3A_395 = arith.constant 7 : index
    %get3A_396 = arith.constant 0 : index
    %get3A_397 = arith.constant 0 : index
    %get3A_398 = vector.load %arg3[%get3A_395, %get3A_396, %get3A_397] : memref<8x128x128xf32, #tpu.memory_space<vmem>>, vector<1x128x128xf32>
    %get3A_399 = vector.shape_cast %get3A_398 : vector<1x128x128xf32> to vector<128x128xf32>
    %convert_element_type3A_400 = arith.truncf %get3A_399 : vector<128x128xf32> to vector<128x128xbf16>
    %dot_general3A_401 = arith.constant dense<0.000000e+00> : vector<128x128xf32>
    %dot_general3A_402 = tpu.matmul %convert_element_type3A_394, %convert_element_type3A_400, %dot_general3A_401 {dimension_numbers = #tpu.dot_dimension_numbers<[1], [1], [0], [0], [0, 0, 1, 0], [], []>, transpose_lhs_hint = false} : vector<128x128xbf16>, vector<128x128xbf16>, vector<128x128xf32> -> vector<128x128xf32>
    %mul3A_403 = arith.constant 0.0883883461 : f32
    %mul3A_404 = vector.broadcast %mul3A_403 : f32 to vector<128x128xf32>
    %mul3A_405 = arith.mulf %dot_general3A_402, %mul3A_404 : vector<128x128xf32>
    %get3A_406 = arith.constant 0 : index
    %get3A_407 = arith.constant 0 : index
    %get3A_408 = vector.load %arg1[%get3A_406, %get3A_407] : memref<1x128xf32, #tpu.memory_space<vmem>>, vector<1x128xf32>
    %mul3A_409 = vector.broadcast %get3A_408 : vector<1x128xf32> to vector<128x128xf32>
    %mul3A_410 = arith.mulf %mul3A_405, %mul3A_409 : vector<128x128xf32>
    %reduce_max3A_411 = arith.constant dense<0xFF800000> : vector<128xf32>
    %reduce_max3A_412 = vector.multi_reduction <maximumf>, %mul3A_410, %reduce_max3A_411 [1] : vector<128x128xf32> to vector<128xf32>
    %broadcast_in_dim3A_413 = vector.shape_cast %reduce_max3A_412 : vector<128xf32> to vector<128x1xf32>
    %sub3A_414 = vector.broadcast %broadcast_in_dim3A_413 : vector<128x1xf32> to vector<128x128xf32>
    %sub3A_415 = arith.subf %mul3A_410, %sub3A_414 : vector<128x128xf32>
    %exp3A_416 = math.exp %sub3A_415 : vector<128x128xf32>
    %reduce_sum3A_417 = arith.constant dense<0.000000e+00> : vector<128xf32>
    %reduce_sum3A_418 = vector.multi_reduction <add>, %exp3A_416, %reduce_sum3A_417 [1] : vector<128x128xf32> to vector<128xf32>
    %broadcast_in_dim3A_419 = vector.shape_cast %reduce_sum3A_418 : vector<128xf32> to vector<128x1xf32>
    %div3A_420 = vector.broadcast %broadcast_in_dim3A_419 : vector<128x1xf32> to vector<128x128xf32>
    %div3A_421 = arith.divf %exp3A_416, %div3A_420 : vector<128x128xf32>
    %reduce_max3A_422 = arith.constant dense<0xFF800000> : vector<128xf32>
    %reduce_max3A_423 = vector.multi_reduction <maximumf>, %div3A_421, %reduce_max3A_422 [1] : vector<128x128xf32> to vector<128xf32>
    %broadcast_in_dim3A_424 = vector.shape_cast %reduce_max3A_423 : vector<128xf32> to vector<128x1xf32>
    %iota3A_425 = tpu.iota {dimensions = array<i32: 1>} : vector<128x128xi32>
    %ge3A_426 = vector.broadcast %broadcast_in_dim3A_424 : vector<128x1xf32> to vector<128x128xf32>
    %ge3A_427 = arith.cmpf oge, %div3A_421, %ge3A_426 : vector<128x128xf32>
    %jit3A_428 = arith.constant 128 : i32
    %broadcast_in_dim3A_429 = vector.broadcast %jit3A_428 : i32 to vector<128x128xi32>
    %select_n3A_430 = arith.select %ge3A_427, %iota3A_425, %broadcast_in_dim3A_429 : vector<128x128xi1>, vector<128x128xi32>
    %reduce_min3A_431 = arith.constant dense<2147483647> : vector<128xi32>
    %reduce_min3A_432 = vector.multi_reduction <minsi>, %select_n3A_430, %reduce_min3A_431 [1] : vector<128x128xi32> to vector<128xi32>
    %broadcast_in_dim3A_433 = vector.shape_cast %reduce_min3A_432 : vector<128xi32> to vector<128x1xi32>
    %eq3A_434 = vector.broadcast %broadcast_in_dim3A_433 : vector<128x1xi32> to vector<128x128xi32>
    %eq3A_435 = arith.cmpi eq, %iota3A_425, %eq3A_434 : vector<128x128xi32>
    %jit3A_436 = arith.constant 0.000000e+00 : f32
    %broadcast_in_dim3A_437 = vector.shape_cast %broadcast_in_dim3A_424 : vector<128x1xf32> to vector<128x1xf32>
    %broadcast_in_dim3A_438 = vector.broadcast %broadcast_in_dim3A_437 : vector<128x1xf32> to vector<128x128xf32>
    %broadcast_in_dim3A_439 = vector.broadcast %jit3A_436 : f32 to vector<128x128xf32>
    %select_n3A_440 = arith.select %eq3A_435, %broadcast_in_dim3A_438, %broadcast_in_dim3A_439 : vector<128x128xi1>, vector<128x128xf32>
    %swap3A_441 = arith.constant 7 : index
    %swap3A_442 = arith.constant 0 : index
    %swap3A_443 = arith.constant 0 : index
    %swap3A_444 = vector.load %arg4[%swap3A_441, %swap3A_442, %swap3A_443] : memref<8x128x128xf32, #tpu.memory_space<vmem>>, vector<1x128x128xf32>
    %swap3A_445 = vector.shape_cast %swap3A_444 : vector<1x128x128xf32> to vector<128x128xf32>
    %swap3A_446 = vector.shape_cast %select_n3A_440 : vector<128x128xf32> to vector<1x128x128xf32>
    tpu.vector_store %arg4[%swap3A_441, %swap3A_442, %swap3A_443], %swap3A_446 {strides = array<i32>} : memref<8x128x128xf32, #tpu.memory_space<vmem>>, vector<1x128x128xf32>,
    return
  }
  func.func @transform_0(%arg0: i32) -> (i32, i32) {
    %c0_i32 = arith.constant 0 : i32
    %c0_i32_0 = arith.constant 0 : i32
    %c0_i32_1 = arith.constant 0 : i32
    return %c0_i32, %c0_i32_0 : i32, i32
  }
  func.func @transform_1(%arg0: i32) -> (i32, i32, i32) {
    %c0_i32 = arith.constant 0 : i32
    %c0_i32_0 = arith.constant 0 : i32
    %c0_i32_1 = arith.constant 0 : i32
    return %arg0, %c0_i32, %c0_i32_0 : i32, i32, i32
  }
  func.func @transform_2(%arg0: i32) -> (i32, i32, i32) {
    %c0_i32 = arith.constant 0 : i32
    %c0_i32_0 = arith.constant 0 : i32
    %c0_i32_1 = arith.constant 0 : i32
    return %arg0, %c0_i32, %c0_i32_0 : i32, i32, i32
  }
  func.func @transform_3(%arg0: i32) -> (i32, i32, i32) {
    %c0_i32 = arith.constant 0 : i32
    %c0_i32_0 = arith.constant 0 : i32
    %c0_i32_1 = arith.constant 0 : i32
    return %arg0, %c0_i32, %c0_i32_0 : i32, i32, i32
  }
}

module attributes {stable_mosaic.version = 14 : i64} {
  func.func @_meta_kernel(%arg0: memref<1x128xi32, #tpu.memory_space<vmem>>, %arg1: memref<16x127x64xi32, #tpu.memory_space<vmem>>) attributes {dimension_semantics = [], scalar_prefetch = 0 : i64, scratch_operands = 0 : i64, tpu.core_type = #tpu.core_type<tc>} {
    %iota3A = tpu.iota {dimensions = array<i32: 0>} : vector<127x64xi32>
    %mul3A = arith.constant 64 : i32
    %mul3A_0 = vector.broadcast %mul3A : i32 to vector<127x64xi32>
    %mul3A_1 = arith.muli %iota3A, %mul3A_0 : vector<127x64xi32>
    %iota3A_2 = tpu.iota {dimensions = array<i32: 1>} : vector<127x64xi32>
    %add3A = arith.addi %mul3A_1, %iota3A_2 : vector<127x64xi32>
    %broadcast_in_dim3A = arith.constant 0 : i32
    %broadcast_in_dim3A_3 = vector.broadcast %broadcast_in_dim3A : i32 to vector<127x64xi32>
    %get3A = arith.constant 0 : index
    %get3A_4 = arith.constant 0 : index
    %get3A_5 = vector.load %arg0[%get3A, %get3A_4] : memref<1x128xi32, #tpu.memory_space<vmem>>, vector<1x1xi32>
    %get3A_6 = vector.extract %get3A_5[0, 0] : i32 from vector<1x1xi32>
    %mul3A_7 = arith.constant 0 : i32
    %mul3A_8 = arith.muli %get3A_6, %mul3A_7 : i32
    %get3A_9 = arith.constant 0 : index
    %get3A_10 = arith.constant 0 : index
    %get3A_11 = vector.load %arg0[%get3A_9, %get3A_10] : memref<1x128xi32, #tpu.memory_space<vmem>>, vector<1x1xi32>
    %get3A_12 = vector.extract %get3A_11[0, 0] : i32 from vector<1x1xi32>
    %add3A_13 = arith.addi %mul3A_8, %get3A_12 : i32
    %ge3A = vector.broadcast %add3A_13 : i32 to vector<127x64xi32>
    %ge3A_14 = arith.cmpi sge, %add3A, %ge3A : vector<127x64xi32>
    %convert_element_type3A = arith.extui %ge3A_14 : vector<127x64xi1> to vector<127x64xi32>
    %add3A_15 = arith.addi %broadcast_in_dim3A_3, %convert_element_type3A : vector<127x64xi32>
    %get3A_16 = arith.constant 0 : index
    %get3A_17 = arith.constant 1 : index
    %get3A_18 = vector.load %arg0[%get3A_16, %get3A_17] : memref<1x128xi32, #tpu.memory_space<vmem>>, vector<1x1xi32>
    %get3A_19 = vector.extract %get3A_18[0, 0] : i32 from vector<1x1xi32>
    %add3A_20 = arith.addi %add3A_13, %get3A_19 : i32
    %ge3A_21 = vector.broadcast %add3A_20 : i32 to vector<127x64xi32>
    %ge3A_22 = arith.cmpi sge, %add3A, %ge3A_21 : vector<127x64xi32>
    %convert_element_type3A_23 = arith.extui %ge3A_22 : vector<127x64xi1> to vector<127x64xi32>
    %add3A_24 = arith.addi %add3A_15, %convert_element_type3A_23 : vector<127x64xi32>
    %get3A_25 = arith.constant 0 : index
    %get3A_26 = arith.constant 2 : index
    %get3A_27 = vector.load %arg0[%get3A_25, %get3A_26] : memref<1x128xi32, #tpu.memory_space<vmem>>, vector<1x1xi32>
    %get3A_28 = vector.extract %get3A_27[0, 0] : i32 from vector<1x1xi32>
    %add3A_29 = arith.addi %add3A_20, %get3A_28 : i32
    %ge3A_30 = vector.broadcast %add3A_29 : i32 to vector<127x64xi32>
    %ge3A_31 = arith.cmpi sge, %add3A, %ge3A_30 : vector<127x64xi32>
    %convert_element_type3A_32 = arith.extui %ge3A_31 : vector<127x64xi1> to vector<127x64xi32>
    %add3A_33 = arith.addi %add3A_24, %convert_element_type3A_32 : vector<127x64xi32>
    %get3A_34 = arith.constant 0 : index
    %get3A_35 = arith.constant 3 : index
    %get3A_36 = vector.load %arg0[%get3A_34, %get3A_35] : memref<1x128xi32, #tpu.memory_space<vmem>>, vector<1x1xi32>
    %get3A_37 = vector.extract %get3A_36[0, 0] : i32 from vector<1x1xi32>
    %add3A_38 = arith.addi %add3A_29, %get3A_37 : i32
    %ge3A_39 = vector.broadcast %add3A_38 : i32 to vector<127x64xi32>
    %ge3A_40 = arith.cmpi sge, %add3A, %ge3A_39 : vector<127x64xi32>
    %convert_element_type3A_41 = arith.extui %ge3A_40 : vector<127x64xi1> to vector<127x64xi32>
    %add3A_42 = arith.addi %add3A_33, %convert_element_type3A_41 : vector<127x64xi32>
    %get3A_43 = arith.constant 0 : index
    %get3A_44 = arith.constant 4 : index
    %get3A_45 = vector.load %arg0[%get3A_43, %get3A_44] : memref<1x128xi32, #tpu.memory_space<vmem>>, vector<1x1xi32>
    %get3A_46 = vector.extract %get3A_45[0, 0] : i32 from vector<1x1xi32>
    %add3A_47 = arith.addi %add3A_38, %get3A_46 : i32
    %ge3A_48 = vector.broadcast %add3A_47 : i32 to vector<127x64xi32>
    %ge3A_49 = arith.cmpi sge, %add3A, %ge3A_48 : vector<127x64xi32>
    %convert_element_type3A_50 = arith.extui %ge3A_49 : vector<127x64xi1> to vector<127x64xi32>
    %add3A_51 = arith.addi %add3A_42, %convert_element_type3A_50 : vector<127x64xi32>
    %get3A_52 = arith.constant 0 : index
    %get3A_53 = arith.constant 5 : index
    %get3A_54 = vector.load %arg0[%get3A_52, %get3A_53] : memref<1x128xi32, #tpu.memory_space<vmem>>, vector<1x1xi32>
    %get3A_55 = vector.extract %get3A_54[0, 0] : i32 from vector<1x1xi32>
    %add3A_56 = arith.addi %add3A_47, %get3A_55 : i32
    %ge3A_57 = vector.broadcast %add3A_56 : i32 to vector<127x64xi32>
    %ge3A_58 = arith.cmpi sge, %add3A, %ge3A_57 : vector<127x64xi32>
    %convert_element_type3A_59 = arith.extui %ge3A_58 : vector<127x64xi1> to vector<127x64xi32>
    %add3A_60 = arith.addi %add3A_51, %convert_element_type3A_59 : vector<127x64xi32>
    %get3A_61 = arith.constant 0 : index
    %get3A_62 = arith.constant 6 : index
    %get3A_63 = vector.load %arg0[%get3A_61, %get3A_62] : memref<1x128xi32, #tpu.memory_space<vmem>>, vector<1x1xi32>
    %get3A_64 = vector.extract %get3A_63[0, 0] : i32 from vector<1x1xi32>
    %add3A_65 = arith.addi %add3A_56, %get3A_64 : i32
    %ge3A_66 = vector.broadcast %add3A_65 : i32 to vector<127x64xi32>
    %ge3A_67 = arith.cmpi sge, %add3A, %ge3A_66 : vector<127x64xi32>
    %convert_element_type3A_68 = arith.extui %ge3A_67 : vector<127x64xi1> to vector<127x64xi32>
    %add3A_69 = arith.addi %add3A_60, %convert_element_type3A_68 : vector<127x64xi32>
    %get3A_70 = arith.constant 0 : index
    %get3A_71 = arith.constant 7 : index
    %get3A_72 = vector.load %arg0[%get3A_70, %get3A_71] : memref<1x128xi32, #tpu.memory_space<vmem>>, vector<1x1xi32>
    %get3A_73 = vector.extract %get3A_72[0, 0] : i32 from vector<1x1xi32>
    %add3A_74 = arith.addi %add3A_65, %get3A_73 : i32
    %ge3A_75 = vector.broadcast %add3A_74 : i32 to vector<127x64xi32>
    %ge3A_76 = arith.cmpi sge, %add3A, %ge3A_75 : vector<127x64xi32>
    %convert_element_type3A_77 = arith.extui %ge3A_76 : vector<127x64xi1> to vector<127x64xi32>
    %add3A_78 = arith.addi %add3A_69, %convert_element_type3A_77 : vector<127x64xi32>
    %get3A_79 = arith.constant 0 : index
    %get3A_80 = arith.constant 8 : index
    %get3A_81 = vector.load %arg0[%get3A_79, %get3A_80] : memref<1x128xi32, #tpu.memory_space<vmem>>, vector<1x1xi32>
    %get3A_82 = vector.extract %get3A_81[0, 0] : i32 from vector<1x1xi32>
    %add3A_83 = arith.addi %add3A_74, %get3A_82 : i32
    %ge3A_84 = vector.broadcast %add3A_83 : i32 to vector<127x64xi32>
    %ge3A_85 = arith.cmpi sge, %add3A, %ge3A_84 : vector<127x64xi32>
    %convert_element_type3A_86 = arith.extui %ge3A_85 : vector<127x64xi1> to vector<127x64xi32>
    %add3A_87 = arith.addi %add3A_78, %convert_element_type3A_86 : vector<127x64xi32>
    %get3A_88 = arith.constant 0 : index
    %get3A_89 = arith.constant 9 : index
    %get3A_90 = vector.load %arg0[%get3A_88, %get3A_89] : memref<1x128xi32, #tpu.memory_space<vmem>>, vector<1x1xi32>
    %get3A_91 = vector.extract %get3A_90[0, 0] : i32 from vector<1x1xi32>
    %add3A_92 = arith.addi %add3A_83, %get3A_91 : i32
    %ge3A_93 = vector.broadcast %add3A_92 : i32 to vector<127x64xi32>
    %ge3A_94 = arith.cmpi sge, %add3A, %ge3A_93 : vector<127x64xi32>
    %convert_element_type3A_95 = arith.extui %ge3A_94 : vector<127x64xi1> to vector<127x64xi32>
    %add3A_96 = arith.addi %add3A_87, %convert_element_type3A_95 : vector<127x64xi32>
    %get3A_97 = arith.constant 0 : index
    %get3A_98 = arith.constant 10 : index
    %get3A_99 = vector.load %arg0[%get3A_97, %get3A_98] : memref<1x128xi32, #tpu.memory_space<vmem>>, vector<1x1xi32>
    %get3A_100 = vector.extract %get3A_99[0, 0] : i32 from vector<1x1xi32>
    %add3A_101 = arith.addi %add3A_92, %get3A_100 : i32
    %ge3A_102 = vector.broadcast %add3A_101 : i32 to vector<127x64xi32>
    %ge3A_103 = arith.cmpi sge, %add3A, %ge3A_102 : vector<127x64xi32>
    %convert_element_type3A_104 = arith.extui %ge3A_103 : vector<127x64xi1> to vector<127x64xi32>
    %add3A_105 = arith.addi %add3A_96, %convert_element_type3A_104 : vector<127x64xi32>
    %get3A_106 = arith.constant 0 : index
    %get3A_107 = arith.constant 11 : index
    %get3A_108 = vector.load %arg0[%get3A_106, %get3A_107] : memref<1x128xi32, #tpu.memory_space<vmem>>, vector<1x1xi32>
    %get3A_109 = vector.extract %get3A_108[0, 0] : i32 from vector<1x1xi32>
    %add3A_110 = arith.addi %add3A_101, %get3A_109 : i32
    %ge3A_111 = vector.broadcast %add3A_110 : i32 to vector<127x64xi32>
    %ge3A_112 = arith.cmpi sge, %add3A, %ge3A_111 : vector<127x64xi32>
    %convert_element_type3A_113 = arith.extui %ge3A_112 : vector<127x64xi1> to vector<127x64xi32>
    %add3A_114 = arith.addi %add3A_105, %convert_element_type3A_113 : vector<127x64xi32>
    %get3A_115 = arith.constant 0 : index
    %get3A_116 = arith.constant 12 : index
    %get3A_117 = vector.load %arg0[%get3A_115, %get3A_116] : memref<1x128xi32, #tpu.memory_space<vmem>>, vector<1x1xi32>
    %get3A_118 = vector.extract %get3A_117[0, 0] : i32 from vector<1x1xi32>
    %add3A_119 = arith.addi %add3A_110, %get3A_118 : i32
    %ge3A_120 = vector.broadcast %add3A_119 : i32 to vector<127x64xi32>
    %ge3A_121 = arith.cmpi sge, %add3A, %ge3A_120 : vector<127x64xi32>
    %convert_element_type3A_122 = arith.extui %ge3A_121 : vector<127x64xi1> to vector<127x64xi32>
    %add3A_123 = arith.addi %add3A_114, %convert_element_type3A_122 : vector<127x64xi32>
    %get3A_124 = arith.constant 0 : index
    %get3A_125 = arith.constant 13 : index
    %get3A_126 = vector.load %arg0[%get3A_124, %get3A_125] : memref<1x128xi32, #tpu.memory_space<vmem>>, vector<1x1xi32>
    %get3A_127 = vector.extract %get3A_126[0, 0] : i32 from vector<1x1xi32>
    %add3A_128 = arith.addi %add3A_119, %get3A_127 : i32
    %ge3A_129 = vector.broadcast %add3A_128 : i32 to vector<127x64xi32>
    %ge3A_130 = arith.cmpi sge, %add3A, %ge3A_129 : vector<127x64xi32>
    %convert_element_type3A_131 = arith.extui %ge3A_130 : vector<127x64xi1> to vector<127x64xi32>
    %add3A_132 = arith.addi %add3A_123, %convert_element_type3A_131 : vector<127x64xi32>
    %get3A_133 = arith.constant 0 : index
    %get3A_134 = arith.constant 14 : index
    %get3A_135 = vector.load %arg0[%get3A_133, %get3A_134] : memref<1x128xi32, #tpu.memory_space<vmem>>, vector<1x1xi32>
    %get3A_136 = vector.extract %get3A_135[0, 0] : i32 from vector<1x1xi32>
    %add3A_137 = arith.addi %add3A_128, %get3A_136 : i32
    %ge3A_138 = vector.broadcast %add3A_137 : i32 to vector<127x64xi32>
    %ge3A_139 = arith.cmpi sge, %add3A, %ge3A_138 : vector<127x64xi32>
    %convert_element_type3A_140 = arith.extui %ge3A_139 : vector<127x64xi1> to vector<127x64xi32>
    %add3A_141 = arith.addi %add3A_132, %convert_element_type3A_140 : vector<127x64xi32>
    %get3A_142 = arith.constant 0 : index
    %get3A_143 = arith.constant 15 : index
    %get3A_144 = vector.load %arg0[%get3A_142, %get3A_143] : memref<1x128xi32, #tpu.memory_space<vmem>>, vector<1x1xi32>
    %get3A_145 = vector.extract %get3A_144[0, 0] : i32 from vector<1x1xi32>
    %add3A_146 = arith.addi %add3A_137, %get3A_145 : i32
    %ge3A_147 = vector.broadcast %add3A_146 : i32 to vector<127x64xi32>
    %ge3A_148 = arith.cmpi sge, %add3A, %ge3A_147 : vector<127x64xi32>
    %convert_element_type3A_149 = arith.extui %ge3A_148 : vector<127x64xi1> to vector<127x64xi32>
    %add3A_150 = arith.addi %add3A_141, %convert_element_type3A_149 : vector<127x64xi32>
    %get3A_151 = arith.constant 0 : index
    %get3A_152 = arith.constant 16 : index
    %get3A_153 = vector.load %arg0[%get3A_151, %get3A_152] : memref<1x128xi32, #tpu.memory_space<vmem>>, vector<1x1xi32>
    %get3A_154 = vector.extract %get3A_153[0, 0] : i32 from vector<1x1xi32>
    %add3A_155 = arith.addi %add3A_146, %get3A_154 : i32
    %ge3A_156 = vector.broadcast %add3A_155 : i32 to vector<127x64xi32>
    %ge3A_157 = arith.cmpi sge, %add3A, %ge3A_156 : vector<127x64xi32>
    %convert_element_type3A_158 = arith.extui %ge3A_157 : vector<127x64xi1> to vector<127x64xi32>
    %add3A_159 = arith.addi %add3A_150, %convert_element_type3A_158 : vector<127x64xi32>
    %get3A_160 = arith.constant 0 : index
    %get3A_161 = arith.constant 17 : index
    %get3A_162 = vector.load %arg0[%get3A_160, %get3A_161] : memref<1x128xi32, #tpu.memory_space<vmem>>, vector<1x1xi32>
    %get3A_163 = vector.extract %get3A_162[0, 0] : i32 from vector<1x1xi32>
    %add3A_164 = arith.addi %add3A_155, %get3A_163 : i32
    %ge3A_165 = vector.broadcast %add3A_164 : i32 to vector<127x64xi32>
    %ge3A_166 = arith.cmpi sge, %add3A, %ge3A_165 : vector<127x64xi32>
    %convert_element_type3A_167 = arith.extui %ge3A_166 : vector<127x64xi1> to vector<127x64xi32>
    %add3A_168 = arith.addi %add3A_159, %convert_element_type3A_167 : vector<127x64xi32>
    %get3A_169 = arith.constant 0 : index
    %get3A_170 = arith.constant 18 : index
    %get3A_171 = vector.load %arg0[%get3A_169, %get3A_170] : memref<1x128xi32, #tpu.memory_space<vmem>>, vector<1x1xi32>
    %get3A_172 = vector.extract %get3A_171[0, 0] : i32 from vector<1x1xi32>
    %add3A_173 = arith.addi %add3A_164, %get3A_172 : i32
    %ge3A_174 = vector.broadcast %add3A_173 : i32 to vector<127x64xi32>
    %ge3A_175 = arith.cmpi sge, %add3A, %ge3A_174 : vector<127x64xi32>
    %convert_element_type3A_176 = arith.extui %ge3A_175 : vector<127x64xi1> to vector<127x64xi32>
    %add3A_177 = arith.addi %add3A_168, %convert_element_type3A_176 : vector<127x64xi32>
    %get3A_178 = arith.constant 0 : index
    %get3A_179 = arith.constant 19 : index
    %get3A_180 = vector.load %arg0[%get3A_178, %get3A_179] : memref<1x128xi32, #tpu.memory_space<vmem>>, vector<1x1xi32>
    %get3A_181 = vector.extract %get3A_180[0, 0] : i32 from vector<1x1xi32>
    %add3A_182 = arith.addi %add3A_173, %get3A_181 : i32
    %ge3A_183 = vector.broadcast %add3A_182 : i32 to vector<127x64xi32>
    %ge3A_184 = arith.cmpi sge, %add3A, %ge3A_183 : vector<127x64xi32>
    %convert_element_type3A_185 = arith.extui %ge3A_184 : vector<127x64xi1> to vector<127x64xi32>
    %add3A_186 = arith.addi %add3A_177, %convert_element_type3A_185 : vector<127x64xi32>
    %get3A_187 = arith.constant 0 : index
    %get3A_188 = arith.constant 20 : index
    %get3A_189 = vector.load %arg0[%get3A_187, %get3A_188] : memref<1x128xi32, #tpu.memory_space<vmem>>, vector<1x1xi32>
    %get3A_190 = vector.extract %get3A_189[0, 0] : i32 from vector<1x1xi32>
    %add3A_191 = arith.addi %add3A_182, %get3A_190 : i32
    %ge3A_192 = vector.broadcast %add3A_191 : i32 to vector<127x64xi32>
    %ge3A_193 = arith.cmpi sge, %add3A, %ge3A_192 : vector<127x64xi32>
    %convert_element_type3A_194 = arith.extui %ge3A_193 : vector<127x64xi1> to vector<127x64xi32>
    %add3A_195 = arith.addi %add3A_186, %convert_element_type3A_194 : vector<127x64xi32>
    %get3A_196 = arith.constant 0 : index
    %get3A_197 = arith.constant 21 : index
    %get3A_198 = vector.load %arg0[%get3A_196, %get3A_197] : memref<1x128xi32, #tpu.memory_space<vmem>>, vector<1x1xi32>
    %get3A_199 = vector.extract %get3A_198[0, 0] : i32 from vector<1x1xi32>
    %add3A_200 = arith.addi %add3A_191, %get3A_199 : i32
    %ge3A_201 = vector.broadcast %add3A_200 : i32 to vector<127x64xi32>
    %ge3A_202 = arith.cmpi sge, %add3A, %ge3A_201 : vector<127x64xi32>
    %convert_element_type3A_203 = arith.extui %ge3A_202 : vector<127x64xi1> to vector<127x64xi32>
    %add3A_204 = arith.addi %add3A_195, %convert_element_type3A_203 : vector<127x64xi32>
    %get3A_205 = arith.constant 0 : index
    %get3A_206 = arith.constant 22 : index
    %get3A_207 = vector.load %arg0[%get3A_205, %get3A_206] : memref<1x128xi32, #tpu.memory_space<vmem>>, vector<1x1xi32>
    %get3A_208 = vector.extract %get3A_207[0, 0] : i32 from vector<1x1xi32>
    %add3A_209 = arith.addi %add3A_200, %get3A_208 : i32
    %ge3A_210 = vector.broadcast %add3A_209 : i32 to vector<127x64xi32>
    %ge3A_211 = arith.cmpi sge, %add3A, %ge3A_210 : vector<127x64xi32>
    %convert_element_type3A_212 = arith.extui %ge3A_211 : vector<127x64xi1> to vector<127x64xi32>
    %add3A_213 = arith.addi %add3A_204, %convert_element_type3A_212 : vector<127x64xi32>
    %get3A_214 = arith.constant 0 : index
    %get3A_215 = arith.constant 23 : index
    %get3A_216 = vector.load %arg0[%get3A_214, %get3A_215] : memref<1x128xi32, #tpu.memory_space<vmem>>, vector<1x1xi32>
    %get3A_217 = vector.extract %get3A_216[0, 0] : i32 from vector<1x1xi32>
    %add3A_218 = arith.addi %add3A_209, %get3A_217 : i32
    %ge3A_219 = vector.broadcast %add3A_218 : i32 to vector<127x64xi32>
    %ge3A_220 = arith.cmpi sge, %add3A, %ge3A_219 : vector<127x64xi32>
    %convert_element_type3A_221 = arith.extui %ge3A_220 : vector<127x64xi1> to vector<127x64xi32>
    %add3A_222 = arith.addi %add3A_213, %convert_element_type3A_221 : vector<127x64xi32>
    %get3A_223 = arith.constant 0 : index
    %get3A_224 = arith.constant 24 : index
    %get3A_225 = vector.load %arg0[%get3A_223, %get3A_224] : memref<1x128xi32, #tpu.memory_space<vmem>>, vector<1x1xi32>
    %get3A_226 = vector.extract %get3A_225[0, 0] : i32 from vector<1x1xi32>
    %add3A_227 = arith.addi %add3A_218, %get3A_226 : i32
    %ge3A_228 = vector.broadcast %add3A_227 : i32 to vector<127x64xi32>
    %ge3A_229 = arith.cmpi sge, %add3A, %ge3A_228 : vector<127x64xi32>
    %convert_element_type3A_230 = arith.extui %ge3A_229 : vector<127x64xi1> to vector<127x64xi32>
    %add3A_231 = arith.addi %add3A_222, %convert_element_type3A_230 : vector<127x64xi32>
    %get3A_232 = arith.constant 0 : index
    %get3A_233 = arith.constant 25 : index
    %get3A_234 = vector.load %arg0[%get3A_232, %get3A_233] : memref<1x128xi32, #tpu.memory_space<vmem>>, vector<1x1xi32>
    %get3A_235 = vector.extract %get3A_234[0, 0] : i32 from vector<1x1xi32>
    %add3A_236 = arith.addi %add3A_227, %get3A_235 : i32
    %ge3A_237 = vector.broadcast %add3A_236 : i32 to vector<127x64xi32>
    %ge3A_238 = arith.cmpi sge, %add3A, %ge3A_237 : vector<127x64xi32>
    %convert_element_type3A_239 = arith.extui %ge3A_238 : vector<127x64xi1> to vector<127x64xi32>
    %add3A_240 = arith.addi %add3A_231, %convert_element_type3A_239 : vector<127x64xi32>
    %get3A_241 = arith.constant 0 : index
    %get3A_242 = arith.constant 26 : index
    %get3A_243 = vector.load %arg0[%get3A_241, %get3A_242] : memref<1x128xi32, #tpu.memory_space<vmem>>, vector<1x1xi32>
    %get3A_244 = vector.extract %get3A_243[0, 0] : i32 from vector<1x1xi32>
    %add3A_245 = arith.addi %add3A_236, %get3A_244 : i32
    %ge3A_246 = vector.broadcast %add3A_245 : i32 to vector<127x64xi32>
    %ge3A_247 = arith.cmpi sge, %add3A, %ge3A_246 : vector<127x64xi32>
    %convert_element_type3A_248 = arith.extui %ge3A_247 : vector<127x64xi1> to vector<127x64xi32>
    %add3A_249 = arith.addi %add3A_240, %convert_element_type3A_248 : vector<127x64xi32>
    %get3A_250 = arith.constant 0 : index
    %get3A_251 = arith.constant 27 : index
    %get3A_252 = vector.load %arg0[%get3A_250, %get3A_251] : memref<1x128xi32, #tpu.memory_space<vmem>>, vector<1x1xi32>
    %get3A_253 = vector.extract %get3A_252[0, 0] : i32 from vector<1x1xi32>
    %add3A_254 = arith.addi %add3A_245, %get3A_253 : i32
    %ge3A_255 = vector.broadcast %add3A_254 : i32 to vector<127x64xi32>
    %ge3A_256 = arith.cmpi sge, %add3A, %ge3A_255 : vector<127x64xi32>
    %convert_element_type3A_257 = arith.extui %ge3A_256 : vector<127x64xi1> to vector<127x64xi32>
    %add3A_258 = arith.addi %add3A_249, %convert_element_type3A_257 : vector<127x64xi32>
    %get3A_259 = arith.constant 0 : index
    %get3A_260 = arith.constant 28 : index
    %get3A_261 = vector.load %arg0[%get3A_259, %get3A_260] : memref<1x128xi32, #tpu.memory_space<vmem>>, vector<1x1xi32>
    %get3A_262 = vector.extract %get3A_261[0, 0] : i32 from vector<1x1xi32>
    %add3A_263 = arith.addi %add3A_254, %get3A_262 : i32
    %ge3A_264 = vector.broadcast %add3A_263 : i32 to vector<127x64xi32>
    %ge3A_265 = arith.cmpi sge, %add3A, %ge3A_264 : vector<127x64xi32>
    %convert_element_type3A_266 = arith.extui %ge3A_265 : vector<127x64xi1> to vector<127x64xi32>
    %add3A_267 = arith.addi %add3A_258, %convert_element_type3A_266 : vector<127x64xi32>
    %get3A_268 = arith.constant 0 : index
    %get3A_269 = arith.constant 29 : index
    %get3A_270 = vector.load %arg0[%get3A_268, %get3A_269] : memref<1x128xi32, #tpu.memory_space<vmem>>, vector<1x1xi32>
    %get3A_271 = vector.extract %get3A_270[0, 0] : i32 from vector<1x1xi32>
    %add3A_272 = arith.addi %add3A_263, %get3A_271 : i32
    %ge3A_273 = vector.broadcast %add3A_272 : i32 to vector<127x64xi32>
    %ge3A_274 = arith.cmpi sge, %add3A, %ge3A_273 : vector<127x64xi32>
    %convert_element_type3A_275 = arith.extui %ge3A_274 : vector<127x64xi1> to vector<127x64xi32>
    %add3A_276 = arith.addi %add3A_267, %convert_element_type3A_275 : vector<127x64xi32>
    %get3A_277 = arith.constant 0 : index
    %get3A_278 = arith.constant 30 : index
    %get3A_279 = vector.load %arg0[%get3A_277, %get3A_278] : memref<1x128xi32, #tpu.memory_space<vmem>>, vector<1x1xi32>
    %get3A_280 = vector.extract %get3A_279[0, 0] : i32 from vector<1x1xi32>
    %add3A_281 = arith.addi %add3A_272, %get3A_280 : i32
    %ge3A_282 = vector.broadcast %add3A_281 : i32 to vector<127x64xi32>
    %ge3A_283 = arith.cmpi sge, %add3A, %ge3A_282 : vector<127x64xi32>
    %convert_element_type3A_284 = arith.extui %ge3A_283 : vector<127x64xi1> to vector<127x64xi32>
    %add3A_285 = arith.addi %add3A_276, %convert_element_type3A_284 : vector<127x64xi32>
    %get3A_286 = arith.constant 0 : index
    %get3A_287 = arith.constant 31 : index
    %get3A_288 = vector.load %arg0[%get3A_286, %get3A_287] : memref<1x128xi32, #tpu.memory_space<vmem>>, vector<1x1xi32>
    %get3A_289 = vector.extract %get3A_288[0, 0] : i32 from vector<1x1xi32>
    %add3A_290 = arith.addi %add3A_281, %get3A_289 : i32
    %ge3A_291 = vector.broadcast %add3A_290 : i32 to vector<127x64xi32>
    %ge3A_292 = arith.cmpi sge, %add3A, %ge3A_291 : vector<127x64xi32>
    %convert_element_type3A_293 = arith.extui %ge3A_292 : vector<127x64xi1> to vector<127x64xi32>
    %add3A_294 = arith.addi %add3A_285, %convert_element_type3A_293 : vector<127x64xi32>
    %get3A_295 = arith.constant 0 : index
    %get3A_296 = arith.constant 32 : index
    %get3A_297 = vector.load %arg0[%get3A_295, %get3A_296] : memref<1x128xi32, #tpu.memory_space<vmem>>, vector<1x1xi32>
    %get3A_298 = vector.extract %get3A_297[0, 0] : i32 from vector<1x1xi32>
    %add3A_299 = arith.addi %add3A_290, %get3A_298 : i32
    %ge3A_300 = vector.broadcast %add3A_299 : i32 to vector<127x64xi32>
    %ge3A_301 = arith.cmpi sge, %add3A, %ge3A_300 : vector<127x64xi32>
    %convert_element_type3A_302 = arith.extui %ge3A_301 : vector<127x64xi1> to vector<127x64xi32>
    %add3A_303 = arith.addi %add3A_294, %convert_element_type3A_302 : vector<127x64xi32>
    %get3A_304 = arith.constant 0 : index
    %get3A_305 = arith.constant 33 : index
    %get3A_306 = vector.load %arg0[%get3A_304, %get3A_305] : memref<1x128xi32, #tpu.memory_space<vmem>>, vector<1x1xi32>
    %get3A_307 = vector.extract %get3A_306[0, 0] : i32 from vector<1x1xi32>
    %add3A_308 = arith.addi %add3A_299, %get3A_307 : i32
    %ge3A_309 = vector.broadcast %add3A_308 : i32 to vector<127x64xi32>
    %ge3A_310 = arith.cmpi sge, %add3A, %ge3A_309 : vector<127x64xi32>
    %convert_element_type3A_311 = arith.extui %ge3A_310 : vector<127x64xi1> to vector<127x64xi32>
    %add3A_312 = arith.addi %add3A_303, %convert_element_type3A_311 : vector<127x64xi32>
    %get3A_313 = arith.constant 0 : index
    %get3A_314 = arith.constant 34 : index
    %get3A_315 = vector.load %arg0[%get3A_313, %get3A_314] : memref<1x128xi32, #tpu.memory_space<vmem>>, vector<1x1xi32>
    %get3A_316 = vector.extract %get3A_315[0, 0] : i32 from vector<1x1xi32>
    %add3A_317 = arith.addi %add3A_308, %get3A_316 : i32
    %ge3A_318 = vector.broadcast %add3A_317 : i32 to vector<127x64xi32>
    %ge3A_319 = arith.cmpi sge, %add3A, %ge3A_318 : vector<127x64xi32>
    %convert_element_type3A_320 = arith.extui %ge3A_319 : vector<127x64xi1> to vector<127x64xi32>
    %add3A_321 = arith.addi %add3A_312, %convert_element_type3A_320 : vector<127x64xi32>
    %get3A_322 = arith.constant 0 : index
    %get3A_323 = arith.constant 35 : index
    %get3A_324 = vector.load %arg0[%get3A_322, %get3A_323] : memref<1x128xi32, #tpu.memory_space<vmem>>, vector<1x1xi32>
    %get3A_325 = vector.extract %get3A_324[0, 0] : i32 from vector<1x1xi32>
    %add3A_326 = arith.addi %add3A_317, %get3A_325 : i32
    %ge3A_327 = vector.broadcast %add3A_326 : i32 to vector<127x64xi32>
    %ge3A_328 = arith.cmpi sge, %add3A, %ge3A_327 : vector<127x64xi32>
    %convert_element_type3A_329 = arith.extui %ge3A_328 : vector<127x64xi1> to vector<127x64xi32>
    %add3A_330 = arith.addi %add3A_321, %convert_element_type3A_329 : vector<127x64xi32>
    %get3A_331 = arith.constant 0 : index
    %get3A_332 = arith.constant 36 : index
    %get3A_333 = vector.load %arg0[%get3A_331, %get3A_332] : memref<1x128xi32, #tpu.memory_space<vmem>>, vector<1x1xi32>
    %get3A_334 = vector.extract %get3A_333[0, 0] : i32 from vector<1x1xi32>
    %add3A_335 = arith.addi %add3A_326, %get3A_334 : i32
    %ge3A_336 = vector.broadcast %add3A_335 : i32 to vector<127x64xi32>
    %ge3A_337 = arith.cmpi sge, %add3A, %ge3A_336 : vector<127x64xi32>
    %convert_element_type3A_338 = arith.extui %ge3A_337 : vector<127x64xi1> to vector<127x64xi32>
    %add3A_339 = arith.addi %add3A_330, %convert_element_type3A_338 : vector<127x64xi32>
    %get3A_340 = arith.constant 0 : index
    %get3A_341 = arith.constant 37 : index
    %get3A_342 = vector.load %arg0[%get3A_340, %get3A_341] : memref<1x128xi32, #tpu.memory_space<vmem>>, vector<1x1xi32>
    %get3A_343 = vector.extract %get3A_342[0, 0] : i32 from vector<1x1xi32>
    %add3A_344 = arith.addi %add3A_335, %get3A_343 : i32
    %ge3A_345 = vector.broadcast %add3A_344 : i32 to vector<127x64xi32>
    %ge3A_346 = arith.cmpi sge, %add3A, %ge3A_345 : vector<127x64xi32>
    %convert_element_type3A_347 = arith.extui %ge3A_346 : vector<127x64xi1> to vector<127x64xi32>
    %add3A_348 = arith.addi %add3A_339, %convert_element_type3A_347 : vector<127x64xi32>
    %get3A_349 = arith.constant 0 : index
    %get3A_350 = arith.constant 38 : index
    %get3A_351 = vector.load %arg0[%get3A_349, %get3A_350] : memref<1x128xi32, #tpu.memory_space<vmem>>, vector<1x1xi32>
    %get3A_352 = vector.extract %get3A_351[0, 0] : i32 from vector<1x1xi32>
    %add3A_353 = arith.addi %add3A_344, %get3A_352 : i32
    %ge3A_354 = vector.broadcast %add3A_353 : i32 to vector<127x64xi32>
    %ge3A_355 = arith.cmpi sge, %add3A, %ge3A_354 : vector<127x64xi32>
    %convert_element_type3A_356 = arith.extui %ge3A_355 : vector<127x64xi1> to vector<127x64xi32>
    %add3A_357 = arith.addi %add3A_348, %convert_element_type3A_356 : vector<127x64xi32>
    %get3A_358 = arith.constant 0 : index
    %get3A_359 = arith.constant 39 : index
    %get3A_360 = vector.load %arg0[%get3A_358, %get3A_359] : memref<1x128xi32, #tpu.memory_space<vmem>>, vector<1x1xi32>
    %get3A_361 = vector.extract %get3A_360[0, 0] : i32 from vector<1x1xi32>
    %add3A_362 = arith.addi %add3A_353, %get3A_361 : i32
    %ge3A_363 = vector.broadcast %add3A_362 : i32 to vector<127x64xi32>
    %ge3A_364 = arith.cmpi sge, %add3A, %ge3A_363 : vector<127x64xi32>
    %convert_element_type3A_365 = arith.extui %ge3A_364 : vector<127x64xi1> to vector<127x64xi32>
    %add3A_366 = arith.addi %add3A_357, %convert_element_type3A_365 : vector<127x64xi32>
    %get3A_367 = arith.constant 0 : index
    %get3A_368 = arith.constant 40 : index
    %get3A_369 = vector.load %arg0[%get3A_367, %get3A_368] : memref<1x128xi32, #tpu.memory_space<vmem>>, vector<1x1xi32>
    %get3A_370 = vector.extract %get3A_369[0, 0] : i32 from vector<1x1xi32>
    %add3A_371 = arith.addi %add3A_362, %get3A_370 : i32
    %ge3A_372 = vector.broadcast %add3A_371 : i32 to vector<127x64xi32>
    %ge3A_373 = arith.cmpi sge, %add3A, %ge3A_372 : vector<127x64xi32>
    %convert_element_type3A_374 = arith.extui %ge3A_373 : vector<127x64xi1> to vector<127x64xi32>
    %add3A_375 = arith.addi %add3A_366, %convert_element_type3A_374 : vector<127x64xi32>
    %get3A_376 = arith.constant 0 : index
    %get3A_377 = arith.constant 41 : index
    %get3A_378 = vector.load %arg0[%get3A_376, %get3A_377] : memref<1x128xi32, #tpu.memory_space<vmem>>, vector<1x1xi32>
    %get3A_379 = vector.extract %get3A_378[0, 0] : i32 from vector<1x1xi32>
    %add3A_380 = arith.addi %add3A_371, %get3A_379 : i32
    %ge3A_381 = vector.broadcast %add3A_380 : i32 to vector<127x64xi32>
    %ge3A_382 = arith.cmpi sge, %add3A, %ge3A_381 : vector<127x64xi32>
    %convert_element_type3A_383 = arith.extui %ge3A_382 : vector<127x64xi1> to vector<127x64xi32>
    %add3A_384 = arith.addi %add3A_375, %convert_element_type3A_383 : vector<127x64xi32>
    %get3A_385 = arith.constant 0 : index
    %get3A_386 = arith.constant 42 : index
    %get3A_387 = vector.load %arg0[%get3A_385, %get3A_386] : memref<1x128xi32, #tpu.memory_space<vmem>>, vector<1x1xi32>
    %get3A_388 = vector.extract %get3A_387[0, 0] : i32 from vector<1x1xi32>
    %add3A_389 = arith.addi %add3A_380, %get3A_388 : i32
    %ge3A_390 = vector.broadcast %add3A_389 : i32 to vector<127x64xi32>
    %ge3A_391 = arith.cmpi sge, %add3A, %ge3A_390 : vector<127x64xi32>
    %convert_element_type3A_392 = arith.extui %ge3A_391 : vector<127x64xi1> to vector<127x64xi32>
    %add3A_393 = arith.addi %add3A_384, %convert_element_type3A_392 : vector<127x64xi32>
    %get3A_394 = arith.constant 0 : index
    %get3A_395 = arith.constant 43 : index
    %get3A_396 = vector.load %arg0[%get3A_394, %get3A_395] : memref<1x128xi32, #tpu.memory_space<vmem>>, vector<1x1xi32>
    %get3A_397 = vector.extract %get3A_396[0, 0] : i32 from vector<1x1xi32>
    %add3A_398 = arith.addi %add3A_389, %get3A_397 : i32
    %ge3A_399 = vector.broadcast %add3A_398 : i32 to vector<127x64xi32>
    %ge3A_400 = arith.cmpi sge, %add3A, %ge3A_399 : vector<127x64xi32>
    %convert_element_type3A_401 = arith.extui %ge3A_400 : vector<127x64xi1> to vector<127x64xi32>
    %add3A_402 = arith.addi %add3A_393, %convert_element_type3A_401 : vector<127x64xi32>
    %get3A_403 = arith.constant 0 : index
    %get3A_404 = arith.constant 44 : index
    %get3A_405 = vector.load %arg0[%get3A_403, %get3A_404] : memref<1x128xi32, #tpu.memory_space<vmem>>, vector<1x1xi32>
    %get3A_406 = vector.extract %get3A_405[0, 0] : i32 from vector<1x1xi32>
    %add3A_407 = arith.addi %add3A_398, %get3A_406 : i32
    %ge3A_408 = vector.broadcast %add3A_407 : i32 to vector<127x64xi32>
    %ge3A_409 = arith.cmpi sge, %add3A, %ge3A_408 : vector<127x64xi32>
    %convert_element_type3A_410 = arith.extui %ge3A_409 : vector<127x64xi1> to vector<127x64xi32>
    %add3A_411 = arith.addi %add3A_402, %convert_element_type3A_410 : vector<127x64xi32>
    %get3A_412 = arith.constant 0 : index
    %get3A_413 = arith.constant 45 : index
    %get3A_414 = vector.load %arg0[%get3A_412, %get3A_413] : memref<1x128xi32, #tpu.memory_space<vmem>>, vector<1x1xi32>
    %get3A_415 = vector.extract %get3A_414[0, 0] : i32 from vector<1x1xi32>
    %add3A_416 = arith.addi %add3A_407, %get3A_415 : i32
    %ge3A_417 = vector.broadcast %add3A_416 : i32 to vector<127x64xi32>
    %ge3A_418 = arith.cmpi sge, %add3A, %ge3A_417 : vector<127x64xi32>
    %convert_element_type3A_419 = arith.extui %ge3A_418 : vector<127x64xi1> to vector<127x64xi32>
    %add3A_420 = arith.addi %add3A_411, %convert_element_type3A_419 : vector<127x64xi32>
    %get3A_421 = arith.constant 0 : index
    %get3A_422 = arith.constant 46 : index
    %get3A_423 = vector.load %arg0[%get3A_421, %get3A_422] : memref<1x128xi32, #tpu.memory_space<vmem>>, vector<1x1xi32>
    %get3A_424 = vector.extract %get3A_423[0, 0] : i32 from vector<1x1xi32>
    %add3A_425 = arith.addi %add3A_416, %get3A_424 : i32
    %ge3A_426 = vector.broadcast %add3A_425 : i32 to vector<127x64xi32>
    %ge3A_427 = arith.cmpi sge, %add3A, %ge3A_426 : vector<127x64xi32>
    %convert_element_type3A_428 = arith.extui %ge3A_427 : vector<127x64xi1> to vector<127x64xi32>
    %add3A_429 = arith.addi %add3A_420, %convert_element_type3A_428 : vector<127x64xi32>
    %get3A_430 = arith.constant 0 : index
    %get3A_431 = arith.constant 47 : index
    %get3A_432 = vector.load %arg0[%get3A_430, %get3A_431] : memref<1x128xi32, #tpu.memory_space<vmem>>, vector<1x1xi32>
    %get3A_433 = vector.extract %get3A_432[0, 0] : i32 from vector<1x1xi32>
    %add3A_434 = arith.addi %add3A_425, %get3A_433 : i32
    %ge3A_435 = vector.broadcast %add3A_434 : i32 to vector<127x64xi32>
    %ge3A_436 = arith.cmpi sge, %add3A, %ge3A_435 : vector<127x64xi32>
    %convert_element_type3A_437 = arith.extui %ge3A_436 : vector<127x64xi1> to vector<127x64xi32>
    %add3A_438 = arith.addi %add3A_429, %convert_element_type3A_437 : vector<127x64xi32>
    %get3A_439 = arith.constant 0 : index
    %get3A_440 = arith.constant 48 : index
    %get3A_441 = vector.load %arg0[%get3A_439, %get3A_440] : memref<1x128xi32, #tpu.memory_space<vmem>>, vector<1x1xi32>
    %get3A_442 = vector.extract %get3A_441[0, 0] : i32 from vector<1x1xi32>
    %add3A_443 = arith.addi %add3A_434, %get3A_442 : i32
    %ge3A_444 = vector.broadcast %add3A_443 : i32 to vector<127x64xi32>
    %ge3A_445 = arith.cmpi sge, %add3A, %ge3A_444 : vector<127x64xi32>
    %convert_element_type3A_446 = arith.extui %ge3A_445 : vector<127x64xi1> to vector<127x64xi32>
    %add3A_447 = arith.addi %add3A_438, %convert_element_type3A_446 : vector<127x64xi32>
    %get3A_448 = arith.constant 0 : index
    %get3A_449 = arith.constant 49 : index
    %get3A_450 = vector.load %arg0[%get3A_448, %get3A_449] : memref<1x128xi32, #tpu.memory_space<vmem>>, vector<1x1xi32>
    %get3A_451 = vector.extract %get3A_450[0, 0] : i32 from vector<1x1xi32>
    %add3A_452 = arith.addi %add3A_443, %get3A_451 : i32
    %ge3A_453 = vector.broadcast %add3A_452 : i32 to vector<127x64xi32>
    %ge3A_454 = arith.cmpi sge, %add3A, %ge3A_453 : vector<127x64xi32>
    %convert_element_type3A_455 = arith.extui %ge3A_454 : vector<127x64xi1> to vector<127x64xi32>
    %add3A_456 = arith.addi %add3A_447, %convert_element_type3A_455 : vector<127x64xi32>
    %get3A_457 = arith.constant 0 : index
    %get3A_458 = arith.constant 50 : index
    %get3A_459 = vector.load %arg0[%get3A_457, %get3A_458] : memref<1x128xi32, #tpu.memory_space<vmem>>, vector<1x1xi32>
    %get3A_460 = vector.extract %get3A_459[0, 0] : i32 from vector<1x1xi32>
    %add3A_461 = arith.addi %add3A_452, %get3A_460 : i32
    %ge3A_462 = vector.broadcast %add3A_461 : i32 to vector<127x64xi32>
    %ge3A_463 = arith.cmpi sge, %add3A, %ge3A_462 : vector<127x64xi32>
    %convert_element_type3A_464 = arith.extui %ge3A_463 : vector<127x64xi1> to vector<127x64xi32>
    %add3A_465 = arith.addi %add3A_456, %convert_element_type3A_464 : vector<127x64xi32>
    %get3A_466 = arith.constant 0 : index
    %get3A_467 = arith.constant 51 : index
    %get3A_468 = vector.load %arg0[%get3A_466, %get3A_467] : memref<1x128xi32, #tpu.memory_space<vmem>>, vector<1x1xi32>
    %get3A_469 = vector.extract %get3A_468[0, 0] : i32 from vector<1x1xi32>
    %add3A_470 = arith.addi %add3A_461, %get3A_469 : i32
    %ge3A_471 = vector.broadcast %add3A_470 : i32 to vector<127x64xi32>
    %ge3A_472 = arith.cmpi sge, %add3A, %ge3A_471 : vector<127x64xi32>
    %convert_element_type3A_473 = arith.extui %ge3A_472 : vector<127x64xi1> to vector<127x64xi32>
    %add3A_474 = arith.addi %add3A_465, %convert_element_type3A_473 : vector<127x64xi32>
    %get3A_475 = arith.constant 0 : index
    %get3A_476 = arith.constant 52 : index
    %get3A_477 = vector.load %arg0[%get3A_475, %get3A_476] : memref<1x128xi32, #tpu.memory_space<vmem>>, vector<1x1xi32>
    %get3A_478 = vector.extract %get3A_477[0, 0] : i32 from vector<1x1xi32>
    %add3A_479 = arith.addi %add3A_470, %get3A_478 : i32
    %ge3A_480 = vector.broadcast %add3A_479 : i32 to vector<127x64xi32>
    %ge3A_481 = arith.cmpi sge, %add3A, %ge3A_480 : vector<127x64xi32>
    %convert_element_type3A_482 = arith.extui %ge3A_481 : vector<127x64xi1> to vector<127x64xi32>
    %add3A_483 = arith.addi %add3A_474, %convert_element_type3A_482 : vector<127x64xi32>
    %get3A_484 = arith.constant 0 : index
    %get3A_485 = arith.constant 53 : index
    %get3A_486 = vector.load %arg0[%get3A_484, %get3A_485] : memref<1x128xi32, #tpu.memory_space<vmem>>, vector<1x1xi32>
    %get3A_487 = vector.extract %get3A_486[0, 0] : i32 from vector<1x1xi32>
    %add3A_488 = arith.addi %add3A_479, %get3A_487 : i32
    %ge3A_489 = vector.broadcast %add3A_488 : i32 to vector<127x64xi32>
    %ge3A_490 = arith.cmpi sge, %add3A, %ge3A_489 : vector<127x64xi32>
    %convert_element_type3A_491 = arith.extui %ge3A_490 : vector<127x64xi1> to vector<127x64xi32>
    %add3A_492 = arith.addi %add3A_483, %convert_element_type3A_491 : vector<127x64xi32>
    %get3A_493 = arith.constant 0 : index
    %get3A_494 = arith.constant 54 : index
    %get3A_495 = vector.load %arg0[%get3A_493, %get3A_494] : memref<1x128xi32, #tpu.memory_space<vmem>>, vector<1x1xi32>
    %get3A_496 = vector.extract %get3A_495[0, 0] : i32 from vector<1x1xi32>
    %add3A_497 = arith.addi %add3A_488, %get3A_496 : i32
    %ge3A_498 = vector.broadcast %add3A_497 : i32 to vector<127x64xi32>
    %ge3A_499 = arith.cmpi sge, %add3A, %ge3A_498 : vector<127x64xi32>
    %convert_element_type3A_500 = arith.extui %ge3A_499 : vector<127x64xi1> to vector<127x64xi32>
    %add3A_501 = arith.addi %add3A_492, %convert_element_type3A_500 : vector<127x64xi32>
    %get3A_502 = arith.constant 0 : index
    %get3A_503 = arith.constant 55 : index
    %get3A_504 = vector.load %arg0[%get3A_502, %get3A_503] : memref<1x128xi32, #tpu.memory_space<vmem>>, vector<1x1xi32>
    %get3A_505 = vector.extract %get3A_504[0, 0] : i32 from vector<1x1xi32>
    %add3A_506 = arith.addi %add3A_497, %get3A_505 : i32
    %ge3A_507 = vector.broadcast %add3A_506 : i32 to vector<127x64xi32>
    %ge3A_508 = arith.cmpi sge, %add3A, %ge3A_507 : vector<127x64xi32>
    %convert_element_type3A_509 = arith.extui %ge3A_508 : vector<127x64xi1> to vector<127x64xi32>
    %add3A_510 = arith.addi %add3A_501, %convert_element_type3A_509 : vector<127x64xi32>
    %get3A_511 = arith.constant 0 : index
    %get3A_512 = arith.constant 56 : index
    %get3A_513 = vector.load %arg0[%get3A_511, %get3A_512] : memref<1x128xi32, #tpu.memory_space<vmem>>, vector<1x1xi32>
    %get3A_514 = vector.extract %get3A_513[0, 0] : i32 from vector<1x1xi32>
    %add3A_515 = arith.addi %add3A_506, %get3A_514 : i32
    %ge3A_516 = vector.broadcast %add3A_515 : i32 to vector<127x64xi32>
    %ge3A_517 = arith.cmpi sge, %add3A, %ge3A_516 : vector<127x64xi32>
    %convert_element_type3A_518 = arith.extui %ge3A_517 : vector<127x64xi1> to vector<127x64xi32>
    %add3A_519 = arith.addi %add3A_510, %convert_element_type3A_518 : vector<127x64xi32>
    %get3A_520 = arith.constant 0 : index
    %get3A_521 = arith.constant 57 : index
    %get3A_522 = vector.load %arg0[%get3A_520, %get3A_521] : memref<1x128xi32, #tpu.memory_space<vmem>>, vector<1x1xi32>
    %get3A_523 = vector.extract %get3A_522[0, 0] : i32 from vector<1x1xi32>
    %add3A_524 = arith.addi %add3A_515, %get3A_523 : i32
    %ge3A_525 = vector.broadcast %add3A_524 : i32 to vector<127x64xi32>
    %ge3A_526 = arith.cmpi sge, %add3A, %ge3A_525 : vector<127x64xi32>
    %convert_element_type3A_527 = arith.extui %ge3A_526 : vector<127x64xi1> to vector<127x64xi32>
    %add3A_528 = arith.addi %add3A_519, %convert_element_type3A_527 : vector<127x64xi32>
    %get3A_529 = arith.constant 0 : index
    %get3A_530 = arith.constant 58 : index
    %get3A_531 = vector.load %arg0[%get3A_529, %get3A_530] : memref<1x128xi32, #tpu.memory_space<vmem>>, vector<1x1xi32>
    %get3A_532 = vector.extract %get3A_531[0, 0] : i32 from vector<1x1xi32>
    %add3A_533 = arith.addi %add3A_524, %get3A_532 : i32
    %ge3A_534 = vector.broadcast %add3A_533 : i32 to vector<127x64xi32>
    %ge3A_535 = arith.cmpi sge, %add3A, %ge3A_534 : vector<127x64xi32>
    %convert_element_type3A_536 = arith.extui %ge3A_535 : vector<127x64xi1> to vector<127x64xi32>
    %add3A_537 = arith.addi %add3A_528, %convert_element_type3A_536 : vector<127x64xi32>
    %get3A_538 = arith.constant 0 : index
    %get3A_539 = arith.constant 59 : index
    %get3A_540 = vector.load %arg0[%get3A_538, %get3A_539] : memref<1x128xi32, #tpu.memory_space<vmem>>, vector<1x1xi32>
    %get3A_541 = vector.extract %get3A_540[0, 0] : i32 from vector<1x1xi32>
    %add3A_542 = arith.addi %add3A_533, %get3A_541 : i32
    %ge3A_543 = vector.broadcast %add3A_542 : i32 to vector<127x64xi32>
    %ge3A_544 = arith.cmpi sge, %add3A, %ge3A_543 : vector<127x64xi32>
    %convert_element_type3A_545 = arith.extui %ge3A_544 : vector<127x64xi1> to vector<127x64xi32>
    %add3A_546 = arith.addi %add3A_537, %convert_element_type3A_545 : vector<127x64xi32>
    %get3A_547 = arith.constant 0 : index
    %get3A_548 = arith.constant 60 : index
    %get3A_549 = vector.load %arg0[%get3A_547, %get3A_548] : memref<1x128xi32, #tpu.memory_space<vmem>>, vector<1x1xi32>
    %get3A_550 = vector.extract %get3A_549[0, 0] : i32 from vector<1x1xi32>
    %add3A_551 = arith.addi %add3A_542, %get3A_550 : i32
    %ge3A_552 = vector.broadcast %add3A_551 : i32 to vector<127x64xi32>
    %ge3A_553 = arith.cmpi sge, %add3A, %ge3A_552 : vector<127x64xi32>
    %convert_element_type3A_554 = arith.extui %ge3A_553 : vector<127x64xi1> to vector<127x64xi32>
    %add3A_555 = arith.addi %add3A_546, %convert_element_type3A_554 : vector<127x64xi32>
    %get3A_556 = arith.constant 0 : index
    %get3A_557 = arith.constant 61 : index
    %get3A_558 = vector.load %arg0[%get3A_556, %get3A_557] : memref<1x128xi32, #tpu.memory_space<vmem>>, vector<1x1xi32>
    %get3A_559 = vector.extract %get3A_558[0, 0] : i32 from vector<1x1xi32>
    %add3A_560 = arith.addi %add3A_551, %get3A_559 : i32
    %ge3A_561 = vector.broadcast %add3A_560 : i32 to vector<127x64xi32>
    %ge3A_562 = arith.cmpi sge, %add3A, %ge3A_561 : vector<127x64xi32>
    %convert_element_type3A_563 = arith.extui %ge3A_562 : vector<127x64xi1> to vector<127x64xi32>
    %add3A_564 = arith.addi %add3A_555, %convert_element_type3A_563 : vector<127x64xi32>
    %get3A_565 = arith.constant 0 : index
    %get3A_566 = arith.constant 62 : index
    %get3A_567 = vector.load %arg0[%get3A_565, %get3A_566] : memref<1x128xi32, #tpu.memory_space<vmem>>, vector<1x1xi32>
    %get3A_568 = vector.extract %get3A_567[0, 0] : i32 from vector<1x1xi32>
    %add3A_569 = arith.addi %add3A_560, %get3A_568 : i32
    %ge3A_570 = vector.broadcast %add3A_569 : i32 to vector<127x64xi32>
    %ge3A_571 = arith.cmpi sge, %add3A, %ge3A_570 : vector<127x64xi32>
    %convert_element_type3A_572 = arith.extui %ge3A_571 : vector<127x64xi1> to vector<127x64xi32>
    %add3A_573 = arith.addi %add3A_564, %convert_element_type3A_572 : vector<127x64xi32>
    %get3A_574 = arith.constant 0 : index
    %get3A_575 = arith.constant 63 : index
    %get3A_576 = vector.load %arg0[%get3A_574, %get3A_575] : memref<1x128xi32, #tpu.memory_space<vmem>>, vector<1x1xi32>
    %get3A_577 = vector.extract %get3A_576[0, 0] : i32 from vector<1x1xi32>
    %add3A_578 = arith.addi %add3A_569, %get3A_577 : i32
    %ge3A_579 = vector.broadcast %add3A_578 : i32 to vector<127x64xi32>
    %ge3A_580 = arith.cmpi sge, %add3A, %ge3A_579 : vector<127x64xi32>
    %convert_element_type3A_581 = arith.extui %ge3A_580 : vector<127x64xi1> to vector<127x64xi32>
    %add3A_582 = arith.addi %add3A_573, %convert_element_type3A_581 : vector<127x64xi32>
    %get3A_583 = arith.constant 0 : index
    %get3A_584 = arith.constant 64 : index
    %get3A_585 = vector.load %arg0[%get3A_583, %get3A_584] : memref<1x128xi32, #tpu.memory_space<vmem>>, vector<1x1xi32>
    %get3A_586 = vector.extract %get3A_585[0, 0] : i32 from vector<1x1xi32>
    %add3A_587 = arith.addi %add3A_578, %get3A_586 : i32
    %ge3A_588 = vector.broadcast %add3A_587 : i32 to vector<127x64xi32>
    %ge3A_589 = arith.cmpi sge, %add3A, %ge3A_588 : vector<127x64xi32>
    %convert_element_type3A_590 = arith.extui %ge3A_589 : vector<127x64xi1> to vector<127x64xi32>
    %add3A_591 = arith.addi %add3A_582, %convert_element_type3A_590 : vector<127x64xi32>
    %get3A_592 = arith.constant 0 : index
    %get3A_593 = arith.constant 65 : index
    %get3A_594 = vector.load %arg0[%get3A_592, %get3A_593] : memref<1x128xi32, #tpu.memory_space<vmem>>, vector<1x1xi32>
    %get3A_595 = vector.extract %get3A_594[0, 0] : i32 from vector<1x1xi32>
    %add3A_596 = arith.addi %add3A_587, %get3A_595 : i32
    %ge3A_597 = vector.broadcast %add3A_596 : i32 to vector<127x64xi32>
    %ge3A_598 = arith.cmpi sge, %add3A, %ge3A_597 : vector<127x64xi32>
    %convert_element_type3A_599 = arith.extui %ge3A_598 : vector<127x64xi1> to vector<127x64xi32>
    %add3A_600 = arith.addi %add3A_591, %convert_element_type3A_599 : vector<127x64xi32>
    %get3A_601 = arith.constant 0 : index
    %get3A_602 = arith.constant 66 : index
    %get3A_603 = vector.load %arg0[%get3A_601, %get3A_602] : memref<1x128xi32, #tpu.memory_space<vmem>>, vector<1x1xi32>
    %get3A_604 = vector.extract %get3A_603[0, 0] : i32 from vector<1x1xi32>
    %add3A_605 = arith.addi %add3A_596, %get3A_604 : i32
    %ge3A_606 = vector.broadcast %add3A_605 : i32 to vector<127x64xi32>
    %ge3A_607 = arith.cmpi sge, %add3A, %ge3A_606 : vector<127x64xi32>
    %convert_element_type3A_608 = arith.extui %ge3A_607 : vector<127x64xi1> to vector<127x64xi32>
    %add3A_609 = arith.addi %add3A_600, %convert_element_type3A_608 : vector<127x64xi32>
    %get3A_610 = arith.constant 0 : index
    %get3A_611 = arith.constant 67 : index
    %get3A_612 = vector.load %arg0[%get3A_610, %get3A_611] : memref<1x128xi32, #tpu.memory_space<vmem>>, vector<1x1xi32>
    %get3A_613 = vector.extract %get3A_612[0, 0] : i32 from vector<1x1xi32>
    %add3A_614 = arith.addi %add3A_605, %get3A_613 : i32
    %ge3A_615 = vector.broadcast %add3A_614 : i32 to vector<127x64xi32>
    %ge3A_616 = arith.cmpi sge, %add3A, %ge3A_615 : vector<127x64xi32>
    %convert_element_type3A_617 = arith.extui %ge3A_616 : vector<127x64xi1> to vector<127x64xi32>
    %add3A_618 = arith.addi %add3A_609, %convert_element_type3A_617 : vector<127x64xi32>
    %get3A_619 = arith.constant 0 : index
    %get3A_620 = arith.constant 68 : index
    %get3A_621 = vector.load %arg0[%get3A_619, %get3A_620] : memref<1x128xi32, #tpu.memory_space<vmem>>, vector<1x1xi32>
    %get3A_622 = vector.extract %get3A_621[0, 0] : i32 from vector<1x1xi32>
    %add3A_623 = arith.addi %add3A_614, %get3A_622 : i32
    %ge3A_624 = vector.broadcast %add3A_623 : i32 to vector<127x64xi32>
    %ge3A_625 = arith.cmpi sge, %add3A, %ge3A_624 : vector<127x64xi32>
    %convert_element_type3A_626 = arith.extui %ge3A_625 : vector<127x64xi1> to vector<127x64xi32>
    %add3A_627 = arith.addi %add3A_618, %convert_element_type3A_626 : vector<127x64xi32>
    %get3A_628 = arith.constant 0 : index
    %get3A_629 = arith.constant 69 : index
    %get3A_630 = vector.load %arg0[%get3A_628, %get3A_629] : memref<1x128xi32, #tpu.memory_space<vmem>>, vector<1x1xi32>
    %get3A_631 = vector.extract %get3A_630[0, 0] : i32 from vector<1x1xi32>
    %add3A_632 = arith.addi %add3A_623, %get3A_631 : i32
    %ge3A_633 = vector.broadcast %add3A_632 : i32 to vector<127x64xi32>
    %ge3A_634 = arith.cmpi sge, %add3A, %ge3A_633 : vector<127x64xi32>
    %convert_element_type3A_635 = arith.extui %ge3A_634 : vector<127x64xi1> to vector<127x64xi32>
    %add3A_636 = arith.addi %add3A_627, %convert_element_type3A_635 : vector<127x64xi32>
    %get3A_637 = arith.constant 0 : index
    %get3A_638 = arith.constant 70 : index
    %get3A_639 = vector.load %arg0[%get3A_637, %get3A_638] : memref<1x128xi32, #tpu.memory_space<vmem>>, vector<1x1xi32>
    %get3A_640 = vector.extract %get3A_639[0, 0] : i32 from vector<1x1xi32>
    %add3A_641 = arith.addi %add3A_632, %get3A_640 : i32
    %ge3A_642 = vector.broadcast %add3A_641 : i32 to vector<127x64xi32>
    %ge3A_643 = arith.cmpi sge, %add3A, %ge3A_642 : vector<127x64xi32>
    %convert_element_type3A_644 = arith.extui %ge3A_643 : vector<127x64xi1> to vector<127x64xi32>
    %add3A_645 = arith.addi %add3A_636, %convert_element_type3A_644 : vector<127x64xi32>
    %get3A_646 = arith.constant 0 : index
    %get3A_647 = arith.constant 71 : index
    %get3A_648 = vector.load %arg0[%get3A_646, %get3A_647] : memref<1x128xi32, #tpu.memory_space<vmem>>, vector<1x1xi32>
    %get3A_649 = vector.extract %get3A_648[0, 0] : i32 from vector<1x1xi32>
    %add3A_650 = arith.addi %add3A_641, %get3A_649 : i32
    %ge3A_651 = vector.broadcast %add3A_650 : i32 to vector<127x64xi32>
    %ge3A_652 = arith.cmpi sge, %add3A, %ge3A_651 : vector<127x64xi32>
    %convert_element_type3A_653 = arith.extui %ge3A_652 : vector<127x64xi1> to vector<127x64xi32>
    %add3A_654 = arith.addi %add3A_645, %convert_element_type3A_653 : vector<127x64xi32>
    %get3A_655 = arith.constant 0 : index
    %get3A_656 = arith.constant 72 : index
    %get3A_657 = vector.load %arg0[%get3A_655, %get3A_656] : memref<1x128xi32, #tpu.memory_space<vmem>>, vector<1x1xi32>
    %get3A_658 = vector.extract %get3A_657[0, 0] : i32 from vector<1x1xi32>
    %add3A_659 = arith.addi %add3A_650, %get3A_658 : i32
    %ge3A_660 = vector.broadcast %add3A_659 : i32 to vector<127x64xi32>
    %ge3A_661 = arith.cmpi sge, %add3A, %ge3A_660 : vector<127x64xi32>
    %convert_element_type3A_662 = arith.extui %ge3A_661 : vector<127x64xi1> to vector<127x64xi32>
    %add3A_663 = arith.addi %add3A_654, %convert_element_type3A_662 : vector<127x64xi32>
    %get3A_664 = arith.constant 0 : index
    %get3A_665 = arith.constant 73 : index
    %get3A_666 = vector.load %arg0[%get3A_664, %get3A_665] : memref<1x128xi32, #tpu.memory_space<vmem>>, vector<1x1xi32>
    %get3A_667 = vector.extract %get3A_666[0, 0] : i32 from vector<1x1xi32>
    %add3A_668 = arith.addi %add3A_659, %get3A_667 : i32
    %ge3A_669 = vector.broadcast %add3A_668 : i32 to vector<127x64xi32>
    %ge3A_670 = arith.cmpi sge, %add3A, %ge3A_669 : vector<127x64xi32>
    %convert_element_type3A_671 = arith.extui %ge3A_670 : vector<127x64xi1> to vector<127x64xi32>
    %add3A_672 = arith.addi %add3A_663, %convert_element_type3A_671 : vector<127x64xi32>
    %get3A_673 = arith.constant 0 : index
    %get3A_674 = arith.constant 74 : index
    %get3A_675 = vector.load %arg0[%get3A_673, %get3A_674] : memref<1x128xi32, #tpu.memory_space<vmem>>, vector<1x1xi32>
    %get3A_676 = vector.extract %get3A_675[0, 0] : i32 from vector<1x1xi32>
    %add3A_677 = arith.addi %add3A_668, %get3A_676 : i32
    %ge3A_678 = vector.broadcast %add3A_677 : i32 to vector<127x64xi32>
    %ge3A_679 = arith.cmpi sge, %add3A, %ge3A_678 : vector<127x64xi32>
    %convert_element_type3A_680 = arith.extui %ge3A_679 : vector<127x64xi1> to vector<127x64xi32>
    %add3A_681 = arith.addi %add3A_672, %convert_element_type3A_680 : vector<127x64xi32>
    %get3A_682 = arith.constant 0 : index
    %get3A_683 = arith.constant 75 : index
    %get3A_684 = vector.load %arg0[%get3A_682, %get3A_683] : memref<1x128xi32, #tpu.memory_space<vmem>>, vector<1x1xi32>
    %get3A_685 = vector.extract %get3A_684[0, 0] : i32 from vector<1x1xi32>
    %add3A_686 = arith.addi %add3A_677, %get3A_685 : i32
    %ge3A_687 = vector.broadcast %add3A_686 : i32 to vector<127x64xi32>
    %ge3A_688 = arith.cmpi sge, %add3A, %ge3A_687 : vector<127x64xi32>
    %convert_element_type3A_689 = arith.extui %ge3A_688 : vector<127x64xi1> to vector<127x64xi32>
    %add3A_690 = arith.addi %add3A_681, %convert_element_type3A_689 : vector<127x64xi32>
    %get3A_691 = arith.constant 0 : index
    %get3A_692 = arith.constant 76 : index
    %get3A_693 = vector.load %arg0[%get3A_691, %get3A_692] : memref<1x128xi32, #tpu.memory_space<vmem>>, vector<1x1xi32>
    %get3A_694 = vector.extract %get3A_693[0, 0] : i32 from vector<1x1xi32>
    %add3A_695 = arith.addi %add3A_686, %get3A_694 : i32
    %ge3A_696 = vector.broadcast %add3A_695 : i32 to vector<127x64xi32>
    %ge3A_697 = arith.cmpi sge, %add3A, %ge3A_696 : vector<127x64xi32>
    %convert_element_type3A_698 = arith.extui %ge3A_697 : vector<127x64xi1> to vector<127x64xi32>
    %add3A_699 = arith.addi %add3A_690, %convert_element_type3A_698 : vector<127x64xi32>
    %get3A_700 = arith.constant 0 : index
    %get3A_701 = arith.constant 77 : index
    %get3A_702 = vector.load %arg0[%get3A_700, %get3A_701] : memref<1x128xi32, #tpu.memory_space<vmem>>, vector<1x1xi32>
    %get3A_703 = vector.extract %get3A_702[0, 0] : i32 from vector<1x1xi32>
    %add3A_704 = arith.addi %add3A_695, %get3A_703 : i32
    %ge3A_705 = vector.broadcast %add3A_704 : i32 to vector<127x64xi32>
    %ge3A_706 = arith.cmpi sge, %add3A, %ge3A_705 : vector<127x64xi32>
    %convert_element_type3A_707 = arith.extui %ge3A_706 : vector<127x64xi1> to vector<127x64xi32>
    %add3A_708 = arith.addi %add3A_699, %convert_element_type3A_707 : vector<127x64xi32>
    %get3A_709 = arith.constant 0 : index
    %get3A_710 = arith.constant 78 : index
    %get3A_711 = vector.load %arg0[%get3A_709, %get3A_710] : memref<1x128xi32, #tpu.memory_space<vmem>>, vector<1x1xi32>
    %get3A_712 = vector.extract %get3A_711[0, 0] : i32 from vector<1x1xi32>
    %add3A_713 = arith.addi %add3A_704, %get3A_712 : i32
    %ge3A_714 = vector.broadcast %add3A_713 : i32 to vector<127x64xi32>
    %ge3A_715 = arith.cmpi sge, %add3A, %ge3A_714 : vector<127x64xi32>
    %convert_element_type3A_716 = arith.extui %ge3A_715 : vector<127x64xi1> to vector<127x64xi32>
    %add3A_717 = arith.addi %add3A_708, %convert_element_type3A_716 : vector<127x64xi32>
    %get3A_718 = arith.constant 0 : index
    %get3A_719 = arith.constant 79 : index
    %get3A_720 = vector.load %arg0[%get3A_718, %get3A_719] : memref<1x128xi32, #tpu.memory_space<vmem>>, vector<1x1xi32>
    %get3A_721 = vector.extract %get3A_720[0, 0] : i32 from vector<1x1xi32>
    %add3A_722 = arith.addi %add3A_713, %get3A_721 : i32
    %ge3A_723 = vector.broadcast %add3A_722 : i32 to vector<127x64xi32>
    %ge3A_724 = arith.cmpi sge, %add3A, %ge3A_723 : vector<127x64xi32>
    %convert_element_type3A_725 = arith.extui %ge3A_724 : vector<127x64xi1> to vector<127x64xi32>
    %add3A_726 = arith.addi %add3A_717, %convert_element_type3A_725 : vector<127x64xi32>
    %get3A_727 = arith.constant 0 : index
    %get3A_728 = arith.constant 80 : index
    %get3A_729 = vector.load %arg0[%get3A_727, %get3A_728] : memref<1x128xi32, #tpu.memory_space<vmem>>, vector<1x1xi32>
    %get3A_730 = vector.extract %get3A_729[0, 0] : i32 from vector<1x1xi32>
    %add3A_731 = arith.addi %add3A_722, %get3A_730 : i32
    %ge3A_732 = vector.broadcast %add3A_731 : i32 to vector<127x64xi32>
    %ge3A_733 = arith.cmpi sge, %add3A, %ge3A_732 : vector<127x64xi32>
    %convert_element_type3A_734 = arith.extui %ge3A_733 : vector<127x64xi1> to vector<127x64xi32>
    %add3A_735 = arith.addi %add3A_726, %convert_element_type3A_734 : vector<127x64xi32>
    %get3A_736 = arith.constant 0 : index
    %get3A_737 = arith.constant 81 : index
    %get3A_738 = vector.load %arg0[%get3A_736, %get3A_737] : memref<1x128xi32, #tpu.memory_space<vmem>>, vector<1x1xi32>
    %get3A_739 = vector.extract %get3A_738[0, 0] : i32 from vector<1x1xi32>
    %add3A_740 = arith.addi %add3A_731, %get3A_739 : i32
    %ge3A_741 = vector.broadcast %add3A_740 : i32 to vector<127x64xi32>
    %ge3A_742 = arith.cmpi sge, %add3A, %ge3A_741 : vector<127x64xi32>
    %convert_element_type3A_743 = arith.extui %ge3A_742 : vector<127x64xi1> to vector<127x64xi32>
    %add3A_744 = arith.addi %add3A_735, %convert_element_type3A_743 : vector<127x64xi32>
    %get3A_745 = arith.constant 0 : index
    %get3A_746 = arith.constant 82 : index
    %get3A_747 = vector.load %arg0[%get3A_745, %get3A_746] : memref<1x128xi32, #tpu.memory_space<vmem>>, vector<1x1xi32>
    %get3A_748 = vector.extract %get3A_747[0, 0] : i32 from vector<1x1xi32>
    %add3A_749 = arith.addi %add3A_740, %get3A_748 : i32
    %ge3A_750 = vector.broadcast %add3A_749 : i32 to vector<127x64xi32>
    %ge3A_751 = arith.cmpi sge, %add3A, %ge3A_750 : vector<127x64xi32>
    %convert_element_type3A_752 = arith.extui %ge3A_751 : vector<127x64xi1> to vector<127x64xi32>
    %add3A_753 = arith.addi %add3A_744, %convert_element_type3A_752 : vector<127x64xi32>
    %get3A_754 = arith.constant 0 : index
    %get3A_755 = arith.constant 83 : index
    %get3A_756 = vector.load %arg0[%get3A_754, %get3A_755] : memref<1x128xi32, #tpu.memory_space<vmem>>, vector<1x1xi32>
    %get3A_757 = vector.extract %get3A_756[0, 0] : i32 from vector<1x1xi32>
    %add3A_758 = arith.addi %add3A_749, %get3A_757 : i32
    %ge3A_759 = vector.broadcast %add3A_758 : i32 to vector<127x64xi32>
    %ge3A_760 = arith.cmpi sge, %add3A, %ge3A_759 : vector<127x64xi32>
    %convert_element_type3A_761 = arith.extui %ge3A_760 : vector<127x64xi1> to vector<127x64xi32>
    %add3A_762 = arith.addi %add3A_753, %convert_element_type3A_761 : vector<127x64xi32>
    %get3A_763 = arith.constant 0 : index
    %get3A_764 = arith.constant 84 : index
    %get3A_765 = vector.load %arg0[%get3A_763, %get3A_764] : memref<1x128xi32, #tpu.memory_space<vmem>>, vector<1x1xi32>
    %get3A_766 = vector.extract %get3A_765[0, 0] : i32 from vector<1x1xi32>
    %add3A_767 = arith.addi %add3A_758, %get3A_766 : i32
    %ge3A_768 = vector.broadcast %add3A_767 : i32 to vector<127x64xi32>
    %ge3A_769 = arith.cmpi sge, %add3A, %ge3A_768 : vector<127x64xi32>
    %convert_element_type3A_770 = arith.extui %ge3A_769 : vector<127x64xi1> to vector<127x64xi32>
    %add3A_771 = arith.addi %add3A_762, %convert_element_type3A_770 : vector<127x64xi32>
    %get3A_772 = arith.constant 0 : index
    %get3A_773 = arith.constant 85 : index
    %get3A_774 = vector.load %arg0[%get3A_772, %get3A_773] : memref<1x128xi32, #tpu.memory_space<vmem>>, vector<1x1xi32>
    %get3A_775 = vector.extract %get3A_774[0, 0] : i32 from vector<1x1xi32>
    %add3A_776 = arith.addi %add3A_767, %get3A_775 : i32
    %ge3A_777 = vector.broadcast %add3A_776 : i32 to vector<127x64xi32>
    %ge3A_778 = arith.cmpi sge, %add3A, %ge3A_777 : vector<127x64xi32>
    %convert_element_type3A_779 = arith.extui %ge3A_778 : vector<127x64xi1> to vector<127x64xi32>
    %add3A_780 = arith.addi %add3A_771, %convert_element_type3A_779 : vector<127x64xi32>
    %get3A_781 = arith.constant 0 : index
    %get3A_782 = arith.constant 86 : index
    %get3A_783 = vector.load %arg0[%get3A_781, %get3A_782] : memref<1x128xi32, #tpu.memory_space<vmem>>, vector<1x1xi32>
    %get3A_784 = vector.extract %get3A_783[0, 0] : i32 from vector<1x1xi32>
    %add3A_785 = arith.addi %add3A_776, %get3A_784 : i32
    %ge3A_786 = vector.broadcast %add3A_785 : i32 to vector<127x64xi32>
    %ge3A_787 = arith.cmpi sge, %add3A, %ge3A_786 : vector<127x64xi32>
    %convert_element_type3A_788 = arith.extui %ge3A_787 : vector<127x64xi1> to vector<127x64xi32>
    %add3A_789 = arith.addi %add3A_780, %convert_element_type3A_788 : vector<127x64xi32>
    %get3A_790 = arith.constant 0 : index
    %get3A_791 = arith.constant 87 : index
    %get3A_792 = vector.load %arg0[%get3A_790, %get3A_791] : memref<1x128xi32, #tpu.memory_space<vmem>>, vector<1x1xi32>
    %get3A_793 = vector.extract %get3A_792[0, 0] : i32 from vector<1x1xi32>
    %add3A_794 = arith.addi %add3A_785, %get3A_793 : i32
    %ge3A_795 = vector.broadcast %add3A_794 : i32 to vector<127x64xi32>
    %ge3A_796 = arith.cmpi sge, %add3A, %ge3A_795 : vector<127x64xi32>
    %convert_element_type3A_797 = arith.extui %ge3A_796 : vector<127x64xi1> to vector<127x64xi32>
    %add3A_798 = arith.addi %add3A_789, %convert_element_type3A_797 : vector<127x64xi32>
    %get3A_799 = arith.constant 0 : index
    %get3A_800 = arith.constant 88 : index
    %get3A_801 = vector.load %arg0[%get3A_799, %get3A_800] : memref<1x128xi32, #tpu.memory_space<vmem>>, vector<1x1xi32>
    %get3A_802 = vector.extract %get3A_801[0, 0] : i32 from vector<1x1xi32>
    %add3A_803 = arith.addi %add3A_794, %get3A_802 : i32
    %ge3A_804 = vector.broadcast %add3A_803 : i32 to vector<127x64xi32>
    %ge3A_805 = arith.cmpi sge, %add3A, %ge3A_804 : vector<127x64xi32>
    %convert_element_type3A_806 = arith.extui %ge3A_805 : vector<127x64xi1> to vector<127x64xi32>
    %add3A_807 = arith.addi %add3A_798, %convert_element_type3A_806 : vector<127x64xi32>
    %get3A_808 = arith.constant 0 : index
    %get3A_809 = arith.constant 89 : index
    %get3A_810 = vector.load %arg0[%get3A_808, %get3A_809] : memref<1x128xi32, #tpu.memory_space<vmem>>, vector<1x1xi32>
    %get3A_811 = vector.extract %get3A_810[0, 0] : i32 from vector<1x1xi32>
    %add3A_812 = arith.addi %add3A_803, %get3A_811 : i32
    %ge3A_813 = vector.broadcast %add3A_812 : i32 to vector<127x64xi32>
    %ge3A_814 = arith.cmpi sge, %add3A, %ge3A_813 : vector<127x64xi32>
    %convert_element_type3A_815 = arith.extui %ge3A_814 : vector<127x64xi1> to vector<127x64xi32>
    %add3A_816 = arith.addi %add3A_807, %convert_element_type3A_815 : vector<127x64xi32>
    %get3A_817 = arith.constant 0 : index
    %get3A_818 = arith.constant 90 : index
    %get3A_819 = vector.load %arg0[%get3A_817, %get3A_818] : memref<1x128xi32, #tpu.memory_space<vmem>>, vector<1x1xi32>
    %get3A_820 = vector.extract %get3A_819[0, 0] : i32 from vector<1x1xi32>
    %add3A_821 = arith.addi %add3A_812, %get3A_820 : i32
    %ge3A_822 = vector.broadcast %add3A_821 : i32 to vector<127x64xi32>
    %ge3A_823 = arith.cmpi sge, %add3A, %ge3A_822 : vector<127x64xi32>
    %convert_element_type3A_824 = arith.extui %ge3A_823 : vector<127x64xi1> to vector<127x64xi32>
    %add3A_825 = arith.addi %add3A_816, %convert_element_type3A_824 : vector<127x64xi32>
    %get3A_826 = arith.constant 0 : index
    %get3A_827 = arith.constant 91 : index
    %get3A_828 = vector.load %arg0[%get3A_826, %get3A_827] : memref<1x128xi32, #tpu.memory_space<vmem>>, vector<1x1xi32>
    %get3A_829 = vector.extract %get3A_828[0, 0] : i32 from vector<1x1xi32>
    %add3A_830 = arith.addi %add3A_821, %get3A_829 : i32
    %ge3A_831 = vector.broadcast %add3A_830 : i32 to vector<127x64xi32>
    %ge3A_832 = arith.cmpi sge, %add3A, %ge3A_831 : vector<127x64xi32>
    %convert_element_type3A_833 = arith.extui %ge3A_832 : vector<127x64xi1> to vector<127x64xi32>
    %add3A_834 = arith.addi %add3A_825, %convert_element_type3A_833 : vector<127x64xi32>
    %get3A_835 = arith.constant 0 : index
    %get3A_836 = arith.constant 92 : index
    %get3A_837 = vector.load %arg0[%get3A_835, %get3A_836] : memref<1x128xi32, #tpu.memory_space<vmem>>, vector<1x1xi32>
    %get3A_838 = vector.extract %get3A_837[0, 0] : i32 from vector<1x1xi32>
    %add3A_839 = arith.addi %add3A_830, %get3A_838 : i32
    %ge3A_840 = vector.broadcast %add3A_839 : i32 to vector<127x64xi32>
    %ge3A_841 = arith.cmpi sge, %add3A, %ge3A_840 : vector<127x64xi32>
    %convert_element_type3A_842 = arith.extui %ge3A_841 : vector<127x64xi1> to vector<127x64xi32>
    %add3A_843 = arith.addi %add3A_834, %convert_element_type3A_842 : vector<127x64xi32>
    %get3A_844 = arith.constant 0 : index
    %get3A_845 = arith.constant 93 : index
    %get3A_846 = vector.load %arg0[%get3A_844, %get3A_845] : memref<1x128xi32, #tpu.memory_space<vmem>>, vector<1x1xi32>
    %get3A_847 = vector.extract %get3A_846[0, 0] : i32 from vector<1x1xi32>
    %add3A_848 = arith.addi %add3A_839, %get3A_847 : i32
    %ge3A_849 = vector.broadcast %add3A_848 : i32 to vector<127x64xi32>
    %ge3A_850 = arith.cmpi sge, %add3A, %ge3A_849 : vector<127x64xi32>
    %convert_element_type3A_851 = arith.extui %ge3A_850 : vector<127x64xi1> to vector<127x64xi32>
    %add3A_852 = arith.addi %add3A_843, %convert_element_type3A_851 : vector<127x64xi32>
    %get3A_853 = arith.constant 0 : index
    %get3A_854 = arith.constant 94 : index
    %get3A_855 = vector.load %arg0[%get3A_853, %get3A_854] : memref<1x128xi32, #tpu.memory_space<vmem>>, vector<1x1xi32>
    %get3A_856 = vector.extract %get3A_855[0, 0] : i32 from vector<1x1xi32>
    %add3A_857 = arith.addi %add3A_848, %get3A_856 : i32
    %ge3A_858 = vector.broadcast %add3A_857 : i32 to vector<127x64xi32>
    %ge3A_859 = arith.cmpi sge, %add3A, %ge3A_858 : vector<127x64xi32>
    %convert_element_type3A_860 = arith.extui %ge3A_859 : vector<127x64xi1> to vector<127x64xi32>
    %add3A_861 = arith.addi %add3A_852, %convert_element_type3A_860 : vector<127x64xi32>
    %get3A_862 = arith.constant 0 : index
    %get3A_863 = arith.constant 95 : index
    %get3A_864 = vector.load %arg0[%get3A_862, %get3A_863] : memref<1x128xi32, #tpu.memory_space<vmem>>, vector<1x1xi32>
    %get3A_865 = vector.extract %get3A_864[0, 0] : i32 from vector<1x1xi32>
    %add3A_866 = arith.addi %add3A_857, %get3A_865 : i32
    %ge3A_867 = vector.broadcast %add3A_866 : i32 to vector<127x64xi32>
    %ge3A_868 = arith.cmpi sge, %add3A, %ge3A_867 : vector<127x64xi32>
    %convert_element_type3A_869 = arith.extui %ge3A_868 : vector<127x64xi1> to vector<127x64xi32>
    %add3A_870 = arith.addi %add3A_861, %convert_element_type3A_869 : vector<127x64xi32>
    %get3A_871 = arith.constant 0 : index
    %get3A_872 = arith.constant 96 : index
    %get3A_873 = vector.load %arg0[%get3A_871, %get3A_872] : memref<1x128xi32, #tpu.memory_space<vmem>>, vector<1x1xi32>
    %get3A_874 = vector.extract %get3A_873[0, 0] : i32 from vector<1x1xi32>
    %add3A_875 = arith.addi %add3A_866, %get3A_874 : i32
    %ge3A_876 = vector.broadcast %add3A_875 : i32 to vector<127x64xi32>
    %ge3A_877 = arith.cmpi sge, %add3A, %ge3A_876 : vector<127x64xi32>
    %convert_element_type3A_878 = arith.extui %ge3A_877 : vector<127x64xi1> to vector<127x64xi32>
    %add3A_879 = arith.addi %add3A_870, %convert_element_type3A_878 : vector<127x64xi32>
    %get3A_880 = arith.constant 0 : index
    %get3A_881 = arith.constant 97 : index
    %get3A_882 = vector.load %arg0[%get3A_880, %get3A_881] : memref<1x128xi32, #tpu.memory_space<vmem>>, vector<1x1xi32>
    %get3A_883 = vector.extract %get3A_882[0, 0] : i32 from vector<1x1xi32>
    %add3A_884 = arith.addi %add3A_875, %get3A_883 : i32
    %ge3A_885 = vector.broadcast %add3A_884 : i32 to vector<127x64xi32>
    %ge3A_886 = arith.cmpi sge, %add3A, %ge3A_885 : vector<127x64xi32>
    %convert_element_type3A_887 = arith.extui %ge3A_886 : vector<127x64xi1> to vector<127x64xi32>
    %add3A_888 = arith.addi %add3A_879, %convert_element_type3A_887 : vector<127x64xi32>
    %get3A_889 = arith.constant 0 : index
    %get3A_890 = arith.constant 98 : index
    %get3A_891 = vector.load %arg0[%get3A_889, %get3A_890] : memref<1x128xi32, #tpu.memory_space<vmem>>, vector<1x1xi32>
    %get3A_892 = vector.extract %get3A_891[0, 0] : i32 from vector<1x1xi32>
    %add3A_893 = arith.addi %add3A_884, %get3A_892 : i32
    %ge3A_894 = vector.broadcast %add3A_893 : i32 to vector<127x64xi32>
    %ge3A_895 = arith.cmpi sge, %add3A, %ge3A_894 : vector<127x64xi32>
    %convert_element_type3A_896 = arith.extui %ge3A_895 : vector<127x64xi1> to vector<127x64xi32>
    %add3A_897 = arith.addi %add3A_888, %convert_element_type3A_896 : vector<127x64xi32>
    %get3A_898 = arith.constant 0 : index
    %get3A_899 = arith.constant 99 : index
    %get3A_900 = vector.load %arg0[%get3A_898, %get3A_899] : memref<1x128xi32, #tpu.memory_space<vmem>>, vector<1x1xi32>
    %get3A_901 = vector.extract %get3A_900[0, 0] : i32 from vector<1x1xi32>
    %add3A_902 = arith.addi %add3A_893, %get3A_901 : i32
    %ge3A_903 = vector.broadcast %add3A_902 : i32 to vector<127x64xi32>
    %ge3A_904 = arith.cmpi sge, %add3A, %ge3A_903 : vector<127x64xi32>
    %convert_element_type3A_905 = arith.extui %ge3A_904 : vector<127x64xi1> to vector<127x64xi32>
    %add3A_906 = arith.addi %add3A_897, %convert_element_type3A_905 : vector<127x64xi32>
    %get3A_907 = arith.constant 0 : index
    %get3A_908 = arith.constant 100 : index
    %get3A_909 = vector.load %arg0[%get3A_907, %get3A_908] : memref<1x128xi32, #tpu.memory_space<vmem>>, vector<1x1xi32>
    %get3A_910 = vector.extract %get3A_909[0, 0] : i32 from vector<1x1xi32>
    %add3A_911 = arith.addi %add3A_902, %get3A_910 : i32
    %ge3A_912 = vector.broadcast %add3A_911 : i32 to vector<127x64xi32>
    %ge3A_913 = arith.cmpi sge, %add3A, %ge3A_912 : vector<127x64xi32>
    %convert_element_type3A_914 = arith.extui %ge3A_913 : vector<127x64xi1> to vector<127x64xi32>
    %add3A_915 = arith.addi %add3A_906, %convert_element_type3A_914 : vector<127x64xi32>
    %get3A_916 = arith.constant 0 : index
    %get3A_917 = arith.constant 101 : index
    %get3A_918 = vector.load %arg0[%get3A_916, %get3A_917] : memref<1x128xi32, #tpu.memory_space<vmem>>, vector<1x1xi32>
    %get3A_919 = vector.extract %get3A_918[0, 0] : i32 from vector<1x1xi32>
    %add3A_920 = arith.addi %add3A_911, %get3A_919 : i32
    %ge3A_921 = vector.broadcast %add3A_920 : i32 to vector<127x64xi32>
    %ge3A_922 = arith.cmpi sge, %add3A, %ge3A_921 : vector<127x64xi32>
    %convert_element_type3A_923 = arith.extui %ge3A_922 : vector<127x64xi1> to vector<127x64xi32>
    %add3A_924 = arith.addi %add3A_915, %convert_element_type3A_923 : vector<127x64xi32>
    %get3A_925 = arith.constant 0 : index
    %get3A_926 = arith.constant 102 : index
    %get3A_927 = vector.load %arg0[%get3A_925, %get3A_926] : memref<1x128xi32, #tpu.memory_space<vmem>>, vector<1x1xi32>
    %get3A_928 = vector.extract %get3A_927[0, 0] : i32 from vector<1x1xi32>
    %add3A_929 = arith.addi %add3A_920, %get3A_928 : i32
    %ge3A_930 = vector.broadcast %add3A_929 : i32 to vector<127x64xi32>
    %ge3A_931 = arith.cmpi sge, %add3A, %ge3A_930 : vector<127x64xi32>
    %convert_element_type3A_932 = arith.extui %ge3A_931 : vector<127x64xi1> to vector<127x64xi32>
    %add3A_933 = arith.addi %add3A_924, %convert_element_type3A_932 : vector<127x64xi32>
    %get3A_934 = arith.constant 0 : index
    %get3A_935 = arith.constant 103 : index
    %get3A_936 = vector.load %arg0[%get3A_934, %get3A_935] : memref<1x128xi32, #tpu.memory_space<vmem>>, vector<1x1xi32>
    %get3A_937 = vector.extract %get3A_936[0, 0] : i32 from vector<1x1xi32>
    %add3A_938 = arith.addi %add3A_929, %get3A_937 : i32
    %ge3A_939 = vector.broadcast %add3A_938 : i32 to vector<127x64xi32>
    %ge3A_940 = arith.cmpi sge, %add3A, %ge3A_939 : vector<127x64xi32>
    %convert_element_type3A_941 = arith.extui %ge3A_940 : vector<127x64xi1> to vector<127x64xi32>
    %add3A_942 = arith.addi %add3A_933, %convert_element_type3A_941 : vector<127x64xi32>
    %get3A_943 = arith.constant 0 : index
    %get3A_944 = arith.constant 104 : index
    %get3A_945 = vector.load %arg0[%get3A_943, %get3A_944] : memref<1x128xi32, #tpu.memory_space<vmem>>, vector<1x1xi32>
    %get3A_946 = vector.extract %get3A_945[0, 0] : i32 from vector<1x1xi32>
    %add3A_947 = arith.addi %add3A_938, %get3A_946 : i32
    %ge3A_948 = vector.broadcast %add3A_947 : i32 to vector<127x64xi32>
    %ge3A_949 = arith.cmpi sge, %add3A, %ge3A_948 : vector<127x64xi32>
    %convert_element_type3A_950 = arith.extui %ge3A_949 : vector<127x64xi1> to vector<127x64xi32>
    %add3A_951 = arith.addi %add3A_942, %convert_element_type3A_950 : vector<127x64xi32>
    %get3A_952 = arith.constant 0 : index
    %get3A_953 = arith.constant 105 : index
    %get3A_954 = vector.load %arg0[%get3A_952, %get3A_953] : memref<1x128xi32, #tpu.memory_space<vmem>>, vector<1x1xi32>
    %get3A_955 = vector.extract %get3A_954[0, 0] : i32 from vector<1x1xi32>
    %add3A_956 = arith.addi %add3A_947, %get3A_955 : i32
    %ge3A_957 = vector.broadcast %add3A_956 : i32 to vector<127x64xi32>
    %ge3A_958 = arith.cmpi sge, %add3A, %ge3A_957 : vector<127x64xi32>
    %convert_element_type3A_959 = arith.extui %ge3A_958 : vector<127x64xi1> to vector<127x64xi32>
    %add3A_960 = arith.addi %add3A_951, %convert_element_type3A_959 : vector<127x64xi32>
    %get3A_961 = arith.constant 0 : index
    %get3A_962 = arith.constant 106 : index
    %get3A_963 = vector.load %arg0[%get3A_961, %get3A_962] : memref<1x128xi32, #tpu.memory_space<vmem>>, vector<1x1xi32>
    %get3A_964 = vector.extract %get3A_963[0, 0] : i32 from vector<1x1xi32>
    %add3A_965 = arith.addi %add3A_956, %get3A_964 : i32
    %ge3A_966 = vector.broadcast %add3A_965 : i32 to vector<127x64xi32>
    %ge3A_967 = arith.cmpi sge, %add3A, %ge3A_966 : vector<127x64xi32>
    %convert_element_type3A_968 = arith.extui %ge3A_967 : vector<127x64xi1> to vector<127x64xi32>
    %add3A_969 = arith.addi %add3A_960, %convert_element_type3A_968 : vector<127x64xi32>
    %get3A_970 = arith.constant 0 : index
    %get3A_971 = arith.constant 107 : index
    %get3A_972 = vector.load %arg0[%get3A_970, %get3A_971] : memref<1x128xi32, #tpu.memory_space<vmem>>, vector<1x1xi32>
    %get3A_973 = vector.extract %get3A_972[0, 0] : i32 from vector<1x1xi32>
    %add3A_974 = arith.addi %add3A_965, %get3A_973 : i32
    %ge3A_975 = vector.broadcast %add3A_974 : i32 to vector<127x64xi32>
    %ge3A_976 = arith.cmpi sge, %add3A, %ge3A_975 : vector<127x64xi32>
    %convert_element_type3A_977 = arith.extui %ge3A_976 : vector<127x64xi1> to vector<127x64xi32>
    %add3A_978 = arith.addi %add3A_969, %convert_element_type3A_977 : vector<127x64xi32>
    %get3A_979 = arith.constant 0 : index
    %get3A_980 = arith.constant 108 : index
    %get3A_981 = vector.load %arg0[%get3A_979, %get3A_980] : memref<1x128xi32, #tpu.memory_space<vmem>>, vector<1x1xi32>
    %get3A_982 = vector.extract %get3A_981[0, 0] : i32 from vector<1x1xi32>
    %add3A_983 = arith.addi %add3A_974, %get3A_982 : i32
    %ge3A_984 = vector.broadcast %add3A_983 : i32 to vector<127x64xi32>
    %ge3A_985 = arith.cmpi sge, %add3A, %ge3A_984 : vector<127x64xi32>
    %convert_element_type3A_986 = arith.extui %ge3A_985 : vector<127x64xi1> to vector<127x64xi32>
    %add3A_987 = arith.addi %add3A_978, %convert_element_type3A_986 : vector<127x64xi32>
    %get3A_988 = arith.constant 0 : index
    %get3A_989 = arith.constant 109 : index
    %get3A_990 = vector.load %arg0[%get3A_988, %get3A_989] : memref<1x128xi32, #tpu.memory_space<vmem>>, vector<1x1xi32>
    %get3A_991 = vector.extract %get3A_990[0, 0] : i32 from vector<1x1xi32>
    %add3A_992 = arith.addi %add3A_983, %get3A_991 : i32
    %ge3A_993 = vector.broadcast %add3A_992 : i32 to vector<127x64xi32>
    %ge3A_994 = arith.cmpi sge, %add3A, %ge3A_993 : vector<127x64xi32>
    %convert_element_type3A_995 = arith.extui %ge3A_994 : vector<127x64xi1> to vector<127x64xi32>
    %add3A_996 = arith.addi %add3A_987, %convert_element_type3A_995 : vector<127x64xi32>
    %get3A_997 = arith.constant 0 : index
    %get3A_998 = arith.constant 110 : index
    %get3A_999 = vector.load %arg0[%get3A_997, %get3A_998] : memref<1x128xi32, #tpu.memory_space<vmem>>, vector<1x1xi32>
    %get3A_1000 = vector.extract %get3A_999[0, 0] : i32 from vector<1x1xi32>
    %add3A_1001 = arith.addi %add3A_992, %get3A_1000 : i32
    %ge3A_1002 = vector.broadcast %add3A_1001 : i32 to vector<127x64xi32>
    %ge3A_1003 = arith.cmpi sge, %add3A, %ge3A_1002 : vector<127x64xi32>
    %convert_element_type3A_1004 = arith.extui %ge3A_1003 : vector<127x64xi1> to vector<127x64xi32>
    %add3A_1005 = arith.addi %add3A_996, %convert_element_type3A_1004 : vector<127x64xi32>
    %get3A_1006 = arith.constant 0 : index
    %get3A_1007 = arith.constant 111 : index
    %get3A_1008 = vector.load %arg0[%get3A_1006, %get3A_1007] : memref<1x128xi32, #tpu.memory_space<vmem>>, vector<1x1xi32>
    %get3A_1009 = vector.extract %get3A_1008[0, 0] : i32 from vector<1x1xi32>
    %add3A_1010 = arith.addi %add3A_1001, %get3A_1009 : i32
    %ge3A_1011 = vector.broadcast %add3A_1010 : i32 to vector<127x64xi32>
    %ge3A_1012 = arith.cmpi sge, %add3A, %ge3A_1011 : vector<127x64xi32>
    %convert_element_type3A_1013 = arith.extui %ge3A_1012 : vector<127x64xi1> to vector<127x64xi32>
    %add3A_1014 = arith.addi %add3A_1005, %convert_element_type3A_1013 : vector<127x64xi32>
    %get3A_1015 = arith.constant 0 : index
    %get3A_1016 = arith.constant 112 : index
    %get3A_1017 = vector.load %arg0[%get3A_1015, %get3A_1016] : memref<1x128xi32, #tpu.memory_space<vmem>>, vector<1x1xi32>
    %get3A_1018 = vector.extract %get3A_1017[0, 0] : i32 from vector<1x1xi32>
    %add3A_1019 = arith.addi %add3A_1010, %get3A_1018 : i32
    %ge3A_1020 = vector.broadcast %add3A_1019 : i32 to vector<127x64xi32>
    %ge3A_1021 = arith.cmpi sge, %add3A, %ge3A_1020 : vector<127x64xi32>
    %convert_element_type3A_1022 = arith.extui %ge3A_1021 : vector<127x64xi1> to vector<127x64xi32>
    %add3A_1023 = arith.addi %add3A_1014, %convert_element_type3A_1022 : vector<127x64xi32>
    %get3A_1024 = arith.constant 0 : index
    %get3A_1025 = arith.constant 113 : index
    %get3A_1026 = vector.load %arg0[%get3A_1024, %get3A_1025] : memref<1x128xi32, #tpu.memory_space<vmem>>, vector<1x1xi32>
    %get3A_1027 = vector.extract %get3A_1026[0, 0] : i32 from vector<1x1xi32>
    %add3A_1028 = arith.addi %add3A_1019, %get3A_1027 : i32
    %ge3A_1029 = vector.broadcast %add3A_1028 : i32 to vector<127x64xi32>
    %ge3A_1030 = arith.cmpi sge, %add3A, %ge3A_1029 : vector<127x64xi32>
    %convert_element_type3A_1031 = arith.extui %ge3A_1030 : vector<127x64xi1> to vector<127x64xi32>
    %add3A_1032 = arith.addi %add3A_1023, %convert_element_type3A_1031 : vector<127x64xi32>
    %get3A_1033 = arith.constant 0 : index
    %get3A_1034 = arith.constant 114 : index
    %get3A_1035 = vector.load %arg0[%get3A_1033, %get3A_1034] : memref<1x128xi32, #tpu.memory_space<vmem>>, vector<1x1xi32>
    %get3A_1036 = vector.extract %get3A_1035[0, 0] : i32 from vector<1x1xi32>
    %add3A_1037 = arith.addi %add3A_1028, %get3A_1036 : i32
    %ge3A_1038 = vector.broadcast %add3A_1037 : i32 to vector<127x64xi32>
    %ge3A_1039 = arith.cmpi sge, %add3A, %ge3A_1038 : vector<127x64xi32>
    %convert_element_type3A_1040 = arith.extui %ge3A_1039 : vector<127x64xi1> to vector<127x64xi32>
    %add3A_1041 = arith.addi %add3A_1032, %convert_element_type3A_1040 : vector<127x64xi32>
    %get3A_1042 = arith.constant 0 : index
    %get3A_1043 = arith.constant 115 : index
    %get3A_1044 = vector.load %arg0[%get3A_1042, %get3A_1043] : memref<1x128xi32, #tpu.memory_space<vmem>>, vector<1x1xi32>
    %get3A_1045 = vector.extract %get3A_1044[0, 0] : i32 from vector<1x1xi32>
    %add3A_1046 = arith.addi %add3A_1037, %get3A_1045 : i32
    %ge3A_1047 = vector.broadcast %add3A_1046 : i32 to vector<127x64xi32>
    %ge3A_1048 = arith.cmpi sge, %add3A, %ge3A_1047 : vector<127x64xi32>
    %convert_element_type3A_1049 = arith.extui %ge3A_1048 : vector<127x64xi1> to vector<127x64xi32>
    %add3A_1050 = arith.addi %add3A_1041, %convert_element_type3A_1049 : vector<127x64xi32>
    %get3A_1051 = arith.constant 0 : index
    %get3A_1052 = arith.constant 116 : index
    %get3A_1053 = vector.load %arg0[%get3A_1051, %get3A_1052] : memref<1x128xi32, #tpu.memory_space<vmem>>, vector<1x1xi32>
    %get3A_1054 = vector.extract %get3A_1053[0, 0] : i32 from vector<1x1xi32>
    %add3A_1055 = arith.addi %add3A_1046, %get3A_1054 : i32
    %ge3A_1056 = vector.broadcast %add3A_1055 : i32 to vector<127x64xi32>
    %ge3A_1057 = arith.cmpi sge, %add3A, %ge3A_1056 : vector<127x64xi32>
    %convert_element_type3A_1058 = arith.extui %ge3A_1057 : vector<127x64xi1> to vector<127x64xi32>
    %add3A_1059 = arith.addi %add3A_1050, %convert_element_type3A_1058 : vector<127x64xi32>
    %get3A_1060 = arith.constant 0 : index
    %get3A_1061 = arith.constant 117 : index
    %get3A_1062 = vector.load %arg0[%get3A_1060, %get3A_1061] : memref<1x128xi32, #tpu.memory_space<vmem>>, vector<1x1xi32>
    %get3A_1063 = vector.extract %get3A_1062[0, 0] : i32 from vector<1x1xi32>
    %add3A_1064 = arith.addi %add3A_1055, %get3A_1063 : i32
    %ge3A_1065 = vector.broadcast %add3A_1064 : i32 to vector<127x64xi32>
    %ge3A_1066 = arith.cmpi sge, %add3A, %ge3A_1065 : vector<127x64xi32>
    %convert_element_type3A_1067 = arith.extui %ge3A_1066 : vector<127x64xi1> to vector<127x64xi32>
    %add3A_1068 = arith.addi %add3A_1059, %convert_element_type3A_1067 : vector<127x64xi32>
    %get3A_1069 = arith.constant 0 : index
    %get3A_1070 = arith.constant 118 : index
    %get3A_1071 = vector.load %arg0[%get3A_1069, %get3A_1070] : memref<1x128xi32, #tpu.memory_space<vmem>>, vector<1x1xi32>
    %get3A_1072 = vector.extract %get3A_1071[0, 0] : i32 from vector<1x1xi32>
    %add3A_1073 = arith.addi %add3A_1064, %get3A_1072 : i32
    %ge3A_1074 = vector.broadcast %add3A_1073 : i32 to vector<127x64xi32>
    %ge3A_1075 = arith.cmpi sge, %add3A, %ge3A_1074 : vector<127x64xi32>
    %convert_element_type3A_1076 = arith.extui %ge3A_1075 : vector<127x64xi1> to vector<127x64xi32>
    %add3A_1077 = arith.addi %add3A_1068, %convert_element_type3A_1076 : vector<127x64xi32>
    %get3A_1078 = arith.constant 0 : index
    %get3A_1079 = arith.constant 119 : index
    %get3A_1080 = vector.load %arg0[%get3A_1078, %get3A_1079] : memref<1x128xi32, #tpu.memory_space<vmem>>, vector<1x1xi32>
    %get3A_1081 = vector.extract %get3A_1080[0, 0] : i32 from vector<1x1xi32>
    %add3A_1082 = arith.addi %add3A_1073, %get3A_1081 : i32
    %ge3A_1083 = vector.broadcast %add3A_1082 : i32 to vector<127x64xi32>
    %ge3A_1084 = arith.cmpi sge, %add3A, %ge3A_1083 : vector<127x64xi32>
    %convert_element_type3A_1085 = arith.extui %ge3A_1084 : vector<127x64xi1> to vector<127x64xi32>
    %add3A_1086 = arith.addi %add3A_1077, %convert_element_type3A_1085 : vector<127x64xi32>
    %get3A_1087 = arith.constant 0 : index
    %get3A_1088 = arith.constant 120 : index
    %get3A_1089 = vector.load %arg0[%get3A_1087, %get3A_1088] : memref<1x128xi32, #tpu.memory_space<vmem>>, vector<1x1xi32>
    %get3A_1090 = vector.extract %get3A_1089[0, 0] : i32 from vector<1x1xi32>
    %add3A_1091 = arith.addi %add3A_1082, %get3A_1090 : i32
    %ge3A_1092 = vector.broadcast %add3A_1091 : i32 to vector<127x64xi32>
    %ge3A_1093 = arith.cmpi sge, %add3A, %ge3A_1092 : vector<127x64xi32>
    %convert_element_type3A_1094 = arith.extui %ge3A_1093 : vector<127x64xi1> to vector<127x64xi32>
    %add3A_1095 = arith.addi %add3A_1086, %convert_element_type3A_1094 : vector<127x64xi32>
    %get3A_1096 = arith.constant 0 : index
    %get3A_1097 = arith.constant 121 : index
    %get3A_1098 = vector.load %arg0[%get3A_1096, %get3A_1097] : memref<1x128xi32, #tpu.memory_space<vmem>>, vector<1x1xi32>
    %get3A_1099 = vector.extract %get3A_1098[0, 0] : i32 from vector<1x1xi32>
    %add3A_1100 = arith.addi %add3A_1091, %get3A_1099 : i32
    %ge3A_1101 = vector.broadcast %add3A_1100 : i32 to vector<127x64xi32>
    %ge3A_1102 = arith.cmpi sge, %add3A, %ge3A_1101 : vector<127x64xi32>
    %convert_element_type3A_1103 = arith.extui %ge3A_1102 : vector<127x64xi1> to vector<127x64xi32>
    %add3A_1104 = arith.addi %add3A_1095, %convert_element_type3A_1103 : vector<127x64xi32>
    %get3A_1105 = arith.constant 0 : index
    %get3A_1106 = arith.constant 122 : index
    %get3A_1107 = vector.load %arg0[%get3A_1105, %get3A_1106] : memref<1x128xi32, #tpu.memory_space<vmem>>, vector<1x1xi32>
    %get3A_1108 = vector.extract %get3A_1107[0, 0] : i32 from vector<1x1xi32>
    %add3A_1109 = arith.addi %add3A_1100, %get3A_1108 : i32
    %ge3A_1110 = vector.broadcast %add3A_1109 : i32 to vector<127x64xi32>
    %ge3A_1111 = arith.cmpi sge, %add3A, %ge3A_1110 : vector<127x64xi32>
    %convert_element_type3A_1112 = arith.extui %ge3A_1111 : vector<127x64xi1> to vector<127x64xi32>
    %add3A_1113 = arith.addi %add3A_1104, %convert_element_type3A_1112 : vector<127x64xi32>
    %get3A_1114 = arith.constant 0 : index
    %get3A_1115 = arith.constant 123 : index
    %get3A_1116 = vector.load %arg0[%get3A_1114, %get3A_1115] : memref<1x128xi32, #tpu.memory_space<vmem>>, vector<1x1xi32>
    %get3A_1117 = vector.extract %get3A_1116[0, 0] : i32 from vector<1x1xi32>
    %add3A_1118 = arith.addi %add3A_1109, %get3A_1117 : i32
    %ge3A_1119 = vector.broadcast %add3A_1118 : i32 to vector<127x64xi32>
    %ge3A_1120 = arith.cmpi sge, %add3A, %ge3A_1119 : vector<127x64xi32>
    %convert_element_type3A_1121 = arith.extui %ge3A_1120 : vector<127x64xi1> to vector<127x64xi32>
    %add3A_1122 = arith.addi %add3A_1113, %convert_element_type3A_1121 : vector<127x64xi32>
    %get3A_1123 = arith.constant 0 : index
    %get3A_1124 = arith.constant 124 : index
    %get3A_1125 = vector.load %arg0[%get3A_1123, %get3A_1124] : memref<1x128xi32, #tpu.memory_space<vmem>>, vector<1x1xi32>
    %get3A_1126 = vector.extract %get3A_1125[0, 0] : i32 from vector<1x1xi32>
    %add3A_1127 = arith.addi %add3A_1118, %get3A_1126 : i32
    %ge3A_1128 = vector.broadcast %add3A_1127 : i32 to vector<127x64xi32>
    %ge3A_1129 = arith.cmpi sge, %add3A, %ge3A_1128 : vector<127x64xi32>
    %convert_element_type3A_1130 = arith.extui %ge3A_1129 : vector<127x64xi1> to vector<127x64xi32>
    %add3A_1131 = arith.addi %add3A_1122, %convert_element_type3A_1130 : vector<127x64xi32>
    %get3A_1132 = arith.constant 0 : index
    %get3A_1133 = arith.constant 125 : index
    %get3A_1134 = vector.load %arg0[%get3A_1132, %get3A_1133] : memref<1x128xi32, #tpu.memory_space<vmem>>, vector<1x1xi32>
    %get3A_1135 = vector.extract %get3A_1134[0, 0] : i32 from vector<1x1xi32>
    %add3A_1136 = arith.addi %add3A_1127, %get3A_1135 : i32
    %ge3A_1137 = vector.broadcast %add3A_1136 : i32 to vector<127x64xi32>
    %ge3A_1138 = arith.cmpi sge, %add3A, %ge3A_1137 : vector<127x64xi32>
    %convert_element_type3A_1139 = arith.extui %ge3A_1138 : vector<127x64xi1> to vector<127x64xi32>
    %add3A_1140 = arith.addi %add3A_1131, %convert_element_type3A_1139 : vector<127x64xi32>
    %get3A_1141 = arith.constant 0 : index
    %get3A_1142 = arith.constant 126 : index
    %get3A_1143 = vector.load %arg0[%get3A_1141, %get3A_1142] : memref<1x128xi32, #tpu.memory_space<vmem>>, vector<1x1xi32>
    %get3A_1144 = vector.extract %get3A_1143[0, 0] : i32 from vector<1x1xi32>
    %add3A_1145 = arith.addi %add3A_1136, %get3A_1144 : i32
    %ge3A_1146 = vector.broadcast %add3A_1145 : i32 to vector<127x64xi32>
    %ge3A_1147 = arith.cmpi sge, %add3A, %ge3A_1146 : vector<127x64xi32>
    %convert_element_type3A_1148 = arith.extui %ge3A_1147 : vector<127x64xi1> to vector<127x64xi32>
    %add3A_1149 = arith.addi %add3A_1140, %convert_element_type3A_1148 : vector<127x64xi32>
    %get3A_1150 = arith.constant 0 : index
    %get3A_1151 = arith.constant 127 : index
    %get3A_1152 = vector.load %arg0[%get3A_1150, %get3A_1151] : memref<1x128xi32, #tpu.memory_space<vmem>>, vector<1x1xi32>
    %get3A_1153 = vector.extract %get3A_1152[0, 0] : i32 from vector<1x1xi32>
    %add3A_1154 = arith.addi %add3A_1145, %get3A_1153 : i32
    %ge3A_1155 = vector.broadcast %add3A_1154 : i32 to vector<127x64xi32>
    %ge3A_1156 = arith.cmpi sge, %add3A, %ge3A_1155 : vector<127x64xi32>
    %convert_element_type3A_1157 = arith.extui %ge3A_1156 : vector<127x64xi1> to vector<127x64xi32>
    %add3A_1158 = arith.addi %add3A_1149, %convert_element_type3A_1157 : vector<127x64xi32>
    %add3A_1159 = arith.constant 0 : i32
    %add3A_1160 = vector.broadcast %add3A_1159 : i32 to vector<127x64xi32>
    %add3A_1161 = arith.addi %add3A_1158, %add3A_1160 : vector<127x64xi32>
    %swap3A = arith.constant 0 : index
    %swap3A_1162 = arith.constant 0 : index
    %swap3A_1163 = arith.constant 0 : index
    %swap3A_1164 = vector.load %arg1[%swap3A, %swap3A_1162, %swap3A_1163] : memref<16x127x64xi32, #tpu.memory_space<vmem>>, vector<1x127x64xi32>
    %swap3A_1165 = vector.shape_cast %swap3A_1164 : vector<1x127x64xi32> to vector<127x64xi32>
    %swap3A_1166 = vector.shape_cast %add3A_1161 : vector<127x64xi32> to vector<1x127x64xi32>
    tpu.vector_store %arg1[%swap3A, %swap3A_1162, %swap3A_1163], %swap3A_1166 {strides = array<i32>} : memref<16x127x64xi32, #tpu.memory_space<vmem>>, vector<1x127x64xi32>,
    %add3A_1167 = arith.constant 128 : i32
    %add3A_1168 = vector.broadcast %add3A_1167 : i32 to vector<127x64xi32>
    %add3A_1169 = arith.addi %add3A_1158, %add3A_1168 : vector<127x64xi32>
    %swap3A_1170 = arith.constant 1 : index
    %swap3A_1171 = arith.constant 0 : index
    %swap3A_1172 = arith.constant 0 : index
    %swap3A_1173 = vector.load %arg1[%swap3A_1170, %swap3A_1171, %swap3A_1172] : memref<16x127x64xi32, #tpu.memory_space<vmem>>, vector<1x127x64xi32>
    %swap3A_1174 = vector.shape_cast %swap3A_1173 : vector<1x127x64xi32> to vector<127x64xi32>
    %swap3A_1175 = vector.shape_cast %add3A_1169 : vector<127x64xi32> to vector<1x127x64xi32>
    tpu.vector_store %arg1[%swap3A_1170, %swap3A_1171, %swap3A_1172], %swap3A_1175 {strides = array<i32>} : memref<16x127x64xi32, #tpu.memory_space<vmem>>, vector<1x127x64xi32>,
    %add3A_1176 = arith.constant 256 : i32
    %add3A_1177 = vector.broadcast %add3A_1176 : i32 to vector<127x64xi32>
    %add3A_1178 = arith.addi %add3A_1158, %add3A_1177 : vector<127x64xi32>
    %swap3A_1179 = arith.constant 2 : index
    %swap3A_1180 = arith.constant 0 : index
    %swap3A_1181 = arith.constant 0 : index
    %swap3A_1182 = vector.load %arg1[%swap3A_1179, %swap3A_1180, %swap3A_1181] : memref<16x127x64xi32, #tpu.memory_space<vmem>>, vector<1x127x64xi32>
    %swap3A_1183 = vector.shape_cast %swap3A_1182 : vector<1x127x64xi32> to vector<127x64xi32>
    %swap3A_1184 = vector.shape_cast %add3A_1178 : vector<127x64xi32> to vector<1x127x64xi32>
    tpu.vector_store %arg1[%swap3A_1179, %swap3A_1180, %swap3A_1181], %swap3A_1184 {strides = array<i32>} : memref<16x127x64xi32, #tpu.memory_space<vmem>>, vector<1x127x64xi32>,
    %add3A_1185 = arith.constant 384 : i32
    %add3A_1186 = vector.broadcast %add3A_1185 : i32 to vector<127x64xi32>
    %add3A_1187 = arith.addi %add3A_1158, %add3A_1186 : vector<127x64xi32>
    %swap3A_1188 = arith.constant 3 : index
    %swap3A_1189 = arith.constant 0 : index
    %swap3A_1190 = arith.constant 0 : index
    %swap3A_1191 = vector.load %arg1[%swap3A_1188, %swap3A_1189, %swap3A_1190] : memref<16x127x64xi32, #tpu.memory_space<vmem>>, vector<1x127x64xi32>
    %swap3A_1192 = vector.shape_cast %swap3A_1191 : vector<1x127x64xi32> to vector<127x64xi32>
    %swap3A_1193 = vector.shape_cast %add3A_1187 : vector<127x64xi32> to vector<1x127x64xi32>
    tpu.vector_store %arg1[%swap3A_1188, %swap3A_1189, %swap3A_1190], %swap3A_1193 {strides = array<i32>} : memref<16x127x64xi32, #tpu.memory_space<vmem>>, vector<1x127x64xi32>,
    %add3A_1194 = arith.constant 512 : i32
    %add3A_1195 = vector.broadcast %add3A_1194 : i32 to vector<127x64xi32>
    %add3A_1196 = arith.addi %add3A_1158, %add3A_1195 : vector<127x64xi32>
    %swap3A_1197 = arith.constant 4 : index
    %swap3A_1198 = arith.constant 0 : index
    %swap3A_1199 = arith.constant 0 : index
    %swap3A_1200 = vector.load %arg1[%swap3A_1197, %swap3A_1198, %swap3A_1199] : memref<16x127x64xi32, #tpu.memory_space<vmem>>, vector<1x127x64xi32>
    %swap3A_1201 = vector.shape_cast %swap3A_1200 : vector<1x127x64xi32> to vector<127x64xi32>
    %swap3A_1202 = vector.shape_cast %add3A_1196 : vector<127x64xi32> to vector<1x127x64xi32>
    tpu.vector_store %arg1[%swap3A_1197, %swap3A_1198, %swap3A_1199], %swap3A_1202 {strides = array<i32>} : memref<16x127x64xi32, #tpu.memory_space<vmem>>, vector<1x127x64xi32>,
    %add3A_1203 = arith.constant 640 : i32
    %add3A_1204 = vector.broadcast %add3A_1203 : i32 to vector<127x64xi32>
    %add3A_1205 = arith.addi %add3A_1158, %add3A_1204 : vector<127x64xi32>
    %swap3A_1206 = arith.constant 5 : index
    %swap3A_1207 = arith.constant 0 : index
    %swap3A_1208 = arith.constant 0 : index
    %swap3A_1209 = vector.load %arg1[%swap3A_1206, %swap3A_1207, %swap3A_1208] : memref<16x127x64xi32, #tpu.memory_space<vmem>>, vector<1x127x64xi32>
    %swap3A_1210 = vector.shape_cast %swap3A_1209 : vector<1x127x64xi32> to vector<127x64xi32>
    %swap3A_1211 = vector.shape_cast %add3A_1205 : vector<127x64xi32> to vector<1x127x64xi32>
    tpu.vector_store %arg1[%swap3A_1206, %swap3A_1207, %swap3A_1208], %swap3A_1211 {strides = array<i32>} : memref<16x127x64xi32, #tpu.memory_space<vmem>>, vector<1x127x64xi32>,
    %add3A_1212 = arith.constant 768 : i32
    %add3A_1213 = vector.broadcast %add3A_1212 : i32 to vector<127x64xi32>
    %add3A_1214 = arith.addi %add3A_1158, %add3A_1213 : vector<127x64xi32>
    %swap3A_1215 = arith.constant 6 : index
    %swap3A_1216 = arith.constant 0 : index
    %swap3A_1217 = arith.constant 0 : index
    %swap3A_1218 = vector.load %arg1[%swap3A_1215, %swap3A_1216, %swap3A_1217] : memref<16x127x64xi32, #tpu.memory_space<vmem>>, vector<1x127x64xi32>
    %swap3A_1219 = vector.shape_cast %swap3A_1218 : vector<1x127x64xi32> to vector<127x64xi32>
    %swap3A_1220 = vector.shape_cast %add3A_1214 : vector<127x64xi32> to vector<1x127x64xi32>
    tpu.vector_store %arg1[%swap3A_1215, %swap3A_1216, %swap3A_1217], %swap3A_1220 {strides = array<i32>} : memref<16x127x64xi32, #tpu.memory_space<vmem>>, vector<1x127x64xi32>,
    %add3A_1221 = arith.constant 896 : i32
    %add3A_1222 = vector.broadcast %add3A_1221 : i32 to vector<127x64xi32>
    %add3A_1223 = arith.addi %add3A_1158, %add3A_1222 : vector<127x64xi32>
    %swap3A_1224 = arith.constant 7 : index
    %swap3A_1225 = arith.constant 0 : index
    %swap3A_1226 = arith.constant 0 : index
    %swap3A_1227 = vector.load %arg1[%swap3A_1224, %swap3A_1225, %swap3A_1226] : memref<16x127x64xi32, #tpu.memory_space<vmem>>, vector<1x127x64xi32>
    %swap3A_1228 = vector.shape_cast %swap3A_1227 : vector<1x127x64xi32> to vector<127x64xi32>
    %swap3A_1229 = vector.shape_cast %add3A_1223 : vector<127x64xi32> to vector<1x127x64xi32>
    tpu.vector_store %arg1[%swap3A_1224, %swap3A_1225, %swap3A_1226], %swap3A_1229 {strides = array<i32>} : memref<16x127x64xi32, #tpu.memory_space<vmem>>, vector<1x127x64xi32>,
    %add3A_1230 = arith.constant 1024 : i32
    %add3A_1231 = vector.broadcast %add3A_1230 : i32 to vector<127x64xi32>
    %add3A_1232 = arith.addi %add3A_1158, %add3A_1231 : vector<127x64xi32>
    %swap3A_1233 = arith.constant 8 : index
    %swap3A_1234 = arith.constant 0 : index
    %swap3A_1235 = arith.constant 0 : index
    %swap3A_1236 = vector.load %arg1[%swap3A_1233, %swap3A_1234, %swap3A_1235] : memref<16x127x64xi32, #tpu.memory_space<vmem>>, vector<1x127x64xi32>
    %swap3A_1237 = vector.shape_cast %swap3A_1236 : vector<1x127x64xi32> to vector<127x64xi32>
    %swap3A_1238 = vector.shape_cast %add3A_1232 : vector<127x64xi32> to vector<1x127x64xi32>
    tpu.vector_store %arg1[%swap3A_1233, %swap3A_1234, %swap3A_1235], %swap3A_1238 {strides = array<i32>} : memref<16x127x64xi32, #tpu.memory_space<vmem>>, vector<1x127x64xi32>,
    %add3A_1239 = arith.constant 1152 : i32
    %add3A_1240 = vector.broadcast %add3A_1239 : i32 to vector<127x64xi32>
    %add3A_1241 = arith.addi %add3A_1158, %add3A_1240 : vector<127x64xi32>
    %swap3A_1242 = arith.constant 9 : index
    %swap3A_1243 = arith.constant 0 : index
    %swap3A_1244 = arith.constant 0 : index
    %swap3A_1245 = vector.load %arg1[%swap3A_1242, %swap3A_1243, %swap3A_1244] : memref<16x127x64xi32, #tpu.memory_space<vmem>>, vector<1x127x64xi32>
    %swap3A_1246 = vector.shape_cast %swap3A_1245 : vector<1x127x64xi32> to vector<127x64xi32>
    %swap3A_1247 = vector.shape_cast %add3A_1241 : vector<127x64xi32> to vector<1x127x64xi32>
    tpu.vector_store %arg1[%swap3A_1242, %swap3A_1243, %swap3A_1244], %swap3A_1247 {strides = array<i32>} : memref<16x127x64xi32, #tpu.memory_space<vmem>>, vector<1x127x64xi32>,
    %add3A_1248 = arith.constant 1280 : i32
    %add3A_1249 = vector.broadcast %add3A_1248 : i32 to vector<127x64xi32>
    %add3A_1250 = arith.addi %add3A_1158, %add3A_1249 : vector<127x64xi32>
    %swap3A_1251 = arith.constant 10 : index
    %swap3A_1252 = arith.constant 0 : index
    %swap3A_1253 = arith.constant 0 : index
    %swap3A_1254 = vector.load %arg1[%swap3A_1251, %swap3A_1252, %swap3A_1253] : memref<16x127x64xi32, #tpu.memory_space<vmem>>, vector<1x127x64xi32>
    %swap3A_1255 = vector.shape_cast %swap3A_1254 : vector<1x127x64xi32> to vector<127x64xi32>
    %swap3A_1256 = vector.shape_cast %add3A_1250 : vector<127x64xi32> to vector<1x127x64xi32>
    tpu.vector_store %arg1[%swap3A_1251, %swap3A_1252, %swap3A_1253], %swap3A_1256 {strides = array<i32>} : memref<16x127x64xi32, #tpu.memory_space<vmem>>, vector<1x127x64xi32>,
    %add3A_1257 = arith.constant 1408 : i32
    %add3A_1258 = vector.broadcast %add3A_1257 : i32 to vector<127x64xi32>
    %add3A_1259 = arith.addi %add3A_1158, %add3A_1258 : vector<127x64xi32>
    %swap3A_1260 = arith.constant 11 : index
    %swap3A_1261 = arith.constant 0 : index
    %swap3A_1262 = arith.constant 0 : index
    %swap3A_1263 = vector.load %arg1[%swap3A_1260, %swap3A_1261, %swap3A_1262] : memref<16x127x64xi32, #tpu.memory_space<vmem>>, vector<1x127x64xi32>
    %swap3A_1264 = vector.shape_cast %swap3A_1263 : vector<1x127x64xi32> to vector<127x64xi32>
    %swap3A_1265 = vector.shape_cast %add3A_1259 : vector<127x64xi32> to vector<1x127x64xi32>
    tpu.vector_store %arg1[%swap3A_1260, %swap3A_1261, %swap3A_1262], %swap3A_1265 {strides = array<i32>} : memref<16x127x64xi32, #tpu.memory_space<vmem>>, vector<1x127x64xi32>,
    %add3A_1266 = arith.constant 1536 : i32
    %add3A_1267 = vector.broadcast %add3A_1266 : i32 to vector<127x64xi32>
    %add3A_1268 = arith.addi %add3A_1158, %add3A_1267 : vector<127x64xi32>
    %swap3A_1269 = arith.constant 12 : index
    %swap3A_1270 = arith.constant 0 : index
    %swap3A_1271 = arith.constant 0 : index
    %swap3A_1272 = vector.load %arg1[%swap3A_1269, %swap3A_1270, %swap3A_1271] : memref<16x127x64xi32, #tpu.memory_space<vmem>>, vector<1x127x64xi32>
    %swap3A_1273 = vector.shape_cast %swap3A_1272 : vector<1x127x64xi32> to vector<127x64xi32>
    %swap3A_1274 = vector.shape_cast %add3A_1268 : vector<127x64xi32> to vector<1x127x64xi32>
    tpu.vector_store %arg1[%swap3A_1269, %swap3A_1270, %swap3A_1271], %swap3A_1274 {strides = array<i32>} : memref<16x127x64xi32, #tpu.memory_space<vmem>>, vector<1x127x64xi32>,
    %add3A_1275 = arith.constant 1664 : i32
    %add3A_1276 = vector.broadcast %add3A_1275 : i32 to vector<127x64xi32>
    %add3A_1277 = arith.addi %add3A_1158, %add3A_1276 : vector<127x64xi32>
    %swap3A_1278 = arith.constant 13 : index
    %swap3A_1279 = arith.constant 0 : index
    %swap3A_1280 = arith.constant 0 : index
    %swap3A_1281 = vector.load %arg1[%swap3A_1278, %swap3A_1279, %swap3A_1280] : memref<16x127x64xi32, #tpu.memory_space<vmem>>, vector<1x127x64xi32>
    %swap3A_1282 = vector.shape_cast %swap3A_1281 : vector<1x127x64xi32> to vector<127x64xi32>
    %swap3A_1283 = vector.shape_cast %add3A_1277 : vector<127x64xi32> to vector<1x127x64xi32>
    tpu.vector_store %arg1[%swap3A_1278, %swap3A_1279, %swap3A_1280], %swap3A_1283 {strides = array<i32>} : memref<16x127x64xi32, #tpu.memory_space<vmem>>, vector<1x127x64xi32>,
    %add3A_1284 = arith.constant 1792 : i32
    %add3A_1285 = vector.broadcast %add3A_1284 : i32 to vector<127x64xi32>
    %add3A_1286 = arith.addi %add3A_1158, %add3A_1285 : vector<127x64xi32>
    %swap3A_1287 = arith.constant 14 : index
    %swap3A_1288 = arith.constant 0 : index
    %swap3A_1289 = arith.constant 0 : index
    %swap3A_1290 = vector.load %arg1[%swap3A_1287, %swap3A_1288, %swap3A_1289] : memref<16x127x64xi32, #tpu.memory_space<vmem>>, vector<1x127x64xi32>
    %swap3A_1291 = vector.shape_cast %swap3A_1290 : vector<1x127x64xi32> to vector<127x64xi32>
    %swap3A_1292 = vector.shape_cast %add3A_1286 : vector<127x64xi32> to vector<1x127x64xi32>
    tpu.vector_store %arg1[%swap3A_1287, %swap3A_1288, %swap3A_1289], %swap3A_1292 {strides = array<i32>} : memref<16x127x64xi32, #tpu.memory_space<vmem>>, vector<1x127x64xi32>,
    %add3A_1293 = arith.constant 1920 : i32
    %add3A_1294 = vector.broadcast %add3A_1293 : i32 to vector<127x64xi32>
    %add3A_1295 = arith.addi %add3A_1158, %add3A_1294 : vector<127x64xi32>
    %swap3A_1296 = arith.constant 15 : index
    %swap3A_1297 = arith.constant 0 : index
    %swap3A_1298 = arith.constant 0 : index
    %swap3A_1299 = vector.load %arg1[%swap3A_1296, %swap3A_1297, %swap3A_1298] : memref<16x127x64xi32, #tpu.memory_space<vmem>>, vector<1x127x64xi32>
    %swap3A_1300 = vector.shape_cast %swap3A_1299 : vector<1x127x64xi32> to vector<127x64xi32>
    %swap3A_1301 = vector.shape_cast %add3A_1295 : vector<127x64xi32> to vector<1x127x64xi32>
    tpu.vector_store %arg1[%swap3A_1296, %swap3A_1297, %swap3A_1298], %swap3A_1301 {strides = array<i32>} : memref<16x127x64xi32, #tpu.memory_space<vmem>>, vector<1x127x64xi32>,
    return
  }
}

</mosaic_0001>

<sc_bundles>
// kernel: kernel.5.cloned.1.call-start
scs
__scs_entry_jumppad:
0x0: {  	(pc) =	sbr.rel $0x88, $3  }
0x1: {  	(tag) =	ssettag $0x0;
	lr =	simm.s32 $0x1  }
0x2: {  	[smem:$0x3F9D] =	sst lr;
	_ =	strace $0xD0000000  }
0x3: {  	_ = 	snop  }
0x4: {  	_ = 	snop  }
0x5: {  	_ = 	snop  }
0x6: {  	_ = 	snop  }
0x7: {  	_ = 	snop  }
__scs_overlays_trampoline_lowered:
0x8: {  	[smem:$0x3FAC] =	sst s0  }
0x9: {  	[smem:$0x3FAD] =	sst s1  }
0xa: {  	[smem:$0x3FAE] =	sst s2  }
0xb: {  	[smem:$0x3FAF] =	sst s3  }
0xc: {  	[smem:$0x3FB0] =	sst s4  }
0xd: {  	[smem:$0x3FB1] =	sst s5  }
0xe: {  	[smem:$0x3FB2] =	sst s6  }
0xf: {  	[smem:$0x3FB3] =	sst s7  }
0x10: {  	[smem:$0x3FB4] =	sst s8  }
0x11: {  	[smem:$0x3FB5] =	sst s9;
	s0 =	simm.s32 @!p0 $0x0  }
0x12: {  	s1 =	sld [smem:$0x3F9B];
	s0 =	simm.s32 @p0 $0x1  }
0x13: {  	[smem:$0x3FB6] =	sst s0;
	s0 =	simm.s32 @!p1 $0x0  }
0x14: {  	s2 =	sld [smem:$0x3F9A];
	s0 =	simm.s32 @p1 $0x1  }
0x15: {  	[smem:$0x3FB7] =	sst s0;
	s0 =	simm.s32 @!p2 $0x0  }
0x16: {  	s3 =	sld [smem:$0x3FDB];
	s0 =	simm.s32 @p2 $0x1  }
0x17: {  	s4 =	simm.s32 $0x1BF5;
	[smem:$0x3FB9] =	sst s0  }
0x18: {  	s0 =	sld [smem:$0x3F9C];
	_ =	swait.ge [sflag:s4], $0x0  }
0x19: {  	s7 =	sld [smem:$0x3F9D]  }
0x1a: {  	s8 =	sadd.s32 $0xFFFFE003, lr  }
0x1b: {  	s9 =	sadd.s32 $0xFFFFFEF7, lr;
	s5 =	simm.s32 $0xFFFFFFFF;
	p2 =	slt.u32 s8, $0xFFFFF086  }
0x1c: {  	p1 =	slt.u32 s9, $0xF7A;
	s5 =	simm.s32 @!p2 $0x0  }
0x1d: {  	s5 =	simm.s32 @p1 $0x1;
	p0 =	seq.s32 s7, s2  }
0x1e: {  	s7 =	smul.u32 @!p0 $0xF7A, s2;
	p2 =	seq.s32 @!p0 s5, $0x0  }
0x1f: {  	s9 =	smul.u32 $0xF7A, s1;
	s8 =	simm.s32 @!p0 $0x1BF5;
	p2 =	por !p2, p0  }
0x20: {  	[sflag:s8] =	ssyncset.s32 @!p0 $0xFFFFF086;
	s6 =	sadd.s32 @!p0 s3, s7;
	s7 =	simm.s32 @!p0 $0x108  }
0x21: {  	s3 =	sadd.s32 s3, s9;
	s6 =	sadd.s32 @!p0 $0x88, s6;
	s7 =	simm.s32 @p2 $0x1082  }
0x22: {  	[simem:s7], [sflag:s8] =	dma.local @!p0 [hbm:s6], $0xF7A  }
0x23: {  	s9 =	sor.u32 $0xD0000000, s2;
	s6 =	simm.s32 $0x108;
	_ =	swait.ge @!p0 [sflag:s8], $0x0  }
0x24: {  	s3 =	sadd.s32 $0x88, s3;
	s6 =	simm.s32 @!p1 $0x1082;
	[sflag:s4] =	ssyncset.s32 $0xFFFFF086  }
0x25: {  	[simem:s6], [sflag:s4] =	dma.local [hbm:s3], $0xF7A  }
0x26: {  	[smem:$0x3F9D] =	sst s1;
	(tag) =	ssettag s2;
	_ =	strace s9  }
0x27: {  	s1 =	sld [smem:$0x3FAD]  }
0x28: {  	s2 =	sld [smem:$0x3FAE]  }
0x29: {  	s4 =	sld [smem:$0x3FB0]  }
0x2a: {  	p0 =	seq.s32 s5, $0x0;
	s5 =	sld [smem:$0x3FB1]  }
0x2b: {  	s6 =	sld [smem:$0x3FB2]  }
0x2c: {  	s7 =	sld [smem:$0x3FB3]  }
0x2d: {  	s3 =	simm.s32 $0x108;
	s8 =	sld [smem:$0x3FB4]  }
0x2e: {  	s3 =	simm.s32 @!p0 $0x1082;
	s9 =	sld [smem:$0x3FB5]  }
0x2f: {  	lr =	sadd.s32 s0, s3;
	s0 =	sld [smem:$0x3FAC]  }
0x30: {  	s3 =	sld [smem:$0x3FAF]  }
0x31: {  	[smem:$0x3FB8] =	sst s10  }
0x32: {  	s10 =	sld [smem:$0x3FB6];
	_ =	sdelay $0x3  }
0x33: {  	p0 =	seq.s32 s10, $0x1;
	s10 =	sld [smem:$0x3FB8];
	_ =	sdelay $0x3  }
0x34: {  	[smem:$0x3FB8] =	sst s10  }
0x35: {  	s10 =	sld [smem:$0x3FB7];
	_ =	sdelay $0x3  }
0x36: {  	p1 =	seq.s32 s10, $0x1;
	s10 =	sld [smem:$0x3FB8];
	_ =	sdelay $0x3  }
0x37: {  	[smem:$0x3FB8] =	sst s10  }
0x38: {  	s10 =	sld [smem:$0x3FB9]  }
0x39: {  	_ = 	snop;
	(pc) =	sbr.ind lr, $3  }
0x3a: {  	_ = 	snop  }
0x3b: {  	_ = 	snop  }
0x3c: {  	p2 =	seq.s32 s10, $0x1;
	s10 =	sld [smem:$0x3FB8]  }
0x3d: {  	_ =	shalt  }
0x3e: {  	_ =	shalt  }
0x3f: {  	_ =	shalt  }
0x40: {  	_ =	shalt  }
0x41: {  	_ =	shalt  }
0x42: {  	_ =	shalt  }
0x43: {  	_ =	shalt  }
0x44: {  	_ =	shalt  }
0x45: {  	_ =	shalt  }
0x46: {  	_ =	shalt  }
0x47: {  	_ =	shalt  }
0x48: {  	_ =	shalt  }
0x49: {  	_ =	shalt  }
0x4a: {  	_ =	shalt  }
0x4b: {  	_ =	shalt  }
0x4c: {  	_ =	shalt  }
0x4d: {  	_ =	shalt  }
0x4e: {  	_ =	shalt  }
0x4f: {  	_ =	shalt  }
0x50: {  	_ =	shalt  }
0x51: {  	_ =	shalt  }
0x52: {  	_ =	shalt  }
0x53: {  	_ =	shalt  }
0x54: {  	_ =	shalt  }
0x55: {  	_ =	shalt  }
0x56: {  	_ =	shalt  }
0x57: {  	_ =	shalt  }
0x58: {  	_ =	shalt  }
0x59: {  	_ =	shalt  }
0x5a: {  	_ =	shalt  }
0x5b: {  	_ =	shalt  }
0x5c: {  	_ =	shalt  }
0x5d: {  	_ =	shalt  }
0x5e: {  	_ =	shalt  }
0x5f: {  	_ =	shalt  }
0x60: {  	_ =	shalt  }
0x61: {  	_ =	shalt  }
0x62: {  	_ =	shalt  }
0x63: {  	_ =	shalt  }
0x64: {  	_ =	shalt  }
0x65: {  	_ =	shalt  }
0x66: {  	_ =	shalt  }
0x67: {  	_ =	shalt  }
0x68: {  	_ =	shalt  }
0x69: {  	_ =	shalt  }
0x6a: {  	_ =	shalt  }
0x6b: {  	_ =	shalt  }
0x6c: {  	_ =	shalt  }
0x6d: {  	_ =	shalt  }
0x6e: {  	_ =	shalt  }
0x6f: {  	_ =	shalt  }
0x70: {  	_ =	shalt  }
0x71: {  	_ =	shalt  }
0x72: {  	_ =	shalt  }
0x73: {  	_ =	shalt  }
0x74: {  	_ =	shalt  }
0x75: {  	_ =	shalt  }
0x76: {  	_ =	shalt  }
0x77: {  	_ =	shalt  }
0x78: {  	_ =	shalt  }
0x79: {  	_ =	shalt  }
0x7a: {  	_ =	shalt  }
0x7b: {  	_ =	shalt  }
0x7c: {  	_ =	shalt  }
0x7d: {  	_ =	shalt  }
0x7e: {  	_ =	shalt  }
0x7f: {  	_ =	shalt  }
0x80: {  	_ =	shalt  }
0x81: {  	_ =	shalt  }
0x82: {  	_ =	shalt  }
0x83: {  	_ =	shalt  }
0x84: {  	_ =	shalt  }
0x85: {  	_ =	shalt  }
0x86: {  	_ =	shalt  }
0x87: {  	_ =	shalt  }
.Lfunc_end0:
.L_simem_size_0:
called_computation_lowered:
.L_overlay_start_0:
0x88: {  	s2 =	sld [smem:$0x3FD9]  }
0x89: {  	s3 =	sld [smem:$0x3FFE];
	_ =	sdelay $0x1  }
0x8a: {  	s1 =	srdreg.scid  }
0x8b: {  	s0 =	sand.u32 $0x1, s1  }
0x8c: {  	s17 =	sshll.u32 s0, $0xA;
	s2 =	sadd.s32 s3, s2  }
0x8d: {  	s2 =	sadd.s32 s2, s17  }
0x8e: {  	[smem:$0x3FC4] =	sst s2  }
0x8f: {  	_ = 	snop  }
0x90: {  	s2 =	sld [smem:$0x3FC9]  }
0x91: {  	s18 =	sld [smem:$0x3FC8]  }
0x92: {  	s4 =	sld [smem:$0x3FD0];
	(tm) =	ssettm $0x1  }
0x93: {  	s5 =	sld [smem:$0x3FFB];
	_ =	sdelay $0x3  }
0x94: {  	_ =	strace s5  }
0x95: {  	s5 =	sld [smem:$0x3FFC];
	_ =	sdelay $0x3  }
0x96: {  	_ =	strace s5  }
0x97: {  	s5 =	sld [smem:$0x3FFD];
	_ =	sdelay $0x3  }
0x98: {  	_ =	strace s5  }
0x99: {  	_ =	strace $0x8FFFFFFF  }
0x9a: {  	s19 =	sld [smem:$0x3FDB];
	_ =	sdelay $0x1  }
0x9b: {  	s6 =	simm.s32 $_scs_section_size  }
0x9c: {  	s7 =	simm.s32 $_size__tile_overlayer_lowered;
	s8 =	simm.s32 $_tile_overlayer_lowered  }
0x9d: {  	s22 =	simm.s32 $0x1BFF;
	s21 =	sshll.u32 s8, $0x1;
	s5 =	sadd.s32 s6, s19  }
0x9e: {  	s9 =	simm.s32 $0x0;
	s20 =	sshll.u32 s7, $0x1;
	s7 =	sadd.s32 s21, s5  }
0x9f: {  	[timem:s9], [sflag:s22] =	dma.local [hbm:s7], s20  }
0xa0: {  	_ =	swait.ge [sflag:s22], s20  }
0xa1: {  	s6 =	ssub.s32 $0x0, s20;
	[sflag:s22] =	ssyncset.done $0x0  }
0xa2: {  	[sflag:s22] =	ssyncadd.s32 s6;
	_ =	sdelay $0x1  }
0xa3: {  	s23 =	simm.s32 $0x1B8B  }
0xa4: {  	_ =	swait.ge [sflag:s23], $0x1  }
0xa5: {  	[sflag:s23] =	ssyncset.done $0x0  }
0xa6: {  	s25 =	simm.s32 $0x1B8E;
	s24 =	sld [smem:$0x3FFE];
	[sflag:s23] =	ssyncadd.s32 $0xFFFFFFFF  }
0xa7: {  	s26 =	simm.s32 $execute0_lowered;
	[smem:$0x3FD2] =	sst s25  }
0xa8: {  	s7 =	sshll.u32 s26, $0x1;
	_ =	strace $0x80000046;
	[dreg:$0x1] =	wrdreg $0xFFFFFFFF  }
0xa9: {  	s28 =	simm.s32 $_size_execute0_lowered;
	s5 =	sadd.s32 s5, s7;
	[dreg:$0x0] =	wrdreg $0x0  }
0xaa: {  	s7 =	sshll.u32 s28, $0x1;
	[dreg:$0x2] =	wrdreg s5  }
0xab: {  	[dreg:$0x3] =	wrdreg s7  }
0xac: {  	[dreg:$0x4] =	wrdreg $0xC0  }
0xad: {  	_ =	task [dreg:s9], $0x5FFFF  }
0xae: {  	[dreg:$0x1] =	wrdreg $0xFFFFFFFF  }
0xaf: {  	[dreg:$0x0] =	wrdreg $0x60  }
0xb0: {  	[dreg:$0x2] =	wrdreg s2  }
0xb1: {  	[dreg:$0x3] =	wrdreg s18  }
0xb2: {  	[dreg:$0x4] =	wrdreg s24  }
0xb3: {  	[dreg:$0x5] =	wrdreg s4  }
0xb4: {  	[dreg:$0x6] =	wrdreg $0xC0000  }
0xb5: {  	[dreg:$0x7] =	wrdreg $0x100000  }
0xb6: {  	[dreg:$0x8] =	wrdreg $0x9  }
0xb7: {  	_ =	task.clear_ibuf [dreg:s9], $0x9FFFF;
	_ =	strace $0x90000046  }
0xb8: {  	s29 =	simm.s32 $0x9;
	_ =	strace $0x80000048  }
0xb9: {  	_ =	swait.ge [sflag:s29], $0x1  }
0xba: {  	[sflag:s29] =	ssyncadd.s32 $0xFFFFFFFF  }
0xbb: {  	_ =	strace $0x90000048  }
0xbc: {  	_ =	sfence  }
0xbd: {  	s30 =	sld [smem:$0x0];
	_ =	sdelay $0x2  }
0xbe: {  	s31 =	sshll.u32 s1, $0xD;
	s1 =	sshrl.u32 s1, $0x2  }
0xbf: {  	s3 =	sand.u32 $0x4000, s31;
	s1 =	sadd.s32 s1, s30  }
0xc0: {  	s0 =	sor.u32 s3, s0;
	s1 =	sshll.u32 s1, $0x11  }
0xc1: {  	s0 =	sor.u32 s1, s0  }
0xc2: {  	s0 =	sadd.s32 $0x8F2B, s0  }
0xc3: {  	[sflag:s0] =	ssyncadd.remote.s32 $0x1  }
0xc4: {  	_ =	sfence.sel $0xFFFF  }
0xc5: {  	[dreg:$0x0] =	wrdreg $0xFFFFFFFF;
	(pc) =	sbr.abs _section_cstart, $3  }
0xc6: {  	[dreg:$0x1] =	wrdreg $0xFFFFFFFF  }
0xc7: {  	_ =	task.clear_ibuf [dreg:s9], $0x2FFFF;
	_ =	strace $0x9FFFFFFF  }
0xc8: {  	(tm) =	ssettm $0x7FFFFFFF  }
0xc9: {  	_ =	shalt  }
tec
execute0_lowered:
.L_overlay_start_1:
0x0: {  	(tag) =	ssettag $0x1  }
0x1: {  	s1 =	rddreg [dreg:$0x0]  }
0x2: {  	s2 =	rddreg [dreg:$0x1]  }
0x3: {  	s0 =	rddreg [dreg:$0x2]  }
0x4: {  	s4 =	rddreg [dreg:$0x3]  }
0x5: {  	s3 =	rddreg [dreg:$0x4]  }
0x6: {  	s5 =	rddreg [dreg:$0x5];
	s6 =	simm.s32 $0x0;
	s14 =	stileid.u32  }
0x7: {  	s7 =	srdreg.scid;
	[smem:$0x7FF] =	sst s6  }
0x8: {  	s8 =	sshll.u32 s14, $0xB;
	s7 =	sand.u32 $0x1, s7;
	s9 =	sshll.u32 s14, $0x1  }
0x9: {  	s10 =	sadd.s32 $0x9000, s0;
	s18 =	sshll.u32 s14, $0xE;
	_ =	strace $0x80000047  }
0xa: {  	s8 =	sadd.s32 s8, s0;
	s9 =	sor.u32 s7, s9;
	[dreg:$0x7] =	wrdreg s10  }
0xb: {  	s11 =	ssub.s32 $0x2, s7;
	s19 =	sadd.s32 s18, s3;
	s17 =	sshll.u32 s9, $0xB  }
0xc: {  	s12 =	sshrl.u32 s11, $0x1;
	s8 =	sadd.s32 $0x1000, s8;
	[dreg:$0x9] =	wrdreg s19  }
0xd: {  	s9 =	smul.u32 $0xFE000, s9;
	[dreg:$0x8] =	wrdreg s8;
	s8 =	sadd.s32 s18, s5  }
0xe: {  	s0 =	sadd.s32 s17, s0;
	s4 =	sadd.s32 s4, s17;
	[dreg:$0xa] =	wrdreg s8  }
0xf: {  	s11 =	ssub.s32 s11, s12;
	[dreg:$0x13] =	wrdreg s4;
	s0 =	sadd.s32 $0x9800, s0  }
0x10: {  	s20 =	sshrl.u32 s9, $0x3;
	s11 =	smax.u32 s11, $0x1;
	[dreg:$0x14] =	wrdreg s0  }
0x11: {  	s28 =	simm.s32 $0x0;
	s9 =	sadd.s32 s1, s20;
	[dreg:$0x15] =	wrdreg s11  }
0x12: {  	s21 =	sadd.s32 $0x400, s20;
	s25 =	sadd.s32 s2, s20;
	[dreg:$0xb] =	wrdreg s9  }
0x13: {  	s22 =	sadd.s32 $0x800, s20;
	s13 =	sadd.s32 s1, s21;
	[dreg:$0xf] =	wrdreg s25  }
0x14: {  	s24 =	sadd.s32 $0xC00, s20;
	s23 =	sadd.s32 s1, s22;
	[dreg:$0xc] =	wrdreg s13  }
0x15: {  	s14 =	smul.u32 $0x1FC000, s14;
	s15 =	sadd.s32 s1, s24;
	[dreg:$0xd] =	wrdreg s23  }
0x16: {  	s7 =	smul.u32 $0xFE000, s7;
	s9 =	sadd.s32 s2, s21;
	[dreg:$0xe] =	wrdreg s15  }
0x17: {  	s10 =	simm.s32 $0x5;
	s26 =	sadd.s32 s2, s22;
	[dreg:$0x10] =	wrdreg s9  }
0x18: {  	s12 =	sadd.s32 $0x1F000, s20;
	s30 =	sadd.s32 s2, s24;
	[dreg:$0x11] =	wrdreg s26  }
0x19: {  	s8 =	sadd.s32 $0x1F800, s20;
	s0 =	sadd.s32 s2, s12;
	[dreg:$0x12] =	wrdreg s30  }
0x1a: {  	s11 =	simm.s32 $0x4000;
	s18 =	sadd.s32 s1, s8;
	[dreg:$0x17] =	wrdreg s0  }
0x1b: {  	s19 =	sadd.s32 s2, s8;
	s13 =	sadd.s32 s7, s14;
	[dreg:$0x1a] =	wrdreg s18  }
0x1c: {  	s14 =	sadd.s32 $0x1F400, s20;
	s15 =	sadd.s32 s1, s12;
	[dreg:$0x1b] =	wrdreg s19  }
0x1d: {  	s12 =	simm.s32 $0x6000;
	s18 =	simm.s32 $0x3;
	s19 =	simm.s32 $0x4  }
0x1e: {  	[dreg:$0x16] =	wrdreg s15;
	s16 =	sadd.s32 s1, s14;
	s17 =	sadd.s32 s2, s14  }
0x1f: {  	s20 =	sadd.s32 $0xE000, s13;
	s21 =	sadd.s32 $0xC000, s13;
	s22 =	sadd.s32 $0xA000, s13  }
0x20: {  	s29 =	sadd.s32 $0x8000, s13;
	s13 =	simm.s32 $0x8000;
	s14 =	simm.s32 $0xA000  }
0x21: {  	s15 =	simm.s32 $0x1;
	[dreg:$0x18] =	wrdreg s16;
	s0 =	sshrl.u32 s20, $0x3  }
0x22: {  	[dreg:$0x19] =	wrdreg s17;
	s7 =	sshrl.u32 s21, $0x3;
	s24 =	sadd.s32 s0, s1  }
0x23: {  	s23 =	sshrl.u32 s22, $0x3;
	s25 =	sadd.s32 s7, s1;
	[dreg:$0x1c] =	wrdreg s24  }
0x24: {  	s16 =	simm.s32 $0x40;
	s26 =	sadd.s32 s7, s2;
	[dreg:$0x1d] =	wrdreg s25  }
0x25: {  	s17 =	simm.s32 $0x2;
	s30 =	sadd.s32 s23, s1;
	[dreg:$0x1e] =	wrdreg s26  }
0x26: {  	s31 =	sadd.s32 s0, s2;
	s9 =	sadd.s32 s23, s2;
	[dreg:$0x1f] =	wrdreg s30  }
.LBB2_1:
0x27: {  	s0 =	rddreg [dreg:$0x8];
	s24 =	stileid.u32  }
0x28: {  	[tilespmem:s6], [sflag:$0x5] =	stream.linear.gather [hbm4b:s0+s6], $0x3F80, $0x38;
	[tilespmem:$0x14000] =	vst v63  }
0x29: {  	s0 =	sshll.u32 s24, $0x6;
	_ =	swait.ge [sflag:s10], $0x3F80  }
0x2a: {  	s20 =	sor.u32 $0x1C05, s0;
	[sflag:s10] =	ssyncset.done $0x0;
	s25 =	rddreg [dreg:$0x9]  }
0x2b: {  	s26 =	rddreg [dreg:$0x7];
	[sflag:s10] =	ssyncadd.s32 $0xFFFFC080;
	s21 =	sshrl.u32 s25, $0x3  }
0x2c: {  	[spmem:s21], [sflag:s20] =	dma.local [hbm:s26], $0x800  }
0x2d: {  	_ =	swait.ge [sflag:s10], $0x800  }
0x2e: {  	[sflag:s10] =	ssyncset.done $0x0;
	s4 =	rddreg [dreg:$0xa]  }
0x2f: {  	[sflag:s10] =	ssyncadd.s32 $0xFFFFF800;
	s22 =	sshrl.u32 s4, $0x3  }
0x30: {  	[spmem:s22], [sflag:s20] =	dma.local [hbm:s26], $0x800  }
0x31: {  	_ =	swait.ge [sflag:s10], $0x800  }
0x32: {  	[sflag:s10] =	ssyncset.done $0x0  }
0x33: {  	s4 =	rddreg [dreg:$0xb];
	[sflag:s10] =	ssyncadd.s32 $0xFFFFF800  }
0x34: {  	[tilespmem:s11], [sflag:$0x1] =	stream.linear.gather [hbm4b:s4+s6], $0x2000, $0x38;
	[tilespmem:$0x14000] =	vst v63  }
0x35: {  	s7 =	rddreg [dreg:$0xc]  }
0x36: {  	[tilespmem:s12], [sflag:$0x2] =	stream.linear.gather [hbm4b:s7+s6], $0x2000, $0x38;
	[tilespmem:$0x14000] =	vst v63  }
0x37: {  	s8 =	rddreg [dreg:$0xd]  }
0x38: {  	[tilespmem:s13], [sflag:$0x3] =	stream.linear.gather [hbm4b:s8+s6], $0x2000, $0x38;
	[tilespmem:$0x14000] =	vst v63  }
0x39: {  	s23 =	rddreg [dreg:$0xe]  }
0x3a: {  	[tilespmem:s14], [sflag:$0x4] =	stream.linear.gather [hbm4b:s23+s6], $0x2000, $0x38;
	[tilespmem:$0x14000] =	vst v63  }
0x3b: {  	_ =	swait.ge [sflag:s15], $0x2000  }
0x3c: {  	[sflag:s15] =	ssyncset.done $0x0  }
0x3d: {  	s24 =	simm.s32 $0x0;
	[sflag:s15] =	ssyncadd.s32 $0xFFFFE000  }
0x3e: {  	[spmem:s3] =	stream.indirect.scatter.add.f32 [tilespmem:s11], [sflag:$0x5], $0x80, s24, s16, $0xb8;
	[tilespmem:$0x14000] =	vst v63  }
0x3f: {  	_ =	swait.ge [sflag:s10], $0x2000  }
0x40: {  	s23 =	sshrl.u32 s29, $0x3;
	[sflag:s10] =	ssyncset.done $0x0  }
0x41: {  	s25 =	sadd.s32 s1, s23;
	[sflag:s10] =	ssyncadd.s32 $0xFFFFE000  }
0x42: {  	[tilespmem:s11], [sflag:$0x1] =	stream.linear.gather [hbm4b:s25+s6], $0x2000, $0x38;
	[tilespmem:$0x14000] =	vst v63  }
0x43: {  	_ =	swait.ge [sflag:s17], $0x2000  }
0x44: {  	[sflag:s17] =	ssyncset.done $0x0  }
0x45: {  	s26 =	simm.s32 $0x80;
	[sflag:s17] =	ssyncadd.s32 $0xFFFFE000  }
0x46: {  	[spmem:s3] =	stream.indirect.scatter.add.f32 [tilespmem:s12], [sflag:$0x5], $0x80, s26, s16, $0xb8;
	[tilespmem:$0x14000] =	vst v63  }
0x47: {  	_ =	swait.ge [sflag:s10], $0x2000  }
0x48: {  	[sflag:s10] =	ssyncset.done $0x0  }
0x49: {  	s7 =	rddreg [dreg:$0x1f];
	[sflag:s10] =	ssyncadd.s32 $0xFFFFE000  }
0x4a: {  	[tilespmem:s12], [sflag:$0x2] =	stream.linear.gather [hbm4b:s7+s6], $0x2000, $0x38;
	[tilespmem:$0x14000] =	vst v63  }
0x4b: {  	_ =	swait.ge [sflag:s18], $0x2000  }
0x4c: {  	[sflag:s18] =	ssyncset.done $0x0  }
0x4d: {  	s4 =	simm.s32 $0x100;
	[sflag:s18] =	ssyncadd.s32 $0xFFFFE000  }
0x4e: {  	[spmem:s3] =	stream.indirect.scatter.add.f32 [tilespmem:s13], [sflag:$0x5], $0x80, s4, s16, $0xb8;
	[tilespmem:$0x14000] =	vst v63  }
0x4f: {  	_ =	swait.ge [sflag:s10], $0x2000  }
0x50: {  	[sflag:s10] =	ssyncset.done $0x0  }
0x51: {  	s8 =	rddreg [dreg:$0x1d];
	[sflag:s10] =	ssyncadd.s32 $0xFFFFE000  }
0x52: {  	[tilespmem:s13], [sflag:$0x3] =	stream.linear.gather [hbm4b:s8+s6], $0x2000, $0x38;
	[tilespmem:$0x14000] =	vst v63  }
0x53: {  	_ =	swait.ge [sflag:s19], $0x2000  }
0x54: {  	[sflag:s19] =	ssyncset.done $0x0  }
0x55: {  	s26 =	simm.s32 $0x180;
	[sflag:s19] =	ssyncadd.s32 $0xFFFFE000  }
0x56: {  	[spmem:s3] =	stream.indirect.scatter.add.f32 [tilespmem:s14], [sflag:$0x5], $0x80, s26, s16, $0xb8;
	[tilespmem:$0x14000] =	vst v63  }
0x57: {  	s24 =	simm.s32 $0x800;
	s25 =	sadd.s32 $0x1000, s7;
	_ =	swait.ge [sflag:s10], $0x2000  }
0x58: {  	s0 =	sadd.s32 $0x1000, s8;
	[sflag:s10] =	ssyncset.done $0x0;
	s30 =	rddreg [dreg:$0x1c]  }
0x59: {  	s26 =	sadd.s32 $0x8000, s29;
	[sflag:s10] =	ssyncadd.s32 $0xFFFFE000;
	s7 =	sadd.s32 $0x1000, s30  }
.LBB2_2:
0x5a: {  	[tilespmem:s14], [sflag:$0x4] =	stream.linear.gather [hbm4b:s30+s6], $0x2000, $0x38;
	[tilespmem:$0x14000] =	vst v63  }
0x5b: {  	s8 =	smov.u32 s24;
	s30 =	smov.u32 s7  }
0x5c: {  	p0 =	sne.s32 s24, $0xE800;
	s24 =	sadd.s32 $0x800, s24;
	_ =	swait.ge [sflag:s15], $0x2000  }
0x5d: {  	[sflag:s15] =	ssyncset.done $0x0  }
0x5e: {  	s8 =	sshra.s32 s8, $0x2;
	[sflag:s15] =	ssyncadd.s32 $0xFFFFE000  }
0x5f: {  	[spmem:s3] =	stream.indirect.scatter.add.f32 [tilespmem:s11], [sflag:$0x5], $0x80, s8, s16, $0xb8;
	[tilespmem:$0x14000] =	vst v63  }
0x60: {  	_ =	swait.ge [sflag:s10], $0x2000  }
0x61: {  	s4 =	sshrl.u32 s26, $0x3;
	[sflag:s10] =	ssyncset.done $0x0  }
0x62: {  	s4 =	sadd.s32 s1, s4;
	[sflag:s10] =	ssyncadd.s32 $0xFFFFE000  }
0x63: {  	[tilespmem:s11], [sflag:$0x1] =	stream.linear.gather [hbm4b:s4+s6], $0x2000, $0x38;
	[tilespmem:$0x14000] =	vst v63  }
0x64: {  	_ =	swait.ge [sflag:s17], $0x2000  }
0x65: {  	[sflag:s17] =	ssyncset.done $0x0  }
0x66: {  	s4 =	sadd.s32 $0x80, s8;
	[sflag:s17] =	ssyncadd.s32 $0xFFFFE000  }
0x67: {  	[spmem:s3] =	stream.indirect.scatter.add.f32 [tilespmem:s12], [sflag:$0x5], $0x80, s4, s16, $0xb8;
	[tilespmem:$0x14000] =	vst v63  }
0x68: {  	_ =	swait.ge [sflag:s10], $0x2000  }
0x69: {  	[sflag:s10] =	ssyncset.done $0x0  }
0x6a: {  	[sflag:s10] =	ssyncadd.s32 $0xFFFFE000  }
0x6b: {  	[tilespmem:s12], [sflag:$0x2] =	stream.linear.gather [hbm4b:s25+s6], $0x2000, $0x38;
	[tilespmem:$0x14000] =	vst v63  }
0x6c: {  	_ =	swait.ge [sflag:s18], $0x2000  }
0x6d: {  	[sflag:s18] =	ssyncset.done $0x0  }
0x6e: {  	s4 =	sadd.s32 $0x100, s8;
	[sflag:s18] =	ssyncadd.s32 $0xFFFFE000  }
0x6f: {  	[spmem:s3] =	stream.indirect.scatter.add.f32 [tilespmem:s13], [sflag:$0x5], $0x80, s4, s16, $0xb8;
	[tilespmem:$0x14000] =	vst v63  }
0x70: {  	_ =	swait.ge [sflag:s10], $0x2000  }
0x71: {  	[sflag:s10] =	ssyncset.done $0x0  }
0x72: {  	[sflag:s10] =	ssyncadd.s32 $0xFFFFE000  }
0x73: {  	[tilespmem:s13], [sflag:$0x3] =	stream.linear.gather [hbm4b:s0+s6], $0x2000, $0x38;
	[tilespmem:$0x14000] =	vst v63  }
0x74: {  	_ =	swait.ge [sflag:s19], $0x2000  }
0x75: {  	[sflag:s19] =	ssyncset.done $0x0  }
.Ltmp0:
0x76: {  	s4 =	sadd.s32 $0x180, s8;
	[sflag:s19] =	ssyncadd.s32 $0xFFFFE000;
	(pc) =	sbr.rel @p0 .LBB2_2-.Ltmp0, $4  }
0x77: {  	[spmem:s3] =	stream.indirect.scatter.add.f32 [tilespmem:s14], [sflag:$0x5], $0x80, s4, s16, $0xb8;
	[tilespmem:$0x14000] =	vst v63  }
0x78: {  	_ =	swait.ge [sflag:s10], $0x2000  }
0x79: {  	s26 =	sadd.s32 $0x8000, s26;
	s25 =	sadd.s32 $0x1000, s25;
	[sflag:s10] =	ssyncset.done $0x0  }
0x7a: {  	s7 =	sadd.s32 $0x1000, s7;
	s0 =	sadd.s32 $0x1000, s0;
	[sflag:s10] =	ssyncadd.s32 $0xFFFFE000  }
0x7b: {  	[tilespmem:s14], [sflag:$0x4] =	stream.linear.gather [hbm4b:s30+s6], $0x2000, $0x38;
	[tilespmem:$0x14000] =	vst v63  }
0x7c: {  	_ =	swait.ge [sflag:s15], $0x2000  }
0x7d: {  	[sflag:s15] =	ssyncset.done $0x0  }
0x7e: {  	s30 =	simm.s32 $0x3C00;
	[sflag:s15] =	ssyncadd.s32 $0xFFFFE000  }
0x7f: {  	[spmem:s3] =	stream.indirect.scatter.add.f32 [tilespmem:s11], [sflag:$0x5], $0x80, s30, s16, $0xb8;
	[tilespmem:$0x14000] =	vst v63  }
0x80: {  	_ =	swait.ge [sflag:s10], $0x2000  }
0x81: {  	[sflag:s10] =	ssyncset.done $0x0  }
0x82: {  	s0 =	simm.s32 $0x0;
	s4 =	rddreg [dreg:$0x16];
	[sflag:s10] =	ssyncadd.s32 $0xFFFFE000  }
0x83: {  	[tilespmem:s11], [sflag:$0x1] =	stream.linear.gather [hbm4b:s4+s0], $0x2000, $0x38;
	[tilespmem:$0x14000] =	vst v63  }
0x84: {  	_ =	swait.ge [sflag:s17], $0x2000  }
0x85: {  	[sflag:s17] =	ssyncset.done $0x0  }
0x86: {  	s8 =	simm.s32 $0x3C80;
	[sflag:s17] =	ssyncadd.s32 $0xFFFFE000  }
0x87: {  	[spmem:s3] =	stream.indirect.scatter.add.f32 [tilespmem:s12], [sflag:$0x5], $0x80, s8, s16, $0xb8;
	[tilespmem:$0x14000] =	vst v63  }
0x88: {  	_ =	swait.ge [sflag:s10], $0x2000  }
0x89: {  	[sflag:s10] =	ssyncset.done $0x0  }
0x8a: {  	s24 =	rddreg [dreg:$0x18];
	[sflag:s10] =	ssyncadd.s32 $0xFFFFE000  }
0x8b: {  	[tilespmem:s12], [sflag:$0x2] =	stream.linear.gather [hbm4b:s24+s0], $0x2000, $0x38;
	[tilespmem:$0x14000] =	vst v63  }
0x8c: {  	_ =	swait.ge [sflag:s18], $0x2000  }
0x8d: {  	[sflag:s18] =	ssyncset.done $0x0  }
0x8e: {  	s25 =	simm.s32 $0x3D00;
	[sflag:s18] =	ssyncadd.s32 $0xFFFFE000  }
0x8f: {  	[spmem:s3] =	stream.indirect.scatter.add.f32 [tilespmem:s13], [sflag:$0x5], $0x80, s25, s16, $0xb8;
	[tilespmem:$0x14000] =	vst v63  }
0x90: {  	_ =	swait.ge [sflag:s10], $0x2000  }
0x91: {  	[sflag:s10] =	ssyncset.done $0x0  }
0x92: {  	s26 =	rddreg [dreg:$0x1a];
	[sflag:s10] =	ssyncadd.s32 $0xFFFFE000  }
0x93: {  	[tilespmem:s13], [sflag:$0x3] =	stream.linear.gather [hbm4b:s26+s0], $0x2000, $0x38;
	[tilespmem:$0x14000] =	vst v63  }
0x94: {  	_ =	swait.ge [sflag:s19], $0x2000  }
0x95: {  	[sflag:s19] =	ssyncset.done $0x0  }
0x96: {  	s7 =	simm.s32 $0x3D80;
	[sflag:s19] =	ssyncadd.s32 $0xFFFFE000  }
0x97: {  	[spmem:s3] =	stream.indirect.scatter.add.f32 [tilespmem:s14], [sflag:$0x5], $0x80, s7, s16, $0xb8;
	[tilespmem:$0x14000] =	vst v63  }
0x98: {  	_ =	swait.ge [sflag:s10], $0x2000  }
0x99: {  	[sflag:s10] =	ssyncset.done $0x0  }
0x9a: {  	[sflag:s10] =	ssyncadd.s32 $0xFFFFE000  }
0x9b: {  	_ =	swait.ge [sflag:s15], $0x2000  }
0x9c: {  	[sflag:s15] =	ssyncset.done $0x0  }
0x9d: {  	s8 =	simm.s32 $0x3E00;
	[sflag:s15] =	ssyncadd.s32 $0xFFFFE000  }
0x9e: {  	[spmem:s3] =	stream.indirect.scatter.add.f32 [tilespmem:s11], [sflag:$0x5], $0x80, s8, s16, $0xb8;
	[tilespmem:$0x14000] =	vst v63  }
0x9f: {  	_ =	swait.ge [sflag:s10], $0x2000  }
0xa0: {  	[sflag:s10] =	ssyncset.done $0x0  }
0xa1: {  	[sflag:s10] =	ssyncadd.s32 $0xFFFFE000  }
0xa2: {  	_ =	swait.ge [sflag:s17], $0x2000  }
0xa3: {  	[sflag:s17] =	ssyncset.done $0x0  }
0xa4: {  	s24 =	simm.s32 $0x3E80;
	[sflag:s17] =	ssyncadd.s32 $0xFFFFE000  }
0xa5: {  	[spmem:s3] =	stream.indirect.scatter.add.f32 [tilespmem:s12], [sflag:$0x5], $0x80, s24, s16, $0xb8;
	[tilespmem:$0x14000] =	vst v63  }
0xa6: {  	_ =	swait.ge [sflag:s10], $0x2000  }
0xa7: {  	[sflag:s10] =	ssyncset.done $0x0  }
0xa8: {  	[sflag:s10] =	ssyncadd.s32 $0xFFFFE000  }
0xa9: {  	_ =	swait.ge [sflag:s18], $0x2000  }
0xaa: {  	[sflag:s18] =	ssyncset.done $0x0  }
0xab: {  	s25 =	simm.s32 $0x3F00;
	[sflag:s18] =	ssyncadd.s32 $0xFFFFE000  }
0xac: {  	[spmem:s3] =	stream.indirect.scatter.add.f32 [tilespmem:s13], [sflag:$0x5], $0x80, s25, s16, $0xb8;
	[tilespmem:$0x14000] =	vst v63  }
0xad: {  	_ =	swait.ge [sflag:s10], $0x2000  }
0xae: {  	[sflag:s10] =	ssyncset.done $0x0  }
0xaf: {  	s26 =	rddreg [dreg:$0xf];
	[sflag:s10] =	ssyncadd.s32 $0xFFFFE000  }
0xb0: {  	[tilespmem:s11], [sflag:$0x1] =	stream.linear.gather [hbm4b:s26+s0], $0x2000, $0x38;
	[tilespmem:$0x14000] =	vst v63  }
0xb1: {  	s7 =	rddreg [dreg:$0x10]  }
0xb2: {  	[tilespmem:s12], [sflag:$0x2] =	stream.linear.gather [hbm4b:s7+s0], $0x2000, $0x38;
	[tilespmem:$0x14000] =	vst v63  }
0xb3: {  	s8 =	rddreg [dreg:$0x11]  }
0xb4: {  	[tilespmem:s13], [sflag:$0x3] =	stream.linear.gather [hbm4b:s8+s0], $0x2000, $0x38;
	[tilespmem:$0x14000] =	vst v63  }
0xb5: {  	s24 =	rddreg [dreg:$0x12]  }
0xb6: {  	[tilespmem:s14], [sflag:$0x4] =	stream.linear.gather [hbm4b:s24+s0], $0x2000, $0x38;
	[tilespmem:$0x14000] =	vst v63  }
0xb7: {  	_ =	swait.ge [sflag:s15], $0x2000  }
0xb8: {  	[sflag:s15] =	ssyncset.done $0x0  }
0xb9: {  	s25 =	simm.s32 $0x0;
	[sflag:s15] =	ssyncadd.s32 $0xFFFFE000  }
0xba: {  	[spmem:s5] =	stream.indirect.scatter.add.f32 [tilespmem:s11], [sflag:$0x5], $0x80, s25, s16, $0xb8;
	[tilespmem:$0x14000] =	vst v63  }
0xbb: {  	_ =	swait.ge [sflag:s10], $0x2000  }
0xbc: {  	[sflag:s10] =	ssyncset.done $0x0  }
0xbd: {  	s26 =	sadd.s32 s2, s23;
	[sflag:s10] =	ssyncadd.s32 $0xFFFFE000  }
0xbe: {  	[tilespmem:s11], [sflag:$0x1] =	stream.linear.gather [hbm4b:s26+s6], $0x2000, $0x38;
	[tilespmem:$0x14000] =	vst v63  }
0xbf: {  	_ =	swait.ge [sflag:s17], $0x2000  }
0xc0: {  	[sflag:s17] =	ssyncset.done $0x0  }
0xc1: {  	s4 =	simm.s32 $0x80;
	[sflag:s17] =	ssyncadd.s32 $0xFFFFE000  }
0xc2: {  	[spmem:s5] =	stream.indirect.scatter.add.f32 [tilespmem:s12], [sflag:$0x5], $0x80, s4, s16, $0xb8;
	[tilespmem:$0x14000] =	vst v63  }
0xc3: {  	_ =	swait.ge [sflag:s10], $0x2000  }
0xc4: {  	[sflag:s10] =	ssyncset.done $0x0  }
0xc5: {  	[sflag:s10] =	ssyncadd.s32 $0xFFFFE000  }
0xc6: {  	[tilespmem:s12], [sflag:$0x2] =	stream.linear.gather [hbm4b:s9+s6], $0x2000, $0x38;
	[tilespmem:$0x14000] =	vst v63  }
0xc7: {  	_ =	swait.ge [sflag:s18], $0x2000  }
0xc8: {  	[sflag:s18] =	ssyncset.done $0x0  }
0xc9: {  	s7 =	simm.s32 $0x100;
	[sflag:s18] =	ssyncadd.s32 $0xFFFFE000  }
0xca: {  	[spmem:s5] =	stream.indirect.scatter.add.f32 [tilespmem:s13], [sflag:$0x5], $0x80, s7, s16, $0xb8;
	[tilespmem:$0x14000] =	vst v63  }
0xcb: {  	_ =	swait.ge [sflag:s10], $0x2000  }
0xcc: {  	[sflag:s10] =	ssyncset.done $0x0  }
0xcd: {  	s8 =	rddreg [dreg:$0x1e];
	[sflag:s10] =	ssyncadd.s32 $0xFFFFE000  }
0xce: {  	[tilespmem:s13], [sflag:$0x3] =	stream.linear.gather [hbm4b:s8+s6], $0x2000, $0x38;
	[tilespmem:$0x14000] =	vst v63  }
0xcf: {  	_ =	swait.ge [sflag:s19], $0x2000  }
0xd0: {  	[sflag:s19] =	ssyncset.done $0x0  }
0xd1: {  	s26 =	simm.s32 $0x180;
	[sflag:s19] =	ssyncadd.s32 $0xFFFFE000  }
0xd2: {  	[spmem:s5] =	stream.indirect.scatter.add.f32 [tilespmem:s14], [sflag:$0x5], $0x80, s26, s16, $0xb8;
	[tilespmem:$0x14000] =	vst v63  }
0xd3: {  	s23 =	simm.s32 $0x800;
	s24 =	sadd.s32 $0x1000, s9;
	_ =	swait.ge [sflag:s10], $0x2000  }
0xd4: {  	s25 =	sadd.s32 $0x8000, s29;
	s7 =	sadd.s32 $0x1000, s31;
	[sflag:s10] =	ssyncset.done $0x0  }
0xd5: {  	s0 =	sadd.s32 $0x1000, s8;
	s26 =	smov.u32 s31;
	[sflag:s10] =	ssyncadd.s32 $0xFFFFE000  }
.LBB2_4:
0xd6: {  	[tilespmem:s14], [sflag:$0x4] =	stream.linear.gather [hbm4b:s26+s6], $0x2000, $0x38;
	[tilespmem:$0x14000] =	vst v63  }
0xd7: {  	s4 =	smov.u32 s23;
	s26 =	smov.u32 s7  }
0xd8: {  	p0 =	sne.s32 s23, $0xE800;
	s23 =	sadd.s32 $0x800, s23;
	_ =	swait.ge [sflag:s15], $0x2000  }
0xd9: {  	[sflag:s15] =	ssyncset.done $0x0  }
0xda: {  	s4 =	sshra.s32 s4, $0x2;
	[sflag:s15] =	ssyncadd.s32 $0xFFFFE000  }
0xdb: {  	[spmem:s5] =	stream.indirect.scatter.add.f32 [tilespmem:s11], [sflag:$0x5], $0x80, s4, s16, $0xb8;
	[tilespmem:$0x14000] =	vst v63  }
0xdc: {  	_ =	swait.ge [sflag:s10], $0x2000  }
0xdd: {  	s8 =	sshrl.u32 s25, $0x3;
	[sflag:s10] =	ssyncset.done $0x0  }
0xde: {  	s8 =	sadd.s32 s2, s8;
	[sflag:s10] =	ssyncadd.s32 $0xFFFFE000  }
0xdf: {  	[tilespmem:s11], [sflag:$0x1] =	stream.linear.gather [hbm4b:s8+s6], $0x2000, $0x38;
	[tilespmem:$0x14000] =	vst v63  }
0xe0: {  	_ =	swait.ge [sflag:s17], $0x2000  }
0xe1: {  	[sflag:s17] =	ssyncset.done $0x0  }
0xe2: {  	s8 =	sadd.s32 $0x80, s4;
	[sflag:s17] =	ssyncadd.s32 $0xFFFFE000  }
0xe3: {  	[spmem:s5] =	stream.indirect.scatter.add.f32 [tilespmem:s12], [sflag:$0x5], $0x80, s8, s16, $0xb8;
	[tilespmem:$0x14000] =	vst v63  }
0xe4: {  	_ =	swait.ge [sflag:s10], $0x2000  }
0xe5: {  	[sflag:s10] =	ssyncset.done $0x0  }
0xe6: {  	[sflag:s10] =	ssyncadd.s32 $0xFFFFE000  }
0xe7: {  	[tilespmem:s12], [sflag:$0x2] =	stream.linear.gather [hbm4b:s24+s6], $0x2000, $0x38;
	[tilespmem:$0x14000] =	vst v63  }
0xe8: {  	_ =	swait.ge [sflag:s18], $0x2000  }
0xe9: {  	[sflag:s18] =	ssyncset.done $0x0  }
0xea: {  	s8 =	sadd.s32 $0x100, s4;
	[sflag:s18] =	ssyncadd.s32 $0xFFFFE000  }
0xeb: {  	[spmem:s5] =	stream.indirect.scatter.add.f32 [tilespmem:s13], [sflag:$0x5], $0x80, s8, s16, $0xb8;
	[tilespmem:$0x14000] =	vst v63  }
0xec: {  	_ =	swait.ge [sflag:s10], $0x2000  }
0xed: {  	[sflag:s10] =	ssyncset.done $0x0  }
0xee: {  	[sflag:s10] =	ssyncadd.s32 $0xFFFFE000  }
0xef: {  	[tilespmem:s13], [sflag:$0x3] =	stream.linear.gather [hbm4b:s0+s6], $0x2000, $0x38;
	[tilespmem:$0x14000] =	vst v63  }
0xf0: {  	_ =	swait.ge [sflag:s19], $0x2000  }
0xf1: {  	[sflag:s19] =	ssyncset.done $0x0  }
.Ltmp1:
0xf2: {  	s4 =	sadd.s32 $0x180, s4;
	[sflag:s19] =	ssyncadd.s32 $0xFFFFE000;
	(pc) =	sbr.rel @p0 .LBB2_4-.Ltmp1, $4  }
0xf3: {  	[spmem:s5] =	stream.indirect.scatter.add.f32 [tilespmem:s14], [sflag:$0x5], $0x80, s4, s16, $0xb8;
	[tilespmem:$0x14000] =	vst v63  }
0xf4: {  	_ =	swait.ge [sflag:s10], $0x2000  }
0xf5: {  	s25 =	sadd.s32 $0x8000, s25;
	s24 =	sadd.s32 $0x1000, s24;
	[sflag:s10] =	ssyncset.done $0x0  }
0xf6: {  	s7 =	sadd.s32 $0x1000, s7;
	s0 =	sadd.s32 $0x1000, s0;
	[sflag:s10] =	ssyncadd.s32 $0xFFFFE000  }
0xf7: {  	[tilespmem:s14], [sflag:$0x4] =	stream.linear.gather [hbm4b:s26+s6], $0x2000, $0x38;
	[tilespmem:$0x14000] =	vst v63  }
0xf8: {  	_ =	swait.ge [sflag:s15], $0x2000  }
0xf9: {  	[sflag:s15] =	ssyncset.done $0x0  }
0xfa: {  	[sflag:s15] =	ssyncadd.s32 $0xFFFFE000  }
0xfb: {  	[spmem:s5] =	stream.indirect.scatter.add.f32 [tilespmem:s11], [sflag:$0x5], $0x80, s30, s16, $0xb8;
	[tilespmem:$0x14000] =	vst v63  }
0xfc: {  	_ =	swait.ge [sflag:s10], $0x2000  }
0xfd: {  	[sflag:s10] =	ssyncset.done $0x0  }
0xfe: {  	s0 =	rddreg [dreg:$0x17];
	[sflag:s10] =	ssyncadd.s32 $0xFFFFE000  }
0xff: {  	[tilespmem:s11], [sflag:$0x1] =	stream.linear.gather [hbm4b:s0+s6], $0x2000, $0x38;
	[tilespmem:$0x14000] =	vst v63  }
0x100: {  	_ =	swait.ge [sflag:s17], $0x2000  }
0x101: {  	[sflag:s17] =	ssyncset.done $0x0  }
0x102: {  	s25 =	simm.s32 $0x3C80;
	[sflag:s17] =	ssyncadd.s32 $0xFFFFE000  }
0x103: {  	[spmem:s5] =	stream.indirect.scatter.add.f32 [tilespmem:s12], [sflag:$0x5], $0x80, s25, s16, $0xb8;
	[tilespmem:$0x14000] =	vst v63  }
0x104: {  	_ =	swait.ge [sflag:s10], $0x2000  }
0x105: {  	[sflag:s10] =	ssyncset.done $0x0  }
0x106: {  	s26 =	rddreg [dreg:$0x19];
	[sflag:s10] =	ssyncadd.s32 $0xFFFFE000  }
0x107: {  	[tilespmem:s12], [sflag:$0x2] =	stream.linear.gather [hbm4b:s26+s6], $0x2000, $0x38;
	[tilespmem:$0x14000] =	vst v63  }
0x108: {  	_ =	swait.ge [sflag:s18], $0x2000  }
0x109: {  	[sflag:s18] =	ssyncset.done $0x0  }
0x10a: {  	s30 =	simm.s32 $0x3D00;
	[sflag:s18] =	ssyncadd.s32 $0xFFFFE000  }
0x10b: {  	[spmem:s5] =	stream.indirect.scatter.add.f32 [tilespmem:s13], [sflag:$0x5], $0x80, s30, s16, $0xb8;
	[tilespmem:$0x14000] =	vst v63  }
0x10c: {  	_ =	swait.ge [sflag:s10], $0x2000  }
0x10d: {  	[sflag:s10] =	ssyncset.done $0x0  }
0x10e: {  	s4 =	rddreg [dreg:$0x1b];
	[sflag:s10] =	ssyncadd.s32 $0xFFFFE000  }
0x10f: {  	[tilespmem:s13], [sflag:$0x3] =	stream.linear.gather [hbm4b:s4+s6], $0x2000, $0x38;
	[tilespmem:$0x14000] =	vst v63  }
0x110: {  	_ =	swait.ge [sflag:s19], $0x2000  }
0x111: {  	[sflag:s19] =	ssyncset.done $0x0  }
0x112: {  	s7 =	simm.s32 $0x3D80;
	[sflag:s19] =	ssyncadd.s32 $0xFFFFE000  }
0x113: {  	[spmem:s5] =	stream.indirect.scatter.add.f32 [tilespmem:s14], [sflag:$0x5], $0x80, s7, s16, $0xb8;
	[tilespmem:$0x14000] =	vst v63  }
0x114: {  	_ =	swait.ge [sflag:s10], $0x2000  }
0x115: {  	[sflag:s10] =	ssyncset.done $0x0  }
0x116: {  	[sflag:s10] =	ssyncadd.s32 $0xFFFFE000  }
0x117: {  	_ =	swait.ge [sflag:s15], $0x2000  }
0x118: {  	[sflag:s15] =	ssyncset.done $0x0  }
0x119: {  	s8 =	simm.s32 $0x3E00;
	[sflag:s15] =	ssyncadd.s32 $0xFFFFE000  }
0x11a: {  	[spmem:s5] =	stream.indirect.scatter.add.f32 [tilespmem:s11], [sflag:$0x5], $0x80, s8, s16, $0xb8;
	[tilespmem:$0x14000] =	vst v63  }
0x11b: {  	_ =	swait.ge [sflag:s10], $0x2000  }
0x11c: {  	[sflag:s10] =	ssyncset.done $0x0  }
0x11d: {  	[sflag:s10] =	ssyncadd.s32 $0xFFFFE000  }
0x11e: {  	_ =	swait.ge [sflag:s17], $0x2000  }
0x11f: {  	[sflag:s17] =	ssyncset.done $0x0  }
0x120: {  	s23 =	simm.s32 $0x3E80;
	[sflag:s17] =	ssyncadd.s32 $0xFFFFE000  }
0x121: {  	[spmem:s5] =	stream.indirect.scatter.add.f32 [tilespmem:s12], [sflag:$0x5], $0x80, s23, s16, $0xb8;
	[tilespmem:$0x14000] =	vst v63  }
0x122: {  	_ =	swait.ge [sflag:s10], $0x2000  }
0x123: {  	[sflag:s10] =	ssyncset.done $0x0  }
0x124: {  	[sflag:s10] =	ssyncadd.s32 $0xFFFFE000  }
0x125: {  	_ =	swait.ge [sflag:s18], $0x2000  }
0x126: {  	[sflag:s18] =	ssyncset.done $0x0  }
0x127: {  	s24 =	simm.s32 $0x3F00;
	[sflag:s18] =	ssyncadd.s32 $0xFFFFE000  }
0x128: {  	[spmem:s5] =	stream.indirect.scatter.add.f32 [tilespmem:s13], [sflag:$0x5], $0x80, s24, s16, $0xb8;
	[tilespmem:$0x14000] =	vst v63  }
0x129: {  	_ =	swait.ge [sflag:s10], $0x2000  }
0x12a: {  	[sflag:s10] =	ssyncset.done $0x0  }
0x12b: {  	s25 =	rddreg [dreg:$0x13];
	[sflag:s10] =	ssyncadd.s32 $0xFFFFE000  }
0x12c: {  	[hbm:s25], [sflag:s20] =	dma.local [spmem:s21], $0x800  }
0x12d: {  	_ =	swait.ge [sflag:s10], $0x800  }
0x12e: {  	[sflag:s10] =	ssyncset.done $0x0  }
0x12f: {  	s26 =	rddreg [dreg:$0x14];
	[sflag:s10] =	ssyncadd.s32 $0xFFFFF800  }
0x130: {  	[hbm:s26], [sflag:s20] =	dma.local [spmem:s22], $0x800  }
0x131: {  	_ =	swait.ge [sflag:s10], $0x800  }
0x132: {  	s28 =	sadd.s32 $0x1, s28;
	s30 =	rddreg [dreg:$0x15]  }
0x133: {  	p0 =	sne.s32 s28, s30  }
.Ltmp2:
0x134: {  	_ = 	snop;
	(pc) =	sbr.rel @p0 .LBB2_1-.Ltmp2, $3  }
0x135: {  	_ =	sdelay $0x1  }
0x136: {  	[sflag:s10] =	ssyncset.done $0x0  }
0x137: {  	[sflag:s10] =	ssyncadd.s32 $0xFFFFF800  }
0x138: {  	_ =	sfence.sel $0x180000  }
0x139: {  	[bflag:$0x0] =	sbarrier.arrive $0xFFFF  }
0x13a: {  	_ =	strace $0x90000047  }
0x13b: {  	s0 =	stileid.u32;
	[bflag:$0x2] =	sbarrier.arrive $0xFFFF  }
0x13c: {  	p0 =	sne.s32 s0, $0x0;
	s0 =	rddreg [dreg:$0x6]  }
0x13d: {  	s0 =	sadd.s32 @!p0 $0x100000, s0  }
0x13e: {  	[sflag:s0] =	ssyncadd.tile.s32 @!p0 $0x1;
	_ =	shalt  }
.Lfunc_end2:
_tile_overlayer_lowered:
.L_overlay_start_2:
0x13f: {  	(tag) =	ssettag $0x2  }
0x140: {  	s0 =	rddreg [dreg:$0x0];
	s2 =	stileid.u32  }
0x141: {  	s1 =	rddreg [dreg:$0x1];
	p0 =	sne.s32 s2, $0x0  }
0x142: {  	s3 =	rddreg [dreg:$0x2];
	[bflag:$0x3] =	sbarrier.arrive $0xFFFF;
	s2 =	simm.s32 @!p0 $0x1C05  }
0x143: {  	[timem:s3], [sflag:s2] =	dma.local @!p0 [hbm:s0], s1  }
0x144: {  	s0 =	simm.s32 @!p0 $0x5  }
0x145: {  	_ =	swait.ge @!p0 [sflag:s0], s1  }
0x146: {  	s1 =	ssub.s32 @!p0 $0x0, s1;
	[sflag:s0] =	ssyncset.done @!p0 $0x0  }
0x147: {  	[sflag:s0] =	ssyncadd.s32 @!p0 s1  }
0x148: {  	[bflag:$0x3] =	sbarrier.arrive $0xFFFF  }
0x149: {  	_ =	shalt  }

</sc_bundles>
